<compile_context>
chip_gen: v7x
topology: tpu7x:2x2x1
jax: 0.10.2.dev20260603
libtpu: 0.0.44.dev20260713+nightly
codegen_flags: <defaults>
</compile_context>

<pallas_src>
import functools

import jax
import jax.numpy as jnp
from jax import lax
from jax.experimental import pallas as pl
from jax.experimental.pallas import tpu as pltpu
from jax.experimental.pallas import tpu_sc as plsc

E = 320000
T = 160000
N3 = 3 * T
H = 64

NC = 2
NS = 16
NW = NC * NS
CH = 128
NCH = 118
NP = NW * NCH * CH
ESH = E // NS
EW = E // NW


@functools.lru_cache(maxsize=None)
def _mesh():
    return plsc.VectorSubcoreMesh(
        core_axis_name="c", subcore_axis_name="s", num_cores=NC, num_subcores=NS)


def _zero_vmem(z_v, n):
    @pl.loop(0, n // 16)
    def _(k):
        z_v[pl.ds(k * 16, 16)] = jnp.zeros((16,), jnp.float32)


def _gather2_body(idx_hbm, ta_hbm, tb_hbm, outa_hbm, outb_hbm,
                  idx_v, a_v, b_v, s_v, ta_sh, tb_sh, sem_i, sem_a, sem_b):
    cid = lax.axis_index("c")
    sid = lax.axis_index("s")
    wid = sid * NC + cid
    sl = pl.ds(sid * ESH, ESH)

    idx_cp = pltpu.async_copy(idx_hbm.at[wid], idx_v, sem_i)
    pltpu.async_copy(ta_hbm.at[sl], s_v, sem_a).wait()
    pltpu.async_copy(s_v, ta_sh.at[sl], sem_a).wait()
    pltpu.async_copy(tb_hbm.at[sl], s_v, sem_b).wait()
    pltpu.async_copy(s_v, tb_sh.at[sl], sem_b).wait()
    idx_cp.wait()
    plsc.subcore_barrier()

    def start(j):
        pltpu.async_copy(ta_sh.at[idx_v.at[j]], a_v.at[j], sem_a)
        pltpu.async_copy(tb_sh.at[idx_v.at[j]], b_v.at[j], sem_b)

    def drain(j):
        pltpu.make_async_copy(ta_sh.at[idx_v.at[j]], a_v.at[j], sem_a).wait()
        pltpu.make_async_copy(tb_sh.at[idx_v.at[j]], b_v.at[j], sem_b).wait()

    start(0)

    @pl.loop(0, NCH - 1)
    def _(j):
        start(j + 1)
        drain(j)

    drain(NCH - 1)
    pltpu.async_copy(a_v, outa_hbm.at[wid], sem_a).wait()
    pltpu.async_copy(b_v, outb_hbm.at[wid], sem_b).wait()


@functools.lru_cache(maxsize=None)
def _gather2_kernel():
    return pl.kernel(
        _gather2_body,
        out_type=[jax.ShapeDtypeStruct((NW, NCH, CH), jnp.float32)] * 2,
        mesh=_mesh(),
        scratch_types=[
            pltpu.VMEM((NCH, CH), jnp.int32),
            pltpu.VMEM((NCH, CH), jnp.float32),
            pltpu.VMEM((NCH, CH), jnp.float32),
            pltpu.VMEM((ESH,), jnp.float32),
            pltpu.VMEM_SHARED((E,), jnp.float32),
            pltpu.VMEM_SHARED((E,), jnp.float32),
            pltpu.SemaphoreType.DMA,
            pltpu.SemaphoreType.DMA,
            pltpu.SemaphoreType.DMA,
        ],
    )


def _gather2(idx3, ta, tb):
    return _gather2_kernel()(idx3, ta, tb)


def _scatter_body(idx_hbm, val_hbm, out_hbm, idx_v, val_v, z_v, acc_sh, sem):
    cid = lax.axis_index("c")
    sid = lax.axis_index("s")
    wid = sid * NC + cid

    _zero_vmem(z_v, ESH)
    pltpu.async_copy(z_v, acc_sh.at[pl.ds(sid * ESH, ESH)], sem).wait()
    pltpu.async_copy(idx_hbm.at[wid], idx_v, sem).wait()
    pltpu.async_copy(val_hbm.at[wid], val_v, sem).wait()
    plsc.subcore_barrier()

    @pl.loop(0, NCH)
    def _(j):
        pltpu.sync_copy(val_v.at[j], acc_sh.at[idx_v.at[j]], add=True)

    plsc.subcore_barrier()
    pltpu.async_copy(acc_sh.at[pl.ds(sid * ESH, ESH)], z_v, sem).wait()
    pltpu.async_copy(
        z_v, out_hbm.at[pl.ds(cid * E + sid * ESH, ESH)], sem).wait()


@functools.lru_cache(maxsize=None)
def _scatter_add_kernel():
    return pl.kernel(
        _scatter_body,
        out_type=jax.ShapeDtypeStruct((NC * E,), jnp.float32),
        mesh=_mesh(),
        scratch_types=[
            pltpu.VMEM((NCH, CH), jnp.int32),
            pltpu.VMEM((NCH, CH), jnp.float32),
            pltpu.VMEM((ESH,), jnp.float32),
            pltpu.VMEM_SHARED((E,), jnp.float32),
            pltpu.SemaphoreType.DMA,
        ],
    )


def _combine_sc_body(p_hbm, ec_hbm, cnt_hbm, out_hbm,
                     p0_v, p1_v, ec_v, cnt_v, sem):
    cid = lax.axis_index("c")
    sid = lax.axis_index("s")
    wid = sid * NC + cid
    sl = pl.ds(wid * EW, EW)

    cp0 = pltpu.async_copy(p_hbm.at[pl.ds(wid * EW, EW)], p0_v, sem)
    cp1 = pltpu.async_copy(p_hbm.at[pl.ds(E + wid * EW, EW)], p1_v, sem)
    cpe = pltpu.async_copy(ec_hbm.at[sl], ec_v, sem)
    cpc = pltpu.async_copy(cnt_hbm.at[sl], cnt_v, sem)
    cp0.wait()
    cp1.wait()
    cpe.wait()
    cpc.wait()

    @pl.loop(0, EW // 16)
    def _(k):
        s16 = pl.ds(k * 16, 16)
        ec_v[s16] = (jnp.where(cnt_v[s16] > 0, 0.0, ec_v[s16])
                     + p0_v[s16] + p1_v[s16])

    pltpu.async_copy(ec_v, out_hbm.at[sl], sem).wait()


@functools.lru_cache(maxsize=None)
def _combine_sc_kernel():
    return pl.kernel(
        _combine_sc_body,
        out_type=jax.ShapeDtypeStruct((E,), jnp.float32),
        mesh=_mesh(),
        scratch_types=[
            pltpu.VMEM((EW,), jnp.float32),
            pltpu.VMEM((EW,), jnp.float32),
            pltpu.VMEM((EW,), jnp.float32),
            pltpu.VMEM((EW,), jnp.int32),
            pltpu.SemaphoreType.DMA,
        ],
    )


def _mlp_t(h, w1g, b1, w2g, b2):
    ones_row = jnp.ones((1, H), jnp.float32)
    for wg, b in ((w1g, b1), (w2g, b2)):
        m = jnp.dot(ones_row, h * h, preferred_element_type=jnp.float32) * (1.0 / H)
        rs = lax.rsqrt(m + 1e-6)
        y = jnp.maximum(
            jnp.dot(wg[...], h, preferred_element_type=jnp.float32) * rs + b[...],
            0.0)
        h = h + y
    return h


def _e2t_body(ec_ref, cnt_ref, lagr_ref,
              w0t, b0, w1g, b1, w2g, b2, wout, bout, e_ref):
    w0 = w0t[...]
    h = (w0[:, 0:1] * ec_ref[...] + w0[:, 1:2] * cnt_ref[...]
         + w0[:, 2:3] * lagr_ref[...] + b0[...])
    h = _mlp_t(h, w1g, b1, w2g, b2)
    logits = (jnp.dot(wout[...], h, preferred_element_type=jnp.float32)
              + bout[...])
    e = jnp.exp(jnp.clip(logits, -60.0, 60.0))
    col = (pl.program_id(0) * RB_E2T
           + lax.broadcasted_iota(jnp.int32, (1, RB_E2T), 1))
    e_ref[...] = jnp.where(col < N3, e, 0.0)


def _t2e_body(e12, e13, e23, a12, a13, a23, p12, p13, p23, q12, q13, q23,
              t12, t13, t23,
              w0t, b0, w1g, b1, w2g, b2, wout, bout,
              t12_o, t13_o, t23_o, d12_o, d13_o, d23_o):
    tu = []
    for e_r, a_r, p_r, q_r, t_r in ((e12, a12, p12, q12, t12),
                                    (e13, a13, p13, q13, t13),
                                    (e23, a23, p23, q23, t23)):
        w = e_r[...] / (p_r[...] + q_r[...])
        tu.append(t_r[...] + a_r[...] * w)
    w0 = w0t[...]
    h = (w0[:, 0:1] * tu[0] + w0[:, 1:2] * tu[1] + w0[:, 2:3] * tu[2] + b0[...])
    h = _mlp_t(h, w1g, b1, w2g, b2)
    delta = (jnp.dot(wout[...], h, preferred_element_type=jnp.float32)
             + bout[...])
    for k, (tu_k, to_ref, d_ref) in enumerate(
            ((tu[0], t12_o, d12_o), (tu[1], t13_o, d13_o), (tu[2], t23_o, d23_o))):
        d_k = delta[k:k + 1, :]
        d_ref[...] = d_k
        to_ref[...] = tu_k - d_k


def _row_spec(rb):
    return pl.BlockSpec((1, rb), lambda i: (0, i))


def _third_spec(rb, k):
    nb = T // rb
    return pl.BlockSpec((1, rb), lambda i, _k=k, _nb=nb: (0, _k * _nb + i))


def _full_spec(shape):
    return pl.BlockSpec(shape, lambda i: (0,) * len(shape))


RB_E2T = 15104
RB_T2E = 16000


def _prep_mlp_weights(W0, b0, g1, W1, b1, g2, W2, b2, Wout, bout):
    return (W0.T, b0.reshape(H, 1), W1.T * g1[None, :], b1.reshape(H, 1),
            W2.T * g2[None, :], b2.reshape(H, 1), Wout.T,
            bout.reshape(-1, 1))


def _weight_specs(ws):
    return [_full_spec(w.shape) for w in ws]


@jax.jit
def _run(edge_costs, t12_costs, t13_costs, t23_costs,
         tri_corr_12, tri_corr_13, tri_corr_23, edge_counter,
         e2t_w, t2e_w):
    pad_idx = (jnp.arange(NP - N3, dtype=jnp.int32) * 641) % E
    idx3 = jnp.concatenate(
        [tri_corr_12, tri_corr_13, tri_corr_23, pad_idx]).reshape(NW, NCH, CH)
    cnt_f = edge_counter.astype(jnp.float32)

    ecg3, cntg3 = _gather2(idx3, edge_costs, cnt_f)
    ec_g = ecg3.reshape(1, NP)
    cnt_g = cntg3.reshape(1, NP)
    lagr = jnp.concatenate(
        [t12_costs, t13_costs, t23_costs,
         jnp.zeros((NP - N3,), jnp.float32)]).reshape(1, NP)

    e2t_ws = _prep_mlp_weights(*e2t_w)
    e_row = pl.pallas_call(
        _e2t_body,
        grid=(NP // RB_E2T,),
        in_specs=[_row_spec(RB_E2T)] * 3 + _weight_specs(e2t_ws),
        out_specs=_row_spec(RB_E2T),
        out_shape=jax.ShapeDtypeStruct((1, NP), jnp.float32),
    )(ec_g, cnt_g, lagr, *e2t_ws)
    dpart = _scatter_add_kernel()(
        idx3, e_row.reshape(NW, NCH, CH)).reshape(NC, E)

    dg03, dg13 = _gather2(idx3, dpart[0], dpart[1])
    dg0 = dg03.reshape(1, NP)
    dg1 = dg13.reshape(1, NP)

    t2e_ws = _prep_mlp_weights(*t2e_w)
    thirds = lambda: [_third_spec(RB_T2E, k) for k in range(3)]
    outs = pl.pallas_call(
        _t2e_body,
        grid=(T // RB_T2E,),
        in_specs=(thirds() + thirds() + thirds() + thirds() + thirds()
                  + _weight_specs(t2e_ws)),
        out_specs=[_row_spec(RB_T2E)] * 6,
        out_shape=[jax.ShapeDtypeStruct((1, T), jnp.float32)] * 6,
    )(e_row, e_row, e_row, ec_g, ec_g, ec_g, dg0, dg0, dg0, dg1, dg1, dg1,
      lagr, lagr, lagr, *t2e_ws)
    t12_o, t13_o, t23_o, d12, d13, d23 = outs

    dvals = jnp.concatenate(
        [d12.reshape(T), d13.reshape(T), d23.reshape(T),
         jnp.zeros((NP - N3,), jnp.float32)]).reshape(NW, NCH, CH)
    eupart = _scatter_add_kernel()(idx3, dvals)
    ec_o = _combine_sc_kernel()(eupart, edge_costs, edge_counter)

    return (ec_o, t12_o.reshape(T), t13_o.reshape(T), t23_o.reshape(T))


def kernel(edge_costs, t12_costs, t13_costs, t23_costs,
           tri_corr_12, tri_corr_13, tri_corr_23, edge_counter,
           e2t_W0, e2t_b0, e2t_g1, e2t_W1, e2t_b1, e2t_g2, e2t_W2, e2t_b2,
           e2t_Wout, e2t_bout,
           t2e_W0, t2e_b0, t2e_g1, t2e_W1, t2e_b1, t2e_g2, t2e_W2, t2e_b2,
           t2e_Wout, t2e_bout):
    e2t_w = (e2t_W0, e2t_b0, e2t_g1, e2t_W1, e2t_b1, e2t_g2, e2t_W2, e2t_b2,
             e2t_Wout, e2t_bout)
    t2e_w = (t2e_W0, t2e_b0, t2e_g1, t2e_W1, t2e_b1, t2e_g2, t2e_W2, t2e_b2,
             t2e_Wout, t2e_bout)
    return _run(edge_costs, t12_costs, t13_costs, t23_costs,
                tri_corr_12, tri_corr_13, tri_corr_23, edge_counter,
                e2t_w, t2e_w)

# --- scband reference (transcript-rebuilt; emitter-appended) ---
"""Pipeline reference for scband-mlpmessage-passing-1778116461009 (READ-ONLY COPY).

The authoritative reference and input builder live on the scoring server;
editing this copy changes nothing except your own understanding.
"""

import jax, jax.numpy as jnp
import numpy as np

H = 64
E = 320000
T = 160000

def _mlp(x, W0, b0, g1, W1, b1, g2, W2, b2, Wout, bout):
    h = x @ W0 + b0
    for g, W, b in ((g1, W1, b1), (g2, W2, b2)):
        y = h * jax.lax.rsqrt(jnp.mean(h * h, axis=-1, keepdims=True) + 1e-6) * g
        y = jnp.maximum(y @ W + b, 0.0)
        h = h + y
    return h @ Wout + bout

def _scatter_softmax(logits, seg, num_segments):
    m = jax.ops.segment_max(logits, seg, num_segments=num_segments)
    m = jnp.where(jnp.isfinite(m), m, 0.0)
    e = jnp.exp(logits - m[seg])
    d = jax.ops.segment_sum(e, seg, num_segments=num_segments)
    return e / d[seg]

def setup_inputs(seed: int = 0):
    key = jax.random.key(seed)
    ks = jax.random.split(key, 40)
    std = 0.02
    inp = {}
    inp["edge_costs"] = jax.random.normal(ks[0], (E,), dtype=jnp.float32)
    inp["t12_costs"] = jax.random.normal(ks[1], (T,), dtype=jnp.float32)
    inp["t13_costs"] = jax.random.normal(ks[2], (T,), dtype=jnp.float32)
    inp["t23_costs"] = jax.random.normal(ks[3], (T,), dtype=jnp.float32)
    inp["tri_corr_12"] = jax.random.randint(ks[4], (T,), 0, E, dtype=jnp.int32)
    inp["tri_corr_13"] = jax.random.randint(ks[5], (T,), 0, E, dtype=jnp.int32)
    inp["tri_corr_23"] = jax.random.randint(ks[6], (T,), 0, E, dtype=jnp.int32)
    inp["edge_counter"] = jax.random.randint(ks[7], (E,), 0, 16, dtype=jnp.int32)
    i = 8
    for pfx, out_dim in (("e2t", 1), ("t2e", 3)):
        inp[pfx + "_W0"] = jax.random.normal(ks[i], (3, H), dtype=jnp.float32) * std; i += 1
        inp[pfx + "_b0"] = jnp.zeros((H,), dtype=jnp.float32)
        inp[pfx + "_g1"] = jnp.ones((H,), dtype=jnp.float32)
        inp[pfx + "_W1"] = jax.random.normal(ks[i], (H, H), dtype=jnp.float32) * std; i += 1
        inp[pfx + "_b1"] = jnp.zeros((H,), dtype=jnp.float32)
        inp[pfx + "_g2"] = jnp.ones((H,), dtype=jnp.float32)
        inp[pfx + "_W2"] = jax.random.normal(ks[i], (H, H), dtype=jnp.float32) * std; i += 1
        inp[pfx + "_b2"] = jnp.zeros((H,), dtype=jnp.float32)
        inp[pfx + "_Wout"] = jax.random.normal(ks[i], (H, out_dim), dtype=jnp.float32) * std; i += 1
        inp[pfx + "_bout"] = jnp.zeros((out_dim,), dtype=jnp.float32)
    return inp

def reference(edge_costs, t12_costs, t13_costs, t23_costs, tri_corr_12, tri_corr_13, tri_corr_23, edge_counter,
              e2t_W0, e2t_b0, e2t_g1, e2t_W1, e2t_b1, e2t_g2, e2t_W2, e2t_b2, e2t_Wout, e2t_bout,
              t2e_W0, t2e_b0, t2e_g1, t2e_W1, t2e_b1, t2e_g2, t2e_W2, t2e_b2, t2e_Wout, t2e_bout):
    triangle_ids = jnp.arange(T)
    edge_ids_all = jnp.concatenate([tri_corr_12, tri_corr_13, tri_corr_23])
    lagr = jnp.concatenate([t12_costs, t13_costs, t23_costs])
    ec_g = edge_costs[edge_ids_all]
    feats = jnp.stack([ec_g, edge_counter[edge_ids_all].astype(jnp.float32), lagr], axis=1)
    logits = _mlp(feats, e2t_W0, e2t_b0, e2t_g1, e2t_W1, e2t_b1, e2t_g2, e2t_W2, e2t_b2, e2t_Wout, e2t_bout)[:, 0]
    weights = _scatter_softmax(logits, edge_ids_all, E)
    contrib = ec_g * weights
    t12_u = t12_costs.at[triangle_ids].add(contrib[:T])
    t13_u = t13_costs.at[triangle_ids].add(contrib[T:2 * T])
    t23_u = t23_costs.at[triangle_ids].add(contrib[2 * T:])
    edge_costs_z = jnp.where(edge_counter > 0, 0.0, edge_costs)
    tri_feats = jnp.stack([t12_u, t13_u, t23_u], axis=1)
    delta = _mlp(tri_feats, t2e_W0, t2e_b0, t2e_g1, t2e_W1, t2e_b1, t2e_g2, t2e_W2, t2e_b2, t2e_Wout, t2e_bout)
    t12_o = t12_u - delta[:, 0]
    t13_o = t13_u - delta[:, 1]
    t23_o = t23_u - delta[:, 2]
    edge_updates = jnp.zeros_like(edge_costs_z).at[tri_corr_12].add(delta[:, 0]).at[tri_corr_13].add(delta[:, 1]).at[tri_corr_23].add(delta[:, 2])
    edge_costs_o = edge_costs_z + edge_updates
    return (edge_costs_o, t12_o, t13_o, t23_o)

if __name__ == "__main__":
    import jax
    _d = setup_inputs()
    print(jax.jit(kernel)(*tuple(_d.values())))

</pallas_src>

<mosaic_0001>
#map = affine_map<(d0, d1) -> (0, 0, 0)>
#map1 = affine_map<(d0, d1) -> (0)>
module attributes {stable_mosaic.version = 14 : i64} {
  func.func @_gather2_body(%arg0: i32, %arg1: i32, %arg2: memref<32x118x128xi32, #tpu.memory_space<hbm>>, %arg3: memref<320000xf32, #tpu.memory_space<hbm>>, %arg4: memref<320000xf32, #tpu.memory_space<hbm>>, %arg5: memref<32x118x128xf32, #tpu.memory_space<hbm>>, %arg6: memref<32x118x128xf32, #tpu.memory_space<hbm>>, %arg7: memref<118x128xi32, #tpu.memory_space<vmem>>, %arg8: memref<118x128xf32, #tpu.memory_space<vmem>>, %arg9: memref<118x128xf32, #tpu.memory_space<vmem>>, %arg10: memref<20000xf32, #tpu.memory_space<vmem>>, %arg11: memref<320000xf32, #tpu.memory_space<vmem_shared>>, %arg12: memref<320000xf32, #tpu.memory_space<vmem_shared>>, %arg13: memref<!tpu.dma_semaphore, #tpu.memory_space<semaphore_mem>>, %arg14: memref<!tpu.dma_semaphore, #tpu.memory_space<semaphore_mem>>, %arg15: memref<!tpu.dma_semaphore, #tpu.memory_space<semaphore_mem>>) attributes {dimension_semantics = [#tpu.dimension_semantics<core_parallel>, #tpu.dimension_semantics<subcore_parallel>], iteration_bounds = array<i64: 2, 16>, scalar_prefetch = 0 : i64, scratch_operands = 9 : i64, tpu.core_type = #tpu.core_type<sc_vector_subcore>, window_params = [{transform_indices = #map}, {transform_indices = #map1}, {transform_indices = #map1}, {transform_indices = #map}, {transform_indices = #map}]} {
    %mul3A = arith.constant 2 : i32
    %mul3A_0 = arith.muli %arg1, %mul3A : i32
    %add3A = arith.addi %mul3A_0, %arg0 : i32
    %mul3A_1 = arith.constant 20000 : i32
    %mul3A_2 = arith.muli %arg1, %mul3A_1 : i32
    %dma_start3A = arith.constant 0 : i32
    %dma_start3A_3 = arith.constant 0 : i32
    %dma_start3A_4 = tpu.memref_slice %arg2[%add3A, %dma_start3A, %dma_start3A_3] : memref<32x118x128xi32, #tpu.memory_space<hbm>> -> memref<1x118x128xi32, #tpu.memory_space<hbm>>
    %dma_start3A_5 = tpu.memref_squeeze %dma_start3A_4 : memref<1x118x128xi32, #tpu.memory_space<hbm>> -> memref<118x128xi32, #tpu.memory_space<hbm>>
    %dma_start3A_6 = arith.constant 0 : i32
    %dma_start3A_7 = arith.constant 0 : i32
    %dma_start3A_8 = tpu.memref_slice %arg2[%add3A, %dma_start3A_6, %dma_start3A_7] : memref<32x118x128xi32, #tpu.memory_space<hbm>> -> memref<1x118x128xi32, #tpu.memory_space<hbm>>
    %dma_start3A_9 = tpu.memref_squeeze %dma_start3A_8 : memref<1x118x128xi32, #tpu.memory_space<hbm>> -> memref<118x128xi32, #tpu.memory_space<hbm>>
    tpu.enqueue_dma source(%dma_start3A_9 : memref<118x128xi32, #tpu.memory_space<hbm>>) target(%arg7 : memref<118x128xi32, #tpu.memory_space<vmem>>) target_semaphore(%arg13 : memref<!tpu.dma_semaphore, #tpu.memory_space<semaphore_mem>>)
    %dma_start3A_10 = tpu.memref_slice %arg3[%mul3A_2] : memref<320000xf32, #tpu.memory_space<hbm>> -> memref<20000xf32, #tpu.memory_space<hbm>>
    %dma_start3A_11 = tpu.memref_slice %arg3[%mul3A_2] : memref<320000xf32, #tpu.memory_space<hbm>> -> memref<20000xf32, #tpu.memory_space<hbm>>
    tpu.enqueue_dma source(%dma_start3A_11 : memref<20000xf32, #tpu.memory_space<hbm>>) target(%arg10 : memref<20000xf32, #tpu.memory_space<vmem>>) target_semaphore(%arg14 : memref<!tpu.dma_semaphore, #tpu.memory_space<semaphore_mem>>)
    %dma_wait3A = tpu.memref_slice %arg3[%mul3A_2] : memref<320000xf32, #tpu.memory_space<hbm>> -> memref<20000xf32, #tpu.memory_space<hbm>>
    %dma_wait3A_12 = tpu.memref_slice %arg3[%mul3A_2] : memref<320000xf32, #tpu.memory_space<hbm>> -> memref<20000xf32, #tpu.memory_space<hbm>>
    tpu.wait_dma2 semaphore(%arg14 : memref<!tpu.dma_semaphore, #tpu.memory_space<semaphore_mem>>) src(%dma_wait3A_12 : memref<20000xf32, #tpu.memory_space<hbm>>) dst(%arg10 : memref<20000xf32, #tpu.memory_space<vmem>>)
    %dma_start3A_13 = tpu.memref_slice %arg11[%mul3A_2] : memref<320000xf32, #tpu.memory_space<vmem_shared>> -> memref<20000xf32, #tpu.memory_space<vmem_shared>>
    %dma_start3A_14 = tpu.memref_slice %arg11[%mul3A_2] : memref<320000xf32, #tpu.memory_space<vmem_shared>> -> memref<20000xf32, #tpu.memory_space<vmem_shared>>
    tpu.enqueue_dma source(%arg10 : memref<20000xf32, #tpu.memory_space<vmem>>) target(%dma_start3A_14 : memref<20000xf32, #tpu.memory_space<vmem_shared>>) target_semaphore(%arg14 : memref<!tpu.dma_semaphore, #tpu.memory_space<semaphore_mem>>)
    %dma_wait3A_15 = tpu.memref_slice %arg11[%mul3A_2] : memref<320000xf32, #tpu.memory_space<vmem_shared>> -> memref<20000xf32, #tpu.memory_space<vmem_shared>>
    %dma_wait3A_16 = tpu.memref_slice %arg11[%mul3A_2] : memref<320000xf32, #tpu.memory_space<vmem_shared>> -> memref<20000xf32, #tpu.memory_space<vmem_shared>>
    tpu.wait_dma2 semaphore(%arg14 : memref<!tpu.dma_semaphore, #tpu.memory_space<semaphore_mem>>) src(%arg10 : memref<20000xf32, #tpu.memory_space<vmem>>) dst(%dma_wait3A_16 : memref<20000xf32, #tpu.memory_space<vmem_shared>>)
    %dma_start3A_17 = tpu.memref_slice %arg4[%mul3A_2] : memref<320000xf32, #tpu.memory_space<hbm>> -> memref<20000xf32, #tpu.memory_space<hbm>>
    %dma_start3A_18 = tpu.memref_slice %arg4[%mul3A_2] : memref<320000xf32, #tpu.memory_space<hbm>> -> memref<20000xf32, #tpu.memory_space<hbm>>
    tpu.enqueue_dma source(%dma_start3A_18 : memref<20000xf32, #tpu.memory_space<hbm>>) target(%arg10 : memref<20000xf32, #tpu.memory_space<vmem>>) target_semaphore(%arg15 : memref<!tpu.dma_semaphore, #tpu.memory_space<semaphore_mem>>)
    %dma_wait3A_19 = tpu.memref_slice %arg4[%mul3A_2] : memref<320000xf32, #tpu.memory_space<hbm>> -> memref<20000xf32, #tpu.memory_space<hbm>>
    %dma_wait3A_20 = tpu.memref_slice %arg4[%mul3A_2] : memref<320000xf32, #tpu.memory_space<hbm>> -> memref<20000xf32, #tpu.memory_space<hbm>>
    tpu.wait_dma2 semaphore(%arg15 : memref<!tpu.dma_semaphore, #tpu.memory_space<semaphore_mem>>) src(%dma_wait3A_20 : memref<20000xf32, #tpu.memory_space<hbm>>) dst(%arg10 : memref<20000xf32, #tpu.memory_space<vmem>>)
    %dma_start3A_21 = tpu.memref_slice %arg12[%mul3A_2] : memref<320000xf32, #tpu.memory_space<vmem_shared>> -> memref<20000xf32, #tpu.memory_space<vmem_shared>>
    %dma_start3A_22 = tpu.memref_slice %arg12[%mul3A_2] : memref<320000xf32, #tpu.memory_space<vmem_shared>> -> memref<20000xf32, #tpu.memory_space<vmem_shared>>
    tpu.enqueue_dma source(%arg10 : memref<20000xf32, #tpu.memory_space<vmem>>) target(%dma_start3A_22 : memref<20000xf32, #tpu.memory_space<vmem_shared>>) target_semaphore(%arg15 : memref<!tpu.dma_semaphore, #tpu.memory_space<semaphore_mem>>)
    %dma_wait3A_23 = tpu.memref_slice %arg12[%mul3A_2] : memref<320000xf32, #tpu.memory_space<vmem_shared>> -> memref<20000xf32, #tpu.memory_space<vmem_shared>>
    %dma_wait3A_24 = tpu.memref_slice %arg12[%mul3A_2] : memref<320000xf32, #tpu.memory_space<vmem_shared>> -> memref<20000xf32, #tpu.memory_space<vmem_shared>>
    tpu.wait_dma2 semaphore(%arg15 : memref<!tpu.dma_semaphore, #tpu.memory_space<semaphore_mem>>) src(%arg10 : memref<20000xf32, #tpu.memory_space<vmem>>) dst(%dma_wait3A_24 : memref<20000xf32, #tpu.memory_space<vmem_shared>>)
    %dma_wait3A_25 = arith.constant 0 : i32
    %dma_wait3A_26 = arith.constant 0 : i32
    %dma_wait3A_27 = tpu.memref_slice %arg2[%add3A, %dma_wait3A_25, %dma_wait3A_26] : memref<32x118x128xi32, #tpu.memory_space<hbm>> -> memref<1x118x128xi32, #tpu.memory_space<hbm>>
    %dma_wait3A_28 = tpu.memref_squeeze %dma_wait3A_27 : memref<1x118x128xi32, #tpu.memory_space<hbm>> -> memref<118x128xi32, #tpu.memory_space<hbm>>
    %dma_wait3A_29 = arith.constant 0 : i32
    %dma_wait3A_30 = arith.constant 0 : i32
    %dma_wait3A_31 = tpu.memref_slice %arg2[%add3A, %dma_wait3A_29, %dma_wait3A_30] : memref<32x118x128xi32, #tpu.memory_space<hbm>> -> memref<1x118x128xi32, #tpu.memory_space<hbm>>
    %dma_wait3A_32 = tpu.memref_squeeze %dma_wait3A_31 : memref<1x118x128xi32, #tpu.memory_space<hbm>> -> memref<118x128xi32, #tpu.memory_space<hbm>>
    tpu.wait_dma2 semaphore(%arg13 : memref<!tpu.dma_semaphore, #tpu.memory_space<semaphore_mem>>) src(%dma_wait3A_32 : memref<118x128xi32, #tpu.memory_space<hbm>>) dst(%arg7 : memref<118x128xi32, #tpu.memory_space<vmem>>)
    %barrier3A = arith.constant 0 : index
    tpu.barrier barrier_id(%barrier3A)
    %dma_start3A_33 = arith.constant 0 : i32
    %dma_start3A_34 = arith.constant 0 : i32
    %dma_start3A_35 = arith.constant 0 : i32
    %dma_start3A_36 = tpu.memref_slice %arg8[%dma_start3A_34, %dma_start3A_35] : memref<118x128xf32, #tpu.memory_space<vmem>> -> memref<1x128xf32, #tpu.memory_space<vmem>>
    %dma_start3A_37 = tpu.memref_squeeze %dma_start3A_36 : memref<1x128xf32, #tpu.memory_space<vmem>> -> memref<128xf32, #tpu.memory_space<vmem>>
    %dma_start3A_38 = arith.constant 0 : i32
    %dma_start3A_39 = tpu.memref_slice %arg7[%dma_start3A_33, %dma_start3A_38] : memref<118x128xi32, #tpu.memory_space<vmem>> -> memref<1x128xi32, #tpu.memory_space<vmem>>
    %dma_start3A_40 = tpu.memref_squeeze %dma_start3A_39 : memref<1x128xi32, #tpu.memory_space<vmem>> -> memref<128xi32, #tpu.memory_space<vmem>>
    %dma_start3A_41 = arith.constant 0 : i32
    %dma_start3A_42 = tpu.memref_slice %arg11[%dma_start3A_41] : memref<320000xf32, #tpu.memory_space<vmem_shared>> -> memref<320000xf32, #tpu.memory_space<vmem_shared>>
    tpu.enqueue_indirect_dma source(%dma_start3A_42 : memref<320000xf32, #tpu.memory_space<vmem_shared>>) target(%dma_start3A_37 : memref<128xf32, #tpu.memory_space<vmem>>) offsets(%dma_start3A_40 : memref<128xi32, #tpu.memory_space<vmem>>) semaphore(%arg14 : memref<!tpu.dma_semaphore, #tpu.memory_space<semaphore_mem>>)
    %dma_start3A_43 = arith.constant 0 : i32
    %dma_start3A_44 = arith.constant 0 : i32
    %dma_start3A_45 = arith.constant 0 : i32
    %dma_start3A_46 = tpu.memref_slice %arg9[%dma_start3A_44, %dma_start3A_45] : memref<118x128xf32, #tpu.memory_space<vmem>> -> memref<1x128xf32, #tpu.memory_space<vmem>>
    %dma_start3A_47 = tpu.memref_squeeze %dma_start3A_46 : memref<1x128xf32, #tpu.memory_space<vmem>> -> memref<128xf32, #tpu.memory_space<vmem>>
    %dma_start3A_48 = arith.constant 0 : i32
    %dma_start3A_49 = tpu.memref_slice %arg7[%dma_start3A_43, %dma_start3A_48] : memref<118x128xi32, #tpu.memory_space<vmem>> -> memref<1x128xi32, #tpu.memory_space<vmem>>
    %dma_start3A_50 = tpu.memref_squeeze %dma_start3A_49 : memref<1x128xi32, #tpu.memory_space<vmem>> -> memref<128xi32, #tpu.memory_space<vmem>>
    %dma_start3A_51 = arith.constant 0 : i32
    %dma_start3A_52 = tpu.memref_slice %arg12[%dma_start3A_51] : memref<320000xf32, #tpu.memory_space<vmem_shared>> -> memref<320000xf32, #tpu.memory_space<vmem_shared>>
    tpu.enqueue_indirect_dma source(%dma_start3A_52 : memref<320000xf32, #tpu.memory_space<vmem_shared>>) target(%dma_start3A_47 : memref<128xf32, #tpu.memory_space<vmem>>) offsets(%dma_start3A_50 : memref<128xi32, #tpu.memory_space<vmem>>) semaphore(%arg15 : memref<!tpu.dma_semaphore, #tpu.memory_space<semaphore_mem>>)
    %scan3A = arith.constant 0 : i32
    %scan3A_53 = arith.constant 117 : i32
    %scan3A_54 = arith.addi %scan3A, %scan3A_53 : i32
    %scan3A_55 = arith.constant 1 : i32
    scf.for %scan3A_109 = %scan3A to %scan3A_54 step %scan3A_55  : i32 {
      %mul3A_110 = arith.constant 1 : i32
      %mul3A_111 = arith.muli %scan3A_109, %mul3A_110 : i32
      %add3A_112 = arith.constant 0 : i32
      %add3A_113 = arith.addi %add3A_112, %mul3A_111 : i32
      %add3A_114 = arith.constant 1 : i32
      %add3A_115 = arith.addi %add3A_113, %add3A_114 : i32
      %dma_start3A_116 = arith.constant 0 : i32
      %dma_start3A_117 = tpu.memref_slice %arg8[%add3A_115, %dma_start3A_116] : memref<118x128xf32, #tpu.memory_space<vmem>> -> memref<1x128xf32, #tpu.memory_space<vmem>>
      %dma_start3A_118 = tpu.memref_squeeze %dma_start3A_117 : memref<1x128xf32, #tpu.memory_space<vmem>> -> memref<128xf32, #tpu.memory_space<vmem>>
      %dma_start3A_119 = arith.constant 0 : i32
      %dma_start3A_120 = tpu.memref_slice %arg7[%add3A_115, %dma_start3A_119] : memref<118x128xi32, #tpu.memory_space<vmem>> -> memref<1x128xi32, #tpu.memory_space<vmem>>
      %dma_start3A_121 = tpu.memref_squeeze %dma_start3A_120 : memref<1x128xi32, #tpu.memory_space<vmem>> -> memref<128xi32, #tpu.memory_space<vmem>>
      %dma_start3A_122 = arith.constant 0 : i32
      %dma_start3A_123 = tpu.memref_slice %arg11[%dma_start3A_122] : memref<320000xf32, #tpu.memory_space<vmem_shared>> -> memref<320000xf32, #tpu.memory_space<vmem_shared>>
      tpu.enqueue_indirect_dma source(%dma_start3A_123 : memref<320000xf32, #tpu.memory_space<vmem_shared>>) target(%dma_start3A_118 : memref<128xf32, #tpu.memory_space<vmem>>) offsets(%dma_start3A_121 : memref<128xi32, #tpu.memory_space<vmem>>) semaphore(%arg14 : memref<!tpu.dma_semaphore, #tpu.memory_space<semaphore_mem>>)
      %dma_start3A_124 = arith.constant 0 : i32
      %dma_start3A_125 = tpu.memref_slice %arg9[%add3A_115, %dma_start3A_124] : memref<118x128xf32, #tpu.memory_space<vmem>> -> memref<1x128xf32, #tpu.memory_space<vmem>>
      %dma_start3A_126 = tpu.memref_squeeze %dma_start3A_125 : memref<1x128xf32, #tpu.memory_space<vmem>> -> memref<128xf32, #tpu.memory_space<vmem>>
      %dma_start3A_127 = arith.constant 0 : i32
      %dma_start3A_128 = tpu.memref_slice %arg7[%add3A_115, %dma_start3A_127] : memref<118x128xi32, #tpu.memory_space<vmem>> -> memref<1x128xi32, #tpu.memory_space<vmem>>
      %dma_start3A_129 = tpu.memref_squeeze %dma_start3A_128 : memref<1x128xi32, #tpu.memory_space<vmem>> -> memref<128xi32, #tpu.memory_space<vmem>>
      %dma_start3A_130 = arith.constant 0 : i32
      %dma_start3A_131 = tpu.memref_slice %arg12[%dma_start3A_130] : memref<320000xf32, #tpu.memory_space<vmem_shared>> -> memref<320000xf32, #tpu.memory_space<vmem_shared>>
      tpu.enqueue_indirect_dma source(%dma_start3A_131 : memref<320000xf32, #tpu.memory_space<vmem_shared>>) target(%dma_start3A_126 : memref<128xf32, #tpu.memory_space<vmem>>) offsets(%dma_start3A_129 : memref<128xi32, #tpu.memory_space<vmem>>) semaphore(%arg15 : memref<!tpu.dma_semaphore, #tpu.memory_space<semaphore_mem>>)
      %dma_wait3A_132 = arith.constant 0 : i32
      %dma_wait3A_133 = tpu.memref_slice %arg8[%add3A_113, %dma_wait3A_132] : memref<118x128xf32, #tpu.memory_space<vmem>> -> memref<1x128xf32, #tpu.memory_space<vmem>>
      %dma_wait3A_134 = tpu.memref_squeeze %dma_wait3A_133 : memref<1x128xf32, #tpu.memory_space<vmem>> -> memref<128xf32, #tpu.memory_space<vmem>>
      %dma_wait3A_135 = arith.constant 0 : i32
      %dma_wait3A_136 = tpu.memref_slice %arg7[%add3A_113, %dma_wait3A_135] : memref<118x128xi32, #tpu.memory_space<vmem>> -> memref<1x128xi32, #tpu.memory_space<vmem>>
      %dma_wait3A_137 = tpu.memref_squeeze %dma_wait3A_136 : memref<1x128xi32, #tpu.memory_space<vmem>> -> memref<128xi32, #tpu.memory_space<vmem>>
      %dma_wait3A_138 = arith.constant 0 : i32
      %dma_wait3A_139 = tpu.memref_slice %arg11[%dma_wait3A_138] : memref<320000xf32, #tpu.memory_space<vmem_shared>> -> memref<320000xf32, #tpu.memory_space<vmem_shared>>
      tpu.wait_indirect_dma semaphore(%arg14 : memref<!tpu.dma_semaphore, #tpu.memory_space<semaphore_mem>>) src(%dma_wait3A_139 : memref<320000xf32, #tpu.memory_space<vmem_shared>>) dst(%dma_wait3A_134 : memref<128xf32, #tpu.memory_space<vmem>>)
      %dma_wait3A_140 = arith.constant 0 : i32
      %dma_wait3A_141 = tpu.memref_slice %arg9[%add3A_113, %dma_wait3A_140] : memref<118x128xf32, #tpu.memory_space<vmem>> -> memref<1x128xf32, #tpu.memory_space<vmem>>
      %dma_wait3A_142 = tpu.memref_squeeze %dma_wait3A_141 : memref<1x128xf32, #tpu.memory_space<vmem>> -> memref<128xf32, #tpu.memory_space<vmem>>
      %dma_wait3A_143 = arith.constant 0 : i32
      %dma_wait3A_144 = tpu.memref_slice %arg7[%add3A_113, %dma_wait3A_143] : memref<118x128xi32, #tpu.memory_space<vmem>> -> memref<1x128xi32, #tpu.memory_space<vmem>>
      %dma_wait3A_145 = tpu.memref_squeeze %dma_wait3A_144 : memref<1x128xi32, #tpu.memory_space<vmem>> -> memref<128xi32, #tpu.memory_space<vmem>>
      %dma_wait3A_146 = arith.constant 0 : i32
      %dma_wait3A_147 = tpu.memref_slice %arg12[%dma_wait3A_146] : memref<320000xf32, #tpu.memory_space<vmem_shared>> -> memref<320000xf32, #tpu.memory_space<vmem_shared>>
      tpu.wait_indirect_dma semaphore(%arg15 : memref<!tpu.dma_semaphore, #tpu.memory_space<semaphore_mem>>) src(%dma_wait3A_147 : memref<320000xf32, #tpu.memory_space<vmem_shared>>) dst(%dma_wait3A_142 : memref<128xf32, #tpu.memory_space<vmem>>)
    }
    %scan3A_56 = arith.constant 117 : i32
    %dma_wait3A_57 = arith.constant 117 : i32
    %dma_wait3A_58 = arith.constant 117 : i32
    %dma_wait3A_59 = arith.constant 0 : i32
    %dma_wait3A_60 = tpu.memref_slice %arg8[%dma_wait3A_58, %dma_wait3A_59] : memref<118x128xf32, #tpu.memory_space<vmem>> -> memref<1x128xf32, #tpu.memory_space<vmem>>
    %dma_wait3A_61 = tpu.memref_squeeze %dma_wait3A_60 : memref<1x128xf32, #tpu.memory_space<vmem>> -> memref<128xf32, #tpu.memory_space<vmem>>
    %dma_wait3A_62 = arith.constant 0 : i32
    %dma_wait3A_63 = tpu.memref_slice %arg7[%dma_wait3A_57, %dma_wait3A_62] : memref<118x128xi32, #tpu.memory_space<vmem>> -> memref<1x128xi32, #tpu.memory_space<vmem>>
    %dma_wait3A_64 = tpu.memref_squeeze %dma_wait3A_63 : memref<1x128xi32, #tpu.memory_space<vmem>> -> memref<128xi32, #tpu.memory_space<vmem>>
    %dma_wait3A_65 = arith.constant 0 : i32
    %dma_wait3A_66 = tpu.memref_slice %arg11[%dma_wait3A_65] : memref<320000xf32, #tpu.memory_space<vmem_shared>> -> memref<320000xf32, #tpu.memory_space<vmem_shared>>
    tpu.wait_indirect_dma semaphore(%arg14 : memref<!tpu.dma_semaphore, #tpu.memory_space<semaphore_mem>>) src(%dma_wait3A_66 : memref<320000xf32, #tpu.memory_space<vmem_shared>>) dst(%dma_wait3A_61 : memref<128xf32, #tpu.memory_space<vmem>>)
    %dma_wait3A_67 = arith.constant 117 : i32
    %dma_wait3A_68 = arith.constant 117 : i32
    %dma_wait3A_69 = arith.constant 0 : i32
    %dma_wait3A_70 = tpu.memref_slice %arg9[%dma_wait3A_68, %dma_wait3A_69] : memref<118x128xf32, #tpu.memory_space<vmem>> -> memref<1x128xf32, #tpu.memory_space<vmem>>
    %dma_wait3A_71 = tpu.memref_squeeze %dma_wait3A_70 : memref<1x128xf32, #tpu.memory_space<vmem>> -> memref<128xf32, #tpu.memory_space<vmem>>
    %dma_wait3A_72 = arith.constant 0 : i32
    %dma_wait3A_73 = tpu.memref_slice %arg7[%dma_wait3A_67, %dma_wait3A_72] : memref<118x128xi32, #tpu.memory_space<vmem>> -> memref<1x128xi32, #tpu.memory_space<vmem>>
    %dma_wait3A_74 = tpu.memref_squeeze %dma_wait3A_73 : memref<1x128xi32, #tpu.memory_space<vmem>> -> memref<128xi32, #tpu.memory_space<vmem>>
    %dma_wait3A_75 = arith.constant 0 : i32
    %dma_wait3A_76 = tpu.memref_slice %arg12[%dma_wait3A_75] : memref<320000xf32, #tpu.memory_space<vmem_shared>> -> memref<320000xf32, #tpu.memory_space<vmem_shared>>
    tpu.wait_indirect_dma semaphore(%arg15 : memref<!tpu.dma_semaphore, #tpu.memory_space<semaphore_mem>>) src(%dma_wait3A_76 : memref<320000xf32, #tpu.memory_space<vmem_shared>>) dst(%dma_wait3A_71 : memref<128xf32, #tpu.memory_space<vmem>>)
    %dma_start3A_77 = arith.constant 0 : i32
    %dma_start3A_78 = arith.constant 0 : i32
    %dma_start3A_79 = tpu.memref_slice %arg5[%add3A, %dma_start3A_77, %dma_start3A_78] : memref<32x118x128xf32, #tpu.memory_space<hbm>> -> memref<1x118x128xf32, #tpu.memory_space<hbm>>
    %dma_start3A_80 = tpu.memref_squeeze %dma_start3A_79 : memref<1x118x128xf32, #tpu.memory_space<hbm>> -> memref<118x128xf32, #tpu.memory_space<hbm>>
    %dma_start3A_81 = arith.constant 0 : i32
    %dma_start3A_82 = arith.constant 0 : i32
    %dma_start3A_83 = tpu.memref_slice %arg5[%add3A, %dma_start3A_81, %dma_start3A_82] : memref<32x118x128xf32, #tpu.memory_space<hbm>> -> memref<1x118x128xf32, #tpu.memory_space<hbm>>
    %dma_start3A_84 = tpu.memref_squeeze %dma_start3A_83 : memref<1x118x128xf32, #tpu.memory_space<hbm>> -> memref<118x128xf32, #tpu.memory_space<hbm>>
    tpu.enqueue_dma source(%arg8 : memref<118x128xf32, #tpu.memory_space<vmem>>) target(%dma_start3A_84 : memref<118x128xf32, #tpu.memory_space<hbm>>) target_semaphore(%arg14 : memref<!tpu.dma_semaphore, #tpu.memory_space<semaphore_mem>>)
    %dma_wait3A_85 = arith.constant 0 : i32
    %dma_wait3A_86 = arith.constant 0 : i32
    %dma_wait3A_87 = tpu.memref_slice %arg5[%add3A, %dma_wait3A_85, %dma_wait3A_86] : memref<32x118x128xf32, #tpu.memory_space<hbm>> -> memref<1x118x128xf32, #tpu.memory_space<hbm>>
    %dma_wait3A_88 = tpu.memref_squeeze %dma_wait3A_87 : memref<1x118x128xf32, #tpu.memory_space<hbm>> -> memref<118x128xf32, #tpu.memory_space<hbm>>
    %dma_wait3A_89 = arith.constant 0 : i32
    %dma_wait3A_90 = arith.constant 0 : i32
    %dma_wait3A_91 = tpu.memref_slice %arg5[%add3A, %dma_wait3A_89, %dma_wait3A_90] : memref<32x118x128xf32, #tpu.memory_space<hbm>> -> memref<1x118x128xf32, #tpu.memory_space<hbm>>
    %dma_wait3A_92 = tpu.memref_squeeze %dma_wait3A_91 : memref<1x118x128xf32, #tpu.memory_space<hbm>> -> memref<118x128xf32, #tpu.memory_space<hbm>>
    tpu.wait_dma2 semaphore(%arg14 : memref<!tpu.dma_semaphore, #tpu.memory_space<semaphore_mem>>) src(%arg8 : memref<118x128xf32, #tpu.memory_space<vmem>>) dst(%dma_wait3A_92 : memref<118x128xf32, #tpu.memory_space<hbm>>)
    %dma_start3A_93 = arith.constant 0 : i32
    %dma_start3A_94 = arith.constant 0 : i32
    %dma_start3A_95 = tpu.memref_slice %arg6[%add3A, %dma_start3A_93, %dma_start3A_94] : memref<32x118x128xf32, #tpu.memory_space<hbm>> -> memref<1x118x128xf32, #tpu.memory_space<hbm>>
    %dma_start3A_96 = tpu.memref_squeeze %dma_start3A_95 : memref<1x118x128xf32, #tpu.memory_space<hbm>> -> memref<118x128xf32, #tpu.memory_space<hbm>>
    %dma_start3A_97 = arith.constant 0 : i32
    %dma_start3A_98 = arith.constant 0 : i32
    %dma_start3A_99 = tpu.memref_slice %arg6[%add3A, %dma_start3A_97, %dma_start3A_98] : memref<32x118x128xf32, #tpu.memory_space<hbm>> -> memref<1x118x128xf32, #tpu.memory_space<hbm>>
    %dma_start3A_100 = tpu.memref_squeeze %dma_start3A_99 : memref<1x118x128xf32, #tpu.memory_space<hbm>> -> memref<118x128xf32, #tpu.memory_space<hbm>>
    tpu.enqueue_dma source(%arg9 : memref<118x128xf32, #tpu.memory_space<vmem>>) target(%dma_start3A_100 : memref<118x128xf32, #tpu.memory_space<hbm>>) target_semaphore(%arg15 : memref<!tpu.dma_semaphore, #tpu.memory_space<semaphore_mem>>)
    %dma_wait3A_101 = arith.constant 0 : i32
    %dma_wait3A_102 = arith.constant 0 : i32
    %dma_wait3A_103 = tpu.memref_slice %arg6[%add3A, %dma_wait3A_101, %dma_wait3A_102] : memref<32x118x128xf32, #tpu.memory_space<hbm>> -> memref<1x118x128xf32, #tpu.memory_space<hbm>>
    %dma_wait3A_104 = tpu.memref_squeeze %dma_wait3A_103 : memref<1x118x128xf32, #tpu.memory_space<hbm>> -> memref<118x128xf32, #tpu.memory_space<hbm>>
    %dma_wait3A_105 = arith.constant 0 : i32
    %dma_wait3A_106 = arith.constant 0 : i32
    %dma_wait3A_107 = tpu.memref_slice %arg6[%add3A, %dma_wait3A_105, %dma_wait3A_106] : memref<32x118x128xf32, #tpu.memory_space<hbm>> -> memref<1x118x128xf32, #tpu.memory_space<hbm>>
    %dma_wait3A_108 = tpu.memref_squeeze %dma_wait3A_107 : memref<1x118x128xf32, #tpu.memory_space<hbm>> -> memref<118x128xf32, #tpu.memory_space<hbm>>
    tpu.wait_dma2 semaphore(%arg15 : memref<!tpu.dma_semaphore, #tpu.memory_space<semaphore_mem>>) src(%arg9 : memref<118x128xf32, #tpu.memory_space<vmem>>) dst(%dma_wait3A_108 : memref<118x128xf32, #tpu.memory_space<hbm>>)
    return
  }
}

#map = affine_map<(d0, d1) -> (0, 0, 0)>
#map1 = affine_map<(d0, d1) -> (0)>
module attributes {stable_mosaic.version = 14 : i64} {
  func.func @_scatter_body(%arg0: i32, %arg1: i32, %arg2: memref<32x118x128xi32, #tpu.memory_space<hbm>>, %arg3: memref<32x118x128xf32, #tpu.memory_space<hbm>>, %arg4: memref<640000xf32, #tpu.memory_space<hbm>>, %arg5: memref<118x128xi32, #tpu.memory_space<vmem>>, %arg6: memref<118x128xf32, #tpu.memory_space<vmem>>, %arg7: memref<20000xf32, #tpu.memory_space<vmem>>, %arg8: memref<320000xf32, #tpu.memory_space<vmem_shared>>, %arg9: memref<!tpu.dma_semaphore, #tpu.memory_space<semaphore_mem>>) attributes {dimension_semantics = [#tpu.dimension_semantics<core_parallel>, #tpu.dimension_semantics<subcore_parallel>], iteration_bounds = array<i64: 2, 16>, scalar_prefetch = 0 : i64, scratch_operands = 5 : i64, tpu.core_type = #tpu.core_type<sc_vector_subcore>, window_params = [{transform_indices = #map}, {transform_indices = #map}, {transform_indices = #map1}]} {
    %mul3A = arith.constant 2 : i32
    %mul3A_0 = arith.muli %arg1, %mul3A : i32
    %add3A = arith.addi %mul3A_0, %arg0 : i32
    %scan3A = arith.constant 0 : i32
    %scan3A_1 = arith.constant 1250 : i32
    %scan3A_2 = arith.addi %scan3A, %scan3A_1 : i32
    %scan3A_3 = arith.constant 1 : i32
    scf.for %scan3A_62 = %scan3A to %scan3A_2 step %scan3A_3  : i32 {
      %mul3A_63 = arith.constant 1 : i32
      %mul3A_64 = arith.muli %scan3A_62, %mul3A_63 : i32
      %add3A_65 = arith.constant 0 : i32
      %add3A_66 = arith.addi %add3A_65, %mul3A_64 : i32
      %broadcast_in_dim3A = arith.constant 0.000000e+00 : f32
      %broadcast_in_dim3A_67 = vector.broadcast %broadcast_in_dim3A : f32 to vector<16xf32>
      %mul3A_68 = arith.constant 16 : i32
      %mul3A_69 = arith.muli %add3A_66, %mul3A_68 : i32
      %swap3A = arith.index_cast %mul3A_69 : i32 to index
      %swap3A_70 = tpu.vector_load %arg7[%swap3A] {strides = array<i32>} : memref<20000xf32, #tpu.memory_space<vmem>>, vector<16xf32>,
      %swap3A_71 = vector.shape_cast %swap3A_70 : vector<16xf32> to vector<16xf32>
      %swap3A_72 = vector.shape_cast %broadcast_in_dim3A_67 : vector<16xf32> to vector<16xf32>
      tpu.vector_store %arg7[%swap3A], %swap3A_72 {strides = array<i32>} : memref<20000xf32, #tpu.memory_space<vmem>>, vector<16xf32>,
    }
    %scan3A_4 = arith.constant 1250 : i32
    %mul3A_5 = arith.constant 20000 : i32
    %mul3A_6 = arith.muli %arg1, %mul3A_5 : i32
    %dma_start3A = tpu.memref_slice %arg8[%mul3A_6] : memref<320000xf32, #tpu.memory_space<vmem_shared>> -> memref<20000xf32, #tpu.memory_space<vmem_shared>>
    %dma_start3A_7 = tpu.memref_slice %arg8[%mul3A_6] : memref<320000xf32, #tpu.memory_space<vmem_shared>> -> memref<20000xf32, #tpu.memory_space<vmem_shared>>
    tpu.enqueue_dma source(%arg7 : memref<20000xf32, #tpu.memory_space<vmem>>) target(%dma_start3A_7 : memref<20000xf32, #tpu.memory_space<vmem_shared>>) target_semaphore(%arg9 : memref<!tpu.dma_semaphore, #tpu.memory_space<semaphore_mem>>)
    %dma_wait3A = tpu.memref_slice %arg8[%mul3A_6] : memref<320000xf32, #tpu.memory_space<vmem_shared>> -> memref<20000xf32, #tpu.memory_space<vmem_shared>>
    %dma_wait3A_8 = tpu.memref_slice %arg8[%mul3A_6] : memref<320000xf32, #tpu.memory_space<vmem_shared>> -> memref<20000xf32, #tpu.memory_space<vmem_shared>>
    tpu.wait_dma2 semaphore(%arg9 : memref<!tpu.dma_semaphore, #tpu.memory_space<semaphore_mem>>) src(%arg7 : memref<20000xf32, #tpu.memory_space<vmem>>) dst(%dma_wait3A_8 : memref<20000xf32, #tpu.memory_space<vmem_shared>>)
    %dma_start3A_9 = arith.constant 0 : i32
    %dma_start3A_10 = arith.constant 0 : i32
    %dma_start3A_11 = tpu.memref_slice %arg2[%add3A, %dma_start3A_9, %dma_start3A_10] : memref<32x118x128xi32, #tpu.memory_space<hbm>> -> memref<1x118x128xi32, #tpu.memory_space<hbm>>
    %dma_start3A_12 = tpu.memref_squeeze %dma_start3A_11 : memref<1x118x128xi32, #tpu.memory_space<hbm>> -> memref<118x128xi32, #tpu.memory_space<hbm>>
    %dma_start3A_13 = arith.constant 0 : i32
    %dma_start3A_14 = arith.constant 0 : i32
    %dma_start3A_15 = tpu.memref_slice %arg2[%add3A, %dma_start3A_13, %dma_start3A_14] : memref<32x118x128xi32, #tpu.memory_space<hbm>> -> memref<1x118x128xi32, #tpu.memory_space<hbm>>
    %dma_start3A_16 = tpu.memref_squeeze %dma_start3A_15 : memref<1x118x128xi32, #tpu.memory_space<hbm>> -> memref<118x128xi32, #tpu.memory_space<hbm>>
    tpu.enqueue_dma source(%dma_start3A_16 : memref<118x128xi32, #tpu.memory_space<hbm>>) target(%arg5 : memref<118x128xi32, #tpu.memory_space<vmem>>) target_semaphore(%arg9 : memref<!tpu.dma_semaphore, #tpu.memory_space<semaphore_mem>>)
    %dma_wait3A_17 = arith.constant 0 : i32
    %dma_wait3A_18 = arith.constant 0 : i32
    %dma_wait3A_19 = tpu.memref_slice %arg2[%add3A, %dma_wait3A_17, %dma_wait3A_18] : memref<32x118x128xi32, #tpu.memory_space<hbm>> -> memref<1x118x128xi32, #tpu.memory_space<hbm>>
    %dma_wait3A_20 = tpu.memref_squeeze %dma_wait3A_19 : memref<1x118x128xi32, #tpu.memory_space<hbm>> -> memref<118x128xi32, #tpu.memory_space<hbm>>
    %dma_wait3A_21 = arith.constant 0 : i32
    %dma_wait3A_22 = arith.constant 0 : i32
    %dma_wait3A_23 = tpu.memref_slice %arg2[%add3A, %dma_wait3A_21, %dma_wait3A_22] : memref<32x118x128xi32, #tpu.memory_space<hbm>> -> memref<1x118x128xi32, #tpu.memory_space<hbm>>
    %dma_wait3A_24 = tpu.memref_squeeze %dma_wait3A_23 : memref<1x118x128xi32, #tpu.memory_space<hbm>> -> memref<118x128xi32, #tpu.memory_space<hbm>>
    tpu.wait_dma2 semaphore(%arg9 : memref<!tpu.dma_semaphore, #tpu.memory_space<semaphore_mem>>) src(%dma_wait3A_24 : memref<118x128xi32, #tpu.memory_space<hbm>>) dst(%arg5 : memref<118x128xi32, #tpu.memory_space<vmem>>)
    %dma_start3A_25 = arith.constant 0 : i32
    %dma_start3A_26 = arith.constant 0 : i32
    %dma_start3A_27 = tpu.memref_slice %arg3[%add3A, %dma_start3A_25, %dma_start3A_26] : memref<32x118x128xf32, #tpu.memory_space<hbm>> -> memref<1x118x128xf32, #tpu.memory_space<hbm>>
    %dma_start3A_28 = tpu.memref_squeeze %dma_start3A_27 : memref<1x118x128xf32, #tpu.memory_space<hbm>> -> memref<118x128xf32, #tpu.memory_space<hbm>>
    %dma_start3A_29 = arith.constant 0 : i32
    %dma_start3A_30 = arith.constant 0 : i32
    %dma_start3A_31 = tpu.memref_slice %arg3[%add3A, %dma_start3A_29, %dma_start3A_30] : memref<32x118x128xf32, #tpu.memory_space<hbm>> -> memref<1x118x128xf32, #tpu.memory_space<hbm>>
    %dma_start3A_32 = tpu.memref_squeeze %dma_start3A_31 : memref<1x118x128xf32, #tpu.memory_space<hbm>> -> memref<118x128xf32, #tpu.memory_space<hbm>>
    tpu.enqueue_dma source(%dma_start3A_32 : memref<118x128xf32, #tpu.memory_space<hbm>>) target(%arg6 : memref<118x128xf32, #tpu.memory_space<vmem>>) target_semaphore(%arg9 : memref<!tpu.dma_semaphore, #tpu.memory_space<semaphore_mem>>)
    %dma_wait3A_33 = arith.constant 0 : i32
    %dma_wait3A_34 = arith.constant 0 : i32
    %dma_wait3A_35 = tpu.memref_slice %arg3[%add3A, %dma_wait3A_33, %dma_wait3A_34] : memref<32x118x128xf32, #tpu.memory_space<hbm>> -> memref<1x118x128xf32, #tpu.memory_space<hbm>>
    %dma_wait3A_36 = tpu.memref_squeeze %dma_wait3A_35 : memref<1x118x128xf32, #tpu.memory_space<hbm>> -> memref<118x128xf32, #tpu.memory_space<hbm>>
    %dma_wait3A_37 = arith.constant 0 : i32
    %dma_wait3A_38 = arith.constant 0 : i32
    %dma_wait3A_39 = tpu.memref_slice %arg3[%add3A, %dma_wait3A_37, %dma_wait3A_38] : memref<32x118x128xf32, #tpu.memory_space<hbm>> -> memref<1x118x128xf32, #tpu.memory_space<hbm>>
    %dma_wait3A_40 = tpu.memref_squeeze %dma_wait3A_39 : memref<1x118x128xf32, #tpu.memory_space<hbm>> -> memref<118x128xf32, #tpu.memory_space<hbm>>
    tpu.wait_dma2 semaphore(%arg9 : memref<!tpu.dma_semaphore, #tpu.memory_space<semaphore_mem>>) src(%dma_wait3A_40 : memref<118x128xf32, #tpu.memory_space<hbm>>) dst(%arg6 : memref<118x128xf32, #tpu.memory_space<vmem>>)
    %barrier3A = arith.constant 0 : index
    tpu.barrier barrier_id(%barrier3A)
    %scan3A_41 = arith.constant 0 : i32
    %scan3A_42 = arith.constant 118 : i32
    %scan3A_43 = arith.addi %scan3A_41, %scan3A_42 : i32
    %scan3A_44 = arith.constant 1 : i32
    scf.for %scan3A_62 = %scan3A_41 to %scan3A_43 step %scan3A_44  : i32 {
      %mul3A_63 = arith.constant 1 : i32
      %mul3A_64 = arith.muli %scan3A_62, %mul3A_63 : i32
      %add3A_65 = arith.constant 0 : i32
      %add3A_66 = arith.addi %add3A_65, %mul3A_64 : i32
      "tpu.region"() ({
        %run_scoped3A = tpu.sem_alloc : memref<!tpu.dma_semaphore, #tpu.memory_space<semaphore_mem>>
        %dma_start3A_67 = arith.constant 0 : i32
        %dma_start3A_68 = tpu.memref_slice %arg6[%add3A_66, %dma_start3A_67] : memref<118x128xf32, #tpu.memory_space<vmem>> -> memref<1x128xf32, #tpu.memory_space<vmem>>
        %dma_start3A_69 = tpu.memref_squeeze %dma_start3A_68 : memref<1x128xf32, #tpu.memory_space<vmem>> -> memref<128xf32, #tpu.memory_space<vmem>>
        %dma_start3A_70 = arith.constant 0 : i32
        %dma_start3A_71 = tpu.memref_slice %arg5[%add3A_66, %dma_start3A_70] : memref<118x128xi32, #tpu.memory_space<vmem>> -> memref<1x128xi32, #tpu.memory_space<vmem>>
        %dma_start3A_72 = tpu.memref_squeeze %dma_start3A_71 : memref<1x128xi32, #tpu.memory_space<vmem>> -> memref<128xi32, #tpu.memory_space<vmem>>
        %dma_start3A_73 = arith.constant 0 : i32
        %dma_start3A_74 = tpu.memref_slice %arg8[%dma_start3A_73] : memref<320000xf32, #tpu.memory_space<vmem_shared>> -> memref<320000xf32, #tpu.memory_space<vmem_shared>>
        tpu.enqueue_indirect_dma source(%dma_start3A_69 : memref<128xf32, #tpu.memory_space<vmem>>) target(%dma_start3A_74 : memref<320000xf32, #tpu.memory_space<vmem_shared>>) offsets(%dma_start3A_72 : memref<128xi32, #tpu.memory_space<vmem>>) semaphore(%run_scoped3A : memref<!tpu.dma_semaphore, #tpu.memory_space<semaphore_mem>>) {add = true}
        %dma_wait3A_75 = arith.constant 0 : i32
        %dma_wait3A_76 = tpu.memref_slice %arg6[%add3A_66, %dma_wait3A_75] : memref<118x128xf32, #tpu.memory_space<vmem>> -> memref<1x128xf32, #tpu.memory_space<vmem>>
        %dma_wait3A_77 = tpu.memref_squeeze %dma_wait3A_76 : memref<1x128xf32, #tpu.memory_space<vmem>> -> memref<128xf32, #tpu.memory_space<vmem>>
        %dma_wait3A_78 = arith.constant 0 : i32
        %dma_wait3A_79 = tpu.memref_slice %arg5[%add3A_66, %dma_wait3A_78] : memref<118x128xi32, #tpu.memory_space<vmem>> -> memref<1x128xi32, #tpu.memory_space<vmem>>
        %dma_wait3A_80 = tpu.memref_squeeze %dma_wait3A_79 : memref<1x128xi32, #tpu.memory_space<vmem>> -> memref<128xi32, #tpu.memory_space<vmem>>
        %dma_wait3A_81 = arith.constant 0 : i32
        %dma_wait3A_82 = tpu.memref_slice %arg8[%dma_wait3A_81] : memref<320000xf32, #tpu.memory_space<vmem_shared>> -> memref<320000xf32, #tpu.memory_space<vmem_shared>>
        tpu.wait_indirect_dma semaphore(%run_scoped3A : memref<!tpu.dma_semaphore, #tpu.memory_space<semaphore_mem>>) src(%dma_wait3A_77 : memref<128xf32, #tpu.memory_space<vmem>>) dst(%dma_wait3A_82 : memref<320000xf32, #tpu.memory_space<vmem_shared>>)
        tpu.yield
      }) : () -> ()
    }
    %scan3A_45 = arith.constant 118 : i32
    %barrier3A_46 = arith.constant 0 : index
    tpu.barrier barrier_id(%barrier3A_46)
    %mul3A_47 = arith.constant 20000 : i32
    %mul3A_48 = arith.muli %arg1, %mul3A_47 : i32
    %dma_start3A_49 = tpu.memref_slice %arg8[%mul3A_48] : memref<320000xf32, #tpu.memory_space<vmem_shared>> -> memref<20000xf32, #tpu.memory_space<vmem_shared>>
    %dma_start3A_50 = tpu.memref_slice %arg8[%mul3A_48] : memref<320000xf32, #tpu.memory_space<vmem_shared>> -> memref<20000xf32, #tpu.memory_space<vmem_shared>>
    tpu.enqueue_dma source(%dma_start3A_50 : memref<20000xf32, #tpu.memory_space<vmem_shared>>) target(%arg7 : memref<20000xf32, #tpu.memory_space<vmem>>) target_semaphore(%arg9 : memref<!tpu.dma_semaphore, #tpu.memory_space<semaphore_mem>>)
    %dma_wait3A_51 = tpu.memref_slice %arg8[%mul3A_48] : memref<320000xf32, #tpu.memory_space<vmem_shared>> -> memref<20000xf32, #tpu.memory_space<vmem_shared>>
    %dma_wait3A_52 = tpu.memref_slice %arg8[%mul3A_48] : memref<320000xf32, #tpu.memory_space<vmem_shared>> -> memref<20000xf32, #tpu.memory_space<vmem_shared>>
    tpu.wait_dma2 semaphore(%arg9 : memref<!tpu.dma_semaphore, #tpu.memory_space<semaphore_mem>>) src(%dma_wait3A_52 : memref<20000xf32, #tpu.memory_space<vmem_shared>>) dst(%arg7 : memref<20000xf32, #tpu.memory_space<vmem>>)
    %mul3A_53 = arith.constant 320000 : i32
    %mul3A_54 = arith.muli %arg0, %mul3A_53 : i32
    %mul3A_55 = arith.constant 20000 : i32
    %mul3A_56 = arith.muli %arg1, %mul3A_55 : i32
    %add3A_57 = arith.addi %mul3A_54, %mul3A_56 : i32
    %dma_start3A_58 = tpu.memref_slice %arg4[%add3A_57] : memref<640000xf32, #tpu.memory_space<hbm>> -> memref<20000xf32, #tpu.memory_space<hbm>>
    %dma_start3A_59 = tpu.memref_slice %arg4[%add3A_57] : memref<640000xf32, #tpu.memory_space<hbm>> -> memref<20000xf32, #tpu.memory_space<hbm>>
    tpu.enqueue_dma source(%arg7 : memref<20000xf32, #tpu.memory_space<vmem>>) target(%dma_start3A_59 : memref<20000xf32, #tpu.memory_space<hbm>>) target_semaphore(%arg9 : memref<!tpu.dma_semaphore, #tpu.memory_space<semaphore_mem>>)
    %dma_wait3A_60 = tpu.memref_slice %arg4[%add3A_57] : memref<640000xf32, #tpu.memory_space<hbm>> -> memref<20000xf32, #tpu.memory_space<hbm>>
    %dma_wait3A_61 = tpu.memref_slice %arg4[%add3A_57] : memref<640000xf32, #tpu.memory_space<hbm>> -> memref<20000xf32, #tpu.memory_space<hbm>>
    tpu.wait_dma2 semaphore(%arg9 : memref<!tpu.dma_semaphore, #tpu.memory_space<semaphore_mem>>) src(%arg7 : memref<20000xf32, #tpu.memory_space<vmem>>) dst(%dma_wait3A_61 : memref<20000xf32, #tpu.memory_space<hbm>>)
    return
  }
}

#map = affine_map<(d0, d1) -> (0, 0, 0)>
#map1 = affine_map<(d0, d1) -> (0)>
module attributes {stable_mosaic.version = 14 : i64} {
  func.func @_scatter_body(%arg0: i32, %arg1: i32, %arg2: memref<32x118x128xi32, #tpu.memory_space<hbm>>, %arg3: memref<32x118x128xf32, #tpu.memory_space<hbm>>, %arg4: memref<640000xf32, #tpu.memory_space<hbm>>, %arg5: memref<118x128xi32, #tpu.memory_space<vmem>>, %arg6: memref<118x128xf32, #tpu.memory_space<vmem>>, %arg7: memref<20000xf32, #tpu.memory_space<vmem>>, %arg8: memref<320000xf32, #tpu.memory_space<vmem_shared>>, %arg9: memref<!tpu.dma_semaphore, #tpu.memory_space<semaphore_mem>>) attributes {dimension_semantics = [#tpu.dimension_semantics<core_parallel>, #tpu.dimension_semantics<subcore_parallel>], iteration_bounds = array<i64: 2, 16>, scalar_prefetch = 0 : i64, scratch_operands = 5 : i64, tpu.core_type = #tpu.core_type<sc_vector_subcore>, window_params = [{transform_indices = #map}, {transform_indices = #map}, {transform_indices = #map1}]} {
    %mul3A = arith.constant 2 : i32
    %mul3A_0 = arith.muli %arg1, %mul3A : i32
    %add3A = arith.addi %mul3A_0, %arg0 : i32
    %scan3A = arith.constant 0 : i32
    %scan3A_1 = arith.constant 1250 : i32
    %scan3A_2 = arith.addi %scan3A, %scan3A_1 : i32
    %scan3A_3 = arith.constant 1 : i32
    scf.for %scan3A_62 = %scan3A to %scan3A_2 step %scan3A_3  : i32 {
      %mul3A_63 = arith.constant 1 : i32
      %mul3A_64 = arith.muli %scan3A_62, %mul3A_63 : i32
      %add3A_65 = arith.constant 0 : i32
      %add3A_66 = arith.addi %add3A_65, %mul3A_64 : i32
      %broadcast_in_dim3A = arith.constant 0.000000e+00 : f32
      %broadcast_in_dim3A_67 = vector.broadcast %broadcast_in_dim3A : f32 to vector<16xf32>
      %mul3A_68 = arith.constant 16 : i32
      %mul3A_69 = arith.muli %add3A_66, %mul3A_68 : i32
      %swap3A = arith.index_cast %mul3A_69 : i32 to index
      %swap3A_70 = tpu.vector_load %arg7[%swap3A] {strides = array<i32>} : memref<20000xf32, #tpu.memory_space<vmem>>, vector<16xf32>,
      %swap3A_71 = vector.shape_cast %swap3A_70 : vector<16xf32> to vector<16xf32>
      %swap3A_72 = vector.shape_cast %broadcast_in_dim3A_67 : vector<16xf32> to vector<16xf32>
      tpu.vector_store %arg7[%swap3A], %swap3A_72 {strides = array<i32>} : memref<20000xf32, #tpu.memory_space<vmem>>, vector<16xf32>,
    }
    %scan3A_4 = arith.constant 1250 : i32
    %mul3A_5 = arith.constant 20000 : i32
    %mul3A_6 = arith.muli %arg1, %mul3A_5 : i32
    %dma_start3A = tpu.memref_slice %arg8[%mul3A_6] : memref<320000xf32, #tpu.memory_space<vmem_shared>> -> memref<20000xf32, #tpu.memory_space<vmem_shared>>
    %dma_start3A_7 = tpu.memref_slice %arg8[%mul3A_6] : memref<320000xf32, #tpu.memory_space<vmem_shared>> -> memref<20000xf32, #tpu.memory_space<vmem_shared>>
    tpu.enqueue_dma source(%arg7 : memref<20000xf32, #tpu.memory_space<vmem>>) target(%dma_start3A_7 : memref<20000xf32, #tpu.memory_space<vmem_shared>>) target_semaphore(%arg9 : memref<!tpu.dma_semaphore, #tpu.memory_space<semaphore_mem>>)
    %dma_wait3A = tpu.memref_slice %arg8[%mul3A_6] : memref<320000xf32, #tpu.memory_space<vmem_shared>> -> memref<20000xf32, #tpu.memory_space<vmem_shared>>
    %dma_wait3A_8 = tpu.memref_slice %arg8[%mul3A_6] : memref<320000xf32, #tpu.memory_space<vmem_shared>> -> memref<20000xf32, #tpu.memory_space<vmem_shared>>
    tpu.wait_dma2 semaphore(%arg9 : memref<!tpu.dma_semaphore, #tpu.memory_space<semaphore_mem>>) src(%arg7 : memref<20000xf32, #tpu.memory_space<vmem>>) dst(%dma_wait3A_8 : memref<20000xf32, #tpu.memory_space<vmem_shared>>)
    %dma_start3A_9 = arith.constant 0 : i32
    %dma_start3A_10 = arith.constant 0 : i32
    %dma_start3A_11 = tpu.memref_slice %arg2[%add3A, %dma_start3A_9, %dma_start3A_10] : memref<32x118x128xi32, #tpu.memory_space<hbm>> -> memref<1x118x128xi32, #tpu.memory_space<hbm>>
    %dma_start3A_12 = tpu.memref_squeeze %dma_start3A_11 : memref<1x118x128xi32, #tpu.memory_space<hbm>> -> memref<118x128xi32, #tpu.memory_space<hbm>>
    %dma_start3A_13 = arith.constant 0 : i32
    %dma_start3A_14 = arith.constant 0 : i32
    %dma_start3A_15 = tpu.memref_slice %arg2[%add3A, %dma_start3A_13, %dma_start3A_14] : memref<32x118x128xi32, #tpu.memory_space<hbm>> -> memref<1x118x128xi32, #tpu.memory_space<hbm>>
    %dma_start3A_16 = tpu.memref_squeeze %dma_start3A_15 : memref<1x118x128xi32, #tpu.memory_space<hbm>> -> memref<118x128xi32, #tpu.memory_space<hbm>>
    tpu.enqueue_dma source(%dma_start3A_16 : memref<118x128xi32, #tpu.memory_space<hbm>>) target(%arg5 : memref<118x128xi32, #tpu.memory_space<vmem>>) target_semaphore(%arg9 : memref<!tpu.dma_semaphore, #tpu.memory_space<semaphore_mem>>)
    %dma_wait3A_17 = arith.constant 0 : i32
    %dma_wait3A_18 = arith.constant 0 : i32
    %dma_wait3A_19 = tpu.memref_slice %arg2[%add3A, %dma_wait3A_17, %dma_wait3A_18] : memref<32x118x128xi32, #tpu.memory_space<hbm>> -> memref<1x118x128xi32, #tpu.memory_space<hbm>>
    %dma_wait3A_20 = tpu.memref_squeeze %dma_wait3A_19 : memref<1x118x128xi32, #tpu.memory_space<hbm>> -> memref<118x128xi32, #tpu.memory_space<hbm>>
    %dma_wait3A_21 = arith.constant 0 : i32
    %dma_wait3A_22 = arith.constant 0 : i32
    %dma_wait3A_23 = tpu.memref_slice %arg2[%add3A, %dma_wait3A_21, %dma_wait3A_22] : memref<32x118x128xi32, #tpu.memory_space<hbm>> -> memref<1x118x128xi32, #tpu.memory_space<hbm>>
    %dma_wait3A_24 = tpu.memref_squeeze %dma_wait3A_23 : memref<1x118x128xi32, #tpu.memory_space<hbm>> -> memref<118x128xi32, #tpu.memory_space<hbm>>
    tpu.wait_dma2 semaphore(%arg9 : memref<!tpu.dma_semaphore, #tpu.memory_space<semaphore_mem>>) src(%dma_wait3A_24 : memref<118x128xi32, #tpu.memory_space<hbm>>) dst(%arg5 : memref<118x128xi32, #tpu.memory_space<vmem>>)
    %dma_start3A_25 = arith.constant 0 : i32
    %dma_start3A_26 = arith.constant 0 : i32
    %dma_start3A_27 = tpu.memref_slice %arg3[%add3A, %dma_start3A_25, %dma_start3A_26] : memref<32x118x128xf32, #tpu.memory_space<hbm>> -> memref<1x118x128xf32, #tpu.memory_space<hbm>>
    %dma_start3A_28 = tpu.memref_squeeze %dma_start3A_27 : memref<1x118x128xf32, #tpu.memory_space<hbm>> -> memref<118x128xf32, #tpu.memory_space<hbm>>
    %dma_start3A_29 = arith.constant 0 : i32
    %dma_start3A_30 = arith.constant 0 : i32
    %dma_start3A_31 = tpu.memref_slice %arg3[%add3A, %dma_start3A_29, %dma_start3A_30] : memref<32x118x128xf32, #tpu.memory_space<hbm>> -> memref<1x118x128xf32, #tpu.memory_space<hbm>>
    %dma_start3A_32 = tpu.memref_squeeze %dma_start3A_31 : memref<1x118x128xf32, #tpu.memory_space<hbm>> -> memref<118x128xf32, #tpu.memory_space<hbm>>
    tpu.enqueue_dma source(%dma_start3A_32 : memref<118x128xf32, #tpu.memory_space<hbm>>) target(%arg6 : memref<118x128xf32, #tpu.memory_space<vmem>>) target_semaphore(%arg9 : memref<!tpu.dma_semaphore, #tpu.memory_space<semaphore_mem>>)
    %dma_wait3A_33 = arith.constant 0 : i32
    %dma_wait3A_34 = arith.constant 0 : i32
    %dma_wait3A_35 = tpu.memref_slice %arg3[%add3A, %dma_wait3A_33, %dma_wait3A_34] : memref<32x118x128xf32, #tpu.memory_space<hbm>> -> memref<1x118x128xf32, #tpu.memory_space<hbm>>
    %dma_wait3A_36 = tpu.memref_squeeze %dma_wait3A_35 : memref<1x118x128xf32, #tpu.memory_space<hbm>> -> memref<118x128xf32, #tpu.memory_space<hbm>>
    %dma_wait3A_37 = arith.constant 0 : i32
    %dma_wait3A_38 = arith.constant 0 : i32
    %dma_wait3A_39 = tpu.memref_slice %arg3[%add3A, %dma_wait3A_37, %dma_wait3A_38] : memref<32x118x128xf32, #tpu.memory_space<hbm>> -> memref<1x118x128xf32, #tpu.memory_space<hbm>>
    %dma_wait3A_40 = tpu.memref_squeeze %dma_wait3A_39 : memref<1x118x128xf32, #tpu.memory_space<hbm>> -> memref<118x128xf32, #tpu.memory_space<hbm>>
    tpu.wait_dma2 semaphore(%arg9 : memref<!tpu.dma_semaphore, #tpu.memory_space<semaphore_mem>>) src(%dma_wait3A_40 : memref<118x128xf32, #tpu.memory_space<hbm>>) dst(%arg6 : memref<118x128xf32, #tpu.memory_space<vmem>>)
    %barrier3A = arith.constant 0 : index
    tpu.barrier barrier_id(%barrier3A)
    %scan3A_41 = arith.constant 0 : i32
    %scan3A_42 = arith.constant 118 : i32
    %scan3A_43 = arith.addi %scan3A_41, %scan3A_42 : i32
    %scan3A_44 = arith.constant 1 : i32
    scf.for %scan3A_62 = %scan3A_41 to %scan3A_43 step %scan3A_44  : i32 {
      %mul3A_63 = arith.constant 1 : i32
      %mul3A_64 = arith.muli %scan3A_62, %mul3A_63 : i32
      %add3A_65 = arith.constant 0 : i32
      %add3A_66 = arith.addi %add3A_65, %mul3A_64 : i32
      "tpu.region"() ({
        %run_scoped3A = tpu.sem_alloc : memref<!tpu.dma_semaphore, #tpu.memory_space<semaphore_mem>>
        %dma_start3A_67 = arith.constant 0 : i32
        %dma_start3A_68 = tpu.memref_slice %arg6[%add3A_66, %dma_start3A_67] : memref<118x128xf32, #tpu.memory_space<vmem>> -> memref<1x128xf32, #tpu.memory_space<vmem>>
        %dma_start3A_69 = tpu.memref_squeeze %dma_start3A_68 : memref<1x128xf32, #tpu.memory_space<vmem>> -> memref<128xf32, #tpu.memory_space<vmem>>
        %dma_start3A_70 = arith.constant 0 : i32
        %dma_start3A_71 = tpu.memref_slice %arg5[%add3A_66, %dma_start3A_70] : memref<118x128xi32, #tpu.memory_space<vmem>> -> memref<1x128xi32, #tpu.memory_space<vmem>>
        %dma_start3A_72 = tpu.memref_squeeze %dma_start3A_71 : memref<1x128xi32, #tpu.memory_space<vmem>> -> memref<128xi32, #tpu.memory_space<vmem>>
        %dma_start3A_73 = arith.constant 0 : i32
        %dma_start3A_74 = tpu.memref_slice %arg8[%dma_start3A_73] : memref<320000xf32, #tpu.memory_space<vmem_shared>> -> memref<320000xf32, #tpu.memory_space<vmem_shared>>
        tpu.enqueue_indirect_dma source(%dma_start3A_69 : memref<128xf32, #tpu.memory_space<vmem>>) target(%dma_start3A_74 : memref<320000xf32, #tpu.memory_space<vmem_shared>>) offsets(%dma_start3A_72 : memref<128xi32, #tpu.memory_space<vmem>>) semaphore(%run_scoped3A : memref<!tpu.dma_semaphore, #tpu.memory_space<semaphore_mem>>) {add = true}
        %dma_wait3A_75 = arith.constant 0 : i32
        %dma_wait3A_76 = tpu.memref_slice %arg6[%add3A_66, %dma_wait3A_75] : memref<118x128xf32, #tpu.memory_space<vmem>> -> memref<1x128xf32, #tpu.memory_space<vmem>>
        %dma_wait3A_77 = tpu.memref_squeeze %dma_wait3A_76 : memref<1x128xf32, #tpu.memory_space<vmem>> -> memref<128xf32, #tpu.memory_space<vmem>>
        %dma_wait3A_78 = arith.constant 0 : i32
        %dma_wait3A_79 = tpu.memref_slice %arg5[%add3A_66, %dma_wait3A_78] : memref<118x128xi32, #tpu.memory_space<vmem>> -> memref<1x128xi32, #tpu.memory_space<vmem>>
        %dma_wait3A_80 = tpu.memref_squeeze %dma_wait3A_79 : memref<1x128xi32, #tpu.memory_space<vmem>> -> memref<128xi32, #tpu.memory_space<vmem>>
        %dma_wait3A_81 = arith.constant 0 : i32
        %dma_wait3A_82 = tpu.memref_slice %arg8[%dma_wait3A_81] : memref<320000xf32, #tpu.memory_space<vmem_shared>> -> memref<320000xf32, #tpu.memory_space<vmem_shared>>
        tpu.wait_indirect_dma semaphore(%run_scoped3A : memref<!tpu.dma_semaphore, #tpu.memory_space<semaphore_mem>>) src(%dma_wait3A_77 : memref<128xf32, #tpu.memory_space<vmem>>) dst(%dma_wait3A_82 : memref<320000xf32, #tpu.memory_space<vmem_shared>>)
        tpu.yield
      }) : () -> ()
    }
    %scan3A_45 = arith.constant 118 : i32
    %barrier3A_46 = arith.constant 0 : index
    tpu.barrier barrier_id(%barrier3A_46)
    %mul3A_47 = arith.constant 20000 : i32
    %mul3A_48 = arith.muli %arg1, %mul3A_47 : i32
    %dma_start3A_49 = tpu.memref_slice %arg8[%mul3A_48] : memref<320000xf32, #tpu.memory_space<vmem_shared>> -> memref<20000xf32, #tpu.memory_space<vmem_shared>>
    %dma_start3A_50 = tpu.memref_slice %arg8[%mul3A_48] : memref<320000xf32, #tpu.memory_space<vmem_shared>> -> memref<20000xf32, #tpu.memory_space<vmem_shared>>
    tpu.enqueue_dma source(%dma_start3A_50 : memref<20000xf32, #tpu.memory_space<vmem_shared>>) target(%arg7 : memref<20000xf32, #tpu.memory_space<vmem>>) target_semaphore(%arg9 : memref<!tpu.dma_semaphore, #tpu.memory_space<semaphore_mem>>)
    %dma_wait3A_51 = tpu.memref_slice %arg8[%mul3A_48] : memref<320000xf32, #tpu.memory_space<vmem_shared>> -> memref<20000xf32, #tpu.memory_space<vmem_shared>>
    %dma_wait3A_52 = tpu.memref_slice %arg8[%mul3A_48] : memref<320000xf32, #tpu.memory_space<vmem_shared>> -> memref<20000xf32, #tpu.memory_space<vmem_shared>>
    tpu.wait_dma2 semaphore(%arg9 : memref<!tpu.dma_semaphore, #tpu.memory_space<semaphore_mem>>) src(%dma_wait3A_52 : memref<20000xf32, #tpu.memory_space<vmem_shared>>) dst(%arg7 : memref<20000xf32, #tpu.memory_space<vmem>>)
    %mul3A_53 = arith.constant 320000 : i32
    %mul3A_54 = arith.muli %arg0, %mul3A_53 : i32
    %mul3A_55 = arith.constant 20000 : i32
    %mul3A_56 = arith.muli %arg1, %mul3A_55 : i32
    %add3A_57 = arith.addi %mul3A_54, %mul3A_56 : i32
    %dma_start3A_58 = tpu.memref_slice %arg4[%add3A_57] : memref<640000xf32, #tpu.memory_space<hbm>> -> memref<20000xf32, #tpu.memory_space<hbm>>
    %dma_start3A_59 = tpu.memref_slice %arg4[%add3A_57] : memref<640000xf32, #tpu.memory_space<hbm>> -> memref<20000xf32, #tpu.memory_space<hbm>>
    tpu.enqueue_dma source(%arg7 : memref<20000xf32, #tpu.memory_space<vmem>>) target(%dma_start3A_59 : memref<20000xf32, #tpu.memory_space<hbm>>) target_semaphore(%arg9 : memref<!tpu.dma_semaphore, #tpu.memory_space<semaphore_mem>>)
    %dma_wait3A_60 = tpu.memref_slice %arg4[%add3A_57] : memref<640000xf32, #tpu.memory_space<hbm>> -> memref<20000xf32, #tpu.memory_space<hbm>>
    %dma_wait3A_61 = tpu.memref_slice %arg4[%add3A_57] : memref<640000xf32, #tpu.memory_space<hbm>> -> memref<20000xf32, #tpu.memory_space<hbm>>
    tpu.wait_dma2 semaphore(%arg9 : memref<!tpu.dma_semaphore, #tpu.memory_space<semaphore_mem>>) src(%arg7 : memref<20000xf32, #tpu.memory_space<vmem>>) dst(%dma_wait3A_61 : memref<20000xf32, #tpu.memory_space<hbm>>)
    return
  }
}

#map = affine_map<(d0, d1) -> (0, 0, 0)>
#map1 = affine_map<(d0, d1) -> (0)>
module attributes {stable_mosaic.version = 14 : i64} {
  func.func @_gather2_body(%arg0: i32, %arg1: i32, %arg2: memref<32x118x128xi32, #tpu.memory_space<hbm>>, %arg3: memref<320000xf32, #tpu.memory_space<hbm>>, %arg4: memref<320000xf32, #tpu.memory_space<hbm>>, %arg5: memref<32x118x128xf32, #tpu.memory_space<hbm>>, %arg6: memref<32x118x128xf32, #tpu.memory_space<hbm>>, %arg7: memref<118x128xi32, #tpu.memory_space<vmem>>, %arg8: memref<118x128xf32, #tpu.memory_space<vmem>>, %arg9: memref<118x128xf32, #tpu.memory_space<vmem>>, %arg10: memref<20000xf32, #tpu.memory_space<vmem>>, %arg11: memref<320000xf32, #tpu.memory_space<vmem_shared>>, %arg12: memref<320000xf32, #tpu.memory_space<vmem_shared>>, %arg13: memref<!tpu.dma_semaphore, #tpu.memory_space<semaphore_mem>>, %arg14: memref<!tpu.dma_semaphore, #tpu.memory_space<semaphore_mem>>, %arg15: memref<!tpu.dma_semaphore, #tpu.memory_space<semaphore_mem>>) attributes {dimension_semantics = [#tpu.dimension_semantics<core_parallel>, #tpu.dimension_semantics<subcore_parallel>], iteration_bounds = array<i64: 2, 16>, scalar_prefetch = 0 : i64, scratch_operands = 9 : i64, tpu.core_type = #tpu.core_type<sc_vector_subcore>, window_params = [{transform_indices = #map}, {transform_indices = #map1}, {transform_indices = #map1}, {transform_indices = #map}, {transform_indices = #map}]} {
    %mul3A = arith.constant 2 : i32
    %mul3A_0 = arith.muli %arg1, %mul3A : i32
    %add3A = arith.addi %mul3A_0, %arg0 : i32
    %mul3A_1 = arith.constant 20000 : i32
    %mul3A_2 = arith.muli %arg1, %mul3A_1 : i32
    %dma_start3A = arith.constant 0 : i32
    %dma_start3A_3 = arith.constant 0 : i32
    %dma_start3A_4 = tpu.memref_slice %arg2[%add3A, %dma_start3A, %dma_start3A_3] : memref<32x118x128xi32, #tpu.memory_space<hbm>> -> memref<1x118x128xi32, #tpu.memory_space<hbm>>
    %dma_start3A_5 = tpu.memref_squeeze %dma_start3A_4 : memref<1x118x128xi32, #tpu.memory_space<hbm>> -> memref<118x128xi32, #tpu.memory_space<hbm>>
    %dma_start3A_6 = arith.constant 0 : i32
    %dma_start3A_7 = arith.constant 0 : i32
    %dma_start3A_8 = tpu.memref_slice %arg2[%add3A, %dma_start3A_6, %dma_start3A_7] : memref<32x118x128xi32, #tpu.memory_space<hbm>> -> memref<1x118x128xi32, #tpu.memory_space<hbm>>
    %dma_start3A_9 = tpu.memref_squeeze %dma_start3A_8 : memref<1x118x128xi32, #tpu.memory_space<hbm>> -> memref<118x128xi32, #tpu.memory_space<hbm>>
    tpu.enqueue_dma source(%dma_start3A_9 : memref<118x128xi32, #tpu.memory_space<hbm>>) target(%arg7 : memref<118x128xi32, #tpu.memory_space<vmem>>) target_semaphore(%arg13 : memref<!tpu.dma_semaphore, #tpu.memory_space<semaphore_mem>>)
    %dma_start3A_10 = tpu.memref_slice %arg3[%mul3A_2] : memref<320000xf32, #tpu.memory_space<hbm>> -> memref<20000xf32, #tpu.memory_space<hbm>>
    %dma_start3A_11 = tpu.memref_slice %arg3[%mul3A_2] : memref<320000xf32, #tpu.memory_space<hbm>> -> memref<20000xf32, #tpu.memory_space<hbm>>
    tpu.enqueue_dma source(%dma_start3A_11 : memref<20000xf32, #tpu.memory_space<hbm>>) target(%arg10 : memref<20000xf32, #tpu.memory_space<vmem>>) target_semaphore(%arg14 : memref<!tpu.dma_semaphore, #tpu.memory_space<semaphore_mem>>)
    %dma_wait3A = tpu.memref_slice %arg3[%mul3A_2] : memref<320000xf32, #tpu.memory_space<hbm>> -> memref<20000xf32, #tpu.memory_space<hbm>>
    %dma_wait3A_12 = tpu.memref_slice %arg3[%mul3A_2] : memref<320000xf32, #tpu.memory_space<hbm>> -> memref<20000xf32, #tpu.memory_space<hbm>>
    tpu.wait_dma2 semaphore(%arg14 : memref<!tpu.dma_semaphore, #tpu.memory_space<semaphore_mem>>) src(%dma_wait3A_12 : memref<20000xf32, #tpu.memory_space<hbm>>) dst(%arg10 : memref<20000xf32, #tpu.memory_space<vmem>>)
    %dma_start3A_13 = tpu.memref_slice %arg11[%mul3A_2] : memref<320000xf32, #tpu.memory_space<vmem_shared>> -> memref<20000xf32, #tpu.memory_space<vmem_shared>>
    %dma_start3A_14 = tpu.memref_slice %arg11[%mul3A_2] : memref<320000xf32, #tpu.memory_space<vmem_shared>> -> memref<20000xf32, #tpu.memory_space<vmem_shared>>
    tpu.enqueue_dma source(%arg10 : memref<20000xf32, #tpu.memory_space<vmem>>) target(%dma_start3A_14 : memref<20000xf32, #tpu.memory_space<vmem_shared>>) target_semaphore(%arg14 : memref<!tpu.dma_semaphore, #tpu.memory_space<semaphore_mem>>)
    %dma_wait3A_15 = tpu.memref_slice %arg11[%mul3A_2] : memref<320000xf32, #tpu.memory_space<vmem_shared>> -> memref<20000xf32, #tpu.memory_space<vmem_shared>>
    %dma_wait3A_16 = tpu.memref_slice %arg11[%mul3A_2] : memref<320000xf32, #tpu.memory_space<vmem_shared>> -> memref<20000xf32, #tpu.memory_space<vmem_shared>>
    tpu.wait_dma2 semaphore(%arg14 : memref<!tpu.dma_semaphore, #tpu.memory_space<semaphore_mem>>) src(%arg10 : memref<20000xf32, #tpu.memory_space<vmem>>) dst(%dma_wait3A_16 : memref<20000xf32, #tpu.memory_space<vmem_shared>>)
    %dma_start3A_17 = tpu.memref_slice %arg4[%mul3A_2] : memref<320000xf32, #tpu.memory_space<hbm>> -> memref<20000xf32, #tpu.memory_space<hbm>>
    %dma_start3A_18 = tpu.memref_slice %arg4[%mul3A_2] : memref<320000xf32, #tpu.memory_space<hbm>> -> memref<20000xf32, #tpu.memory_space<hbm>>
    tpu.enqueue_dma source(%dma_start3A_18 : memref<20000xf32, #tpu.memory_space<hbm>>) target(%arg10 : memref<20000xf32, #tpu.memory_space<vmem>>) target_semaphore(%arg15 : memref<!tpu.dma_semaphore, #tpu.memory_space<semaphore_mem>>)
    %dma_wait3A_19 = tpu.memref_slice %arg4[%mul3A_2] : memref<320000xf32, #tpu.memory_space<hbm>> -> memref<20000xf32, #tpu.memory_space<hbm>>
    %dma_wait3A_20 = tpu.memref_slice %arg4[%mul3A_2] : memref<320000xf32, #tpu.memory_space<hbm>> -> memref<20000xf32, #tpu.memory_space<hbm>>
    tpu.wait_dma2 semaphore(%arg15 : memref<!tpu.dma_semaphore, #tpu.memory_space<semaphore_mem>>) src(%dma_wait3A_20 : memref<20000xf32, #tpu.memory_space<hbm>>) dst(%arg10 : memref<20000xf32, #tpu.memory_space<vmem>>)
    %dma_start3A_21 = tpu.memref_slice %arg12[%mul3A_2] : memref<320000xf32, #tpu.memory_space<vmem_shared>> -> memref<20000xf32, #tpu.memory_space<vmem_shared>>
    %dma_start3A_22 = tpu.memref_slice %arg12[%mul3A_2] : memref<320000xf32, #tpu.memory_space<vmem_shared>> -> memref<20000xf32, #tpu.memory_space<vmem_shared>>
    tpu.enqueue_dma source(%arg10 : memref<20000xf32, #tpu.memory_space<vmem>>) target(%dma_start3A_22 : memref<20000xf32, #tpu.memory_space<vmem_shared>>) target_semaphore(%arg15 : memref<!tpu.dma_semaphore, #tpu.memory_space<semaphore_mem>>)
    %dma_wait3A_23 = tpu.memref_slice %arg12[%mul3A_2] : memref<320000xf32, #tpu.memory_space<vmem_shared>> -> memref<20000xf32, #tpu.memory_space<vmem_shared>>
    %dma_wait3A_24 = tpu.memref_slice %arg12[%mul3A_2] : memref<320000xf32, #tpu.memory_space<vmem_shared>> -> memref<20000xf32, #tpu.memory_space<vmem_shared>>
    tpu.wait_dma2 semaphore(%arg15 : memref<!tpu.dma_semaphore, #tpu.memory_space<semaphore_mem>>) src(%arg10 : memref<20000xf32, #tpu.memory_space<vmem>>) dst(%dma_wait3A_24 : memref<20000xf32, #tpu.memory_space<vmem_shared>>)
    %dma_wait3A_25 = arith.constant 0 : i32
    %dma_wait3A_26 = arith.constant 0 : i32
    %dma_wait3A_27 = tpu.memref_slice %arg2[%add3A, %dma_wait3A_25, %dma_wait3A_26] : memref<32x118x128xi32, #tpu.memory_space<hbm>> -> memref<1x118x128xi32, #tpu.memory_space<hbm>>
    %dma_wait3A_28 = tpu.memref_squeeze %dma_wait3A_27 : memref<1x118x128xi32, #tpu.memory_space<hbm>> -> memref<118x128xi32, #tpu.memory_space<hbm>>
    %dma_wait3A_29 = arith.constant 0 : i32
    %dma_wait3A_30 = arith.constant 0 : i32
    %dma_wait3A_31 = tpu.memref_slice %arg2[%add3A, %dma_wait3A_29, %dma_wait3A_30] : memref<32x118x128xi32, #tpu.memory_space<hbm>> -> memref<1x118x128xi32, #tpu.memory_space<hbm>>
    %dma_wait3A_32 = tpu.memref_squeeze %dma_wait3A_31 : memref<1x118x128xi32, #tpu.memory_space<hbm>> -> memref<118x128xi32, #tpu.memory_space<hbm>>
    tpu.wait_dma2 semaphore(%arg13 : memref<!tpu.dma_semaphore, #tpu.memory_space<semaphore_mem>>) src(%dma_wait3A_32 : memref<118x128xi32, #tpu.memory_space<hbm>>) dst(%arg7 : memref<118x128xi32, #tpu.memory_space<vmem>>)
    %barrier3A = arith.constant 0 : index
    tpu.barrier barrier_id(%barrier3A)
    %dma_start3A_33 = arith.constant 0 : i32
    %dma_start3A_34 = arith.constant 0 : i32
    %dma_start3A_35 = arith.constant 0 : i32
    %dma_start3A_36 = tpu.memref_slice %arg8[%dma_start3A_34, %dma_start3A_35] : memref<118x128xf32, #tpu.memory_space<vmem>> -> memref<1x128xf32, #tpu.memory_space<vmem>>
    %dma_start3A_37 = tpu.memref_squeeze %dma_start3A_36 : memref<1x128xf32, #tpu.memory_space<vmem>> -> memref<128xf32, #tpu.memory_space<vmem>>
    %dma_start3A_38 = arith.constant 0 : i32
    %dma_start3A_39 = tpu.memref_slice %arg7[%dma_start3A_33, %dma_start3A_38] : memref<118x128xi32, #tpu.memory_space<vmem>> -> memref<1x128xi32, #tpu.memory_space<vmem>>
    %dma_start3A_40 = tpu.memref_squeeze %dma_start3A_39 : memref<1x128xi32, #tpu.memory_space<vmem>> -> memref<128xi32, #tpu.memory_space<vmem>>
    %dma_start3A_41 = arith.constant 0 : i32
    %dma_start3A_42 = tpu.memref_slice %arg11[%dma_start3A_41] : memref<320000xf32, #tpu.memory_space<vmem_shared>> -> memref<320000xf32, #tpu.memory_space<vmem_shared>>
    tpu.enqueue_indirect_dma source(%dma_start3A_42 : memref<320000xf32, #tpu.memory_space<vmem_shared>>) target(%dma_start3A_37 : memref<128xf32, #tpu.memory_space<vmem>>) offsets(%dma_start3A_40 : memref<128xi32, #tpu.memory_space<vmem>>) semaphore(%arg14 : memref<!tpu.dma_semaphore, #tpu.memory_space<semaphore_mem>>)
    %dma_start3A_43 = arith.constant 0 : i32
    %dma_start3A_44 = arith.constant 0 : i32
    %dma_start3A_45 = arith.constant 0 : i32
    %dma_start3A_46 = tpu.memref_slice %arg9[%dma_start3A_44, %dma_start3A_45] : memref<118x128xf32, #tpu.memory_space<vmem>> -> memref<1x128xf32, #tpu.memory_space<vmem>>
    %dma_start3A_47 = tpu.memref_squeeze %dma_start3A_46 : memref<1x128xf32, #tpu.memory_space<vmem>> -> memref<128xf32, #tpu.memory_space<vmem>>
    %dma_start3A_48 = arith.constant 0 : i32
    %dma_start3A_49 = tpu.memref_slice %arg7[%dma_start3A_43, %dma_start3A_48] : memref<118x128xi32, #tpu.memory_space<vmem>> -> memref<1x128xi32, #tpu.memory_space<vmem>>
    %dma_start3A_50 = tpu.memref_squeeze %dma_start3A_49 : memref<1x128xi32, #tpu.memory_space<vmem>> -> memref<128xi32, #tpu.memory_space<vmem>>
    %dma_start3A_51 = arith.constant 0 : i32
    %dma_start3A_52 = tpu.memref_slice %arg12[%dma_start3A_51] : memref<320000xf32, #tpu.memory_space<vmem_shared>> -> memref<320000xf32, #tpu.memory_space<vmem_shared>>
    tpu.enqueue_indirect_dma source(%dma_start3A_52 : memref<320000xf32, #tpu.memory_space<vmem_shared>>) target(%dma_start3A_47 : memref<128xf32, #tpu.memory_space<vmem>>) offsets(%dma_start3A_50 : memref<128xi32, #tpu.memory_space<vmem>>) semaphore(%arg15 : memref<!tpu.dma_semaphore, #tpu.memory_space<semaphore_mem>>)
    %scan3A = arith.constant 0 : i32
    %scan3A_53 = arith.constant 117 : i32
    %scan3A_54 = arith.addi %scan3A, %scan3A_53 : i32
    %scan3A_55 = arith.constant 1 : i32
    scf.for %scan3A_109 = %scan3A to %scan3A_54 step %scan3A_55  : i32 {
      %mul3A_110 = arith.constant 1 : i32
      %mul3A_111 = arith.muli %scan3A_109, %mul3A_110 : i32
      %add3A_112 = arith.constant 0 : i32
      %add3A_113 = arith.addi %add3A_112, %mul3A_111 : i32
      %add3A_114 = arith.constant 1 : i32
      %add3A_115 = arith.addi %add3A_113, %add3A_114 : i32
      %dma_start3A_116 = arith.constant 0 : i32
      %dma_start3A_117 = tpu.memref_slice %arg8[%add3A_115, %dma_start3A_116] : memref<118x128xf32, #tpu.memory_space<vmem>> -> memref<1x128xf32, #tpu.memory_space<vmem>>
      %dma_start3A_118 = tpu.memref_squeeze %dma_start3A_117 : memref<1x128xf32, #tpu.memory_space<vmem>> -> memref<128xf32, #tpu.memory_space<vmem>>
      %dma_start3A_119 = arith.constant 0 : i32
      %dma_start3A_120 = tpu.memref_slice %arg7[%add3A_115, %dma_start3A_119] : memref<118x128xi32, #tpu.memory_space<vmem>> -> memref<1x128xi32, #tpu.memory_space<vmem>>
      %dma_start3A_121 = tpu.memref_squeeze %dma_start3A_120 : memref<1x128xi32, #tpu.memory_space<vmem>> -> memref<128xi32, #tpu.memory_space<vmem>>
      %dma_start3A_122 = arith.constant 0 : i32
      %dma_start3A_123 = tpu.memref_slice %arg11[%dma_start3A_122] : memref<320000xf32, #tpu.memory_space<vmem_shared>> -> memref<320000xf32, #tpu.memory_space<vmem_shared>>
      tpu.enqueue_indirect_dma source(%dma_start3A_123 : memref<320000xf32, #tpu.memory_space<vmem_shared>>) target(%dma_start3A_118 : memref<128xf32, #tpu.memory_space<vmem>>) offsets(%dma_start3A_121 : memref<128xi32, #tpu.memory_space<vmem>>) semaphore(%arg14 : memref<!tpu.dma_semaphore, #tpu.memory_space<semaphore_mem>>)
      %dma_start3A_124 = arith.constant 0 : i32
      %dma_start3A_125 = tpu.memref_slice %arg9[%add3A_115, %dma_start3A_124] : memref<118x128xf32, #tpu.memory_space<vmem>> -> memref<1x128xf32, #tpu.memory_space<vmem>>
      %dma_start3A_126 = tpu.memref_squeeze %dma_start3A_125 : memref<1x128xf32, #tpu.memory_space<vmem>> -> memref<128xf32, #tpu.memory_space<vmem>>
      %dma_start3A_127 = arith.constant 0 : i32
      %dma_start3A_128 = tpu.memref_slice %arg7[%add3A_115, %dma_start3A_127] : memref<118x128xi32, #tpu.memory_space<vmem>> -> memref<1x128xi32, #tpu.memory_space<vmem>>
      %dma_start3A_129 = tpu.memref_squeeze %dma_start3A_128 : memref<1x128xi32, #tpu.memory_space<vmem>> -> memref<128xi32, #tpu.memory_space<vmem>>
      %dma_start3A_130 = arith.constant 0 : i32
      %dma_start3A_131 = tpu.memref_slice %arg12[%dma_start3A_130] : memref<320000xf32, #tpu.memory_space<vmem_shared>> -> memref<320000xf32, #tpu.memory_space<vmem_shared>>
      tpu.enqueue_indirect_dma source(%dma_start3A_131 : memref<320000xf32, #tpu.memory_space<vmem_shared>>) target(%dma_start3A_126 : memref<128xf32, #tpu.memory_space<vmem>>) offsets(%dma_start3A_129 : memref<128xi32, #tpu.memory_space<vmem>>) semaphore(%arg15 : memref<!tpu.dma_semaphore, #tpu.memory_space<semaphore_mem>>)
      %dma_wait3A_132 = arith.constant 0 : i32
      %dma_wait3A_133 = tpu.memref_slice %arg8[%add3A_113, %dma_wait3A_132] : memref<118x128xf32, #tpu.memory_space<vmem>> -> memref<1x128xf32, #tpu.memory_space<vmem>>
      %dma_wait3A_134 = tpu.memref_squeeze %dma_wait3A_133 : memref<1x128xf32, #tpu.memory_space<vmem>> -> memref<128xf32, #tpu.memory_space<vmem>>
      %dma_wait3A_135 = arith.constant 0 : i32
      %dma_wait3A_136 = tpu.memref_slice %arg7[%add3A_113, %dma_wait3A_135] : memref<118x128xi32, #tpu.memory_space<vmem>> -> memref<1x128xi32, #tpu.memory_space<vmem>>
      %dma_wait3A_137 = tpu.memref_squeeze %dma_wait3A_136 : memref<1x128xi32, #tpu.memory_space<vmem>> -> memref<128xi32, #tpu.memory_space<vmem>>
      %dma_wait3A_138 = arith.constant 0 : i32
      %dma_wait3A_139 = tpu.memref_slice %arg11[%dma_wait3A_138] : memref<320000xf32, #tpu.memory_space<vmem_shared>> -> memref<320000xf32, #tpu.memory_space<vmem_shared>>
      tpu.wait_indirect_dma semaphore(%arg14 : memref<!tpu.dma_semaphore, #tpu.memory_space<semaphore_mem>>) src(%dma_wait3A_139 : memref<320000xf32, #tpu.memory_space<vmem_shared>>) dst(%dma_wait3A_134 : memref<128xf32, #tpu.memory_space<vmem>>)
      %dma_wait3A_140 = arith.constant 0 : i32
      %dma_wait3A_141 = tpu.memref_slice %arg9[%add3A_113, %dma_wait3A_140] : memref<118x128xf32, #tpu.memory_space<vmem>> -> memref<1x128xf32, #tpu.memory_space<vmem>>
      %dma_wait3A_142 = tpu.memref_squeeze %dma_wait3A_141 : memref<1x128xf32, #tpu.memory_space<vmem>> -> memref<128xf32, #tpu.memory_space<vmem>>
      %dma_wait3A_143 = arith.constant 0 : i32
      %dma_wait3A_144 = tpu.memref_slice %arg7[%add3A_113, %dma_wait3A_143] : memref<118x128xi32, #tpu.memory_space<vmem>> -> memref<1x128xi32, #tpu.memory_space<vmem>>
      %dma_wait3A_145 = tpu.memref_squeeze %dma_wait3A_144 : memref<1x128xi32, #tpu.memory_space<vmem>> -> memref<128xi32, #tpu.memory_space<vmem>>
      %dma_wait3A_146 = arith.constant 0 : i32
      %dma_wait3A_147 = tpu.memref_slice %arg12[%dma_wait3A_146] : memref<320000xf32, #tpu.memory_space<vmem_shared>> -> memref<320000xf32, #tpu.memory_space<vmem_shared>>
      tpu.wait_indirect_dma semaphore(%arg15 : memref<!tpu.dma_semaphore, #tpu.memory_space<semaphore_mem>>) src(%dma_wait3A_147 : memref<320000xf32, #tpu.memory_space<vmem_shared>>) dst(%dma_wait3A_142 : memref<128xf32, #tpu.memory_space<vmem>>)
    }
    %scan3A_56 = arith.constant 117 : i32
    %dma_wait3A_57 = arith.constant 117 : i32
    %dma_wait3A_58 = arith.constant 117 : i32
    %dma_wait3A_59 = arith.constant 0 : i32
    %dma_wait3A_60 = tpu.memref_slice %arg8[%dma_wait3A_58, %dma_wait3A_59] : memref<118x128xf32, #tpu.memory_space<vmem>> -> memref<1x128xf32, #tpu.memory_space<vmem>>
    %dma_wait3A_61 = tpu.memref_squeeze %dma_wait3A_60 : memref<1x128xf32, #tpu.memory_space<vmem>> -> memref<128xf32, #tpu.memory_space<vmem>>
    %dma_wait3A_62 = arith.constant 0 : i32
    %dma_wait3A_63 = tpu.memref_slice %arg7[%dma_wait3A_57, %dma_wait3A_62] : memref<118x128xi32, #tpu.memory_space<vmem>> -> memref<1x128xi32, #tpu.memory_space<vmem>>
    %dma_wait3A_64 = tpu.memref_squeeze %dma_wait3A_63 : memref<1x128xi32, #tpu.memory_space<vmem>> -> memref<128xi32, #tpu.memory_space<vmem>>
    %dma_wait3A_65 = arith.constant 0 : i32
    %dma_wait3A_66 = tpu.memref_slice %arg11[%dma_wait3A_65] : memref<320000xf32, #tpu.memory_space<vmem_shared>> -> memref<320000xf32, #tpu.memory_space<vmem_shared>>
    tpu.wait_indirect_dma semaphore(%arg14 : memref<!tpu.dma_semaphore, #tpu.memory_space<semaphore_mem>>) src(%dma_wait3A_66 : memref<320000xf32, #tpu.memory_space<vmem_shared>>) dst(%dma_wait3A_61 : memref<128xf32, #tpu.memory_space<vmem>>)
    %dma_wait3A_67 = arith.constant 117 : i32
    %dma_wait3A_68 = arith.constant 117 : i32
    %dma_wait3A_69 = arith.constant 0 : i32
    %dma_wait3A_70 = tpu.memref_slice %arg9[%dma_wait3A_68, %dma_wait3A_69] : memref<118x128xf32, #tpu.memory_space<vmem>> -> memref<1x128xf32, #tpu.memory_space<vmem>>
    %dma_wait3A_71 = tpu.memref_squeeze %dma_wait3A_70 : memref<1x128xf32, #tpu.memory_space<vmem>> -> memref<128xf32, #tpu.memory_space<vmem>>
    %dma_wait3A_72 = arith.constant 0 : i32
    %dma_wait3A_73 = tpu.memref_slice %arg7[%dma_wait3A_67, %dma_wait3A_72] : memref<118x128xi32, #tpu.memory_space<vmem>> -> memref<1x128xi32, #tpu.memory_space<vmem>>
    %dma_wait3A_74 = tpu.memref_squeeze %dma_wait3A_73 : memref<1x128xi32, #tpu.memory_space<vmem>> -> memref<128xi32, #tpu.memory_space<vmem>>
    %dma_wait3A_75 = arith.constant 0 : i32
    %dma_wait3A_76 = tpu.memref_slice %arg12[%dma_wait3A_75] : memref<320000xf32, #tpu.memory_space<vmem_shared>> -> memref<320000xf32, #tpu.memory_space<vmem_shared>>
    tpu.wait_indirect_dma semaphore(%arg15 : memref<!tpu.dma_semaphore, #tpu.memory_space<semaphore_mem>>) src(%dma_wait3A_76 : memref<320000xf32, #tpu.memory_space<vmem_shared>>) dst(%dma_wait3A_71 : memref<128xf32, #tpu.memory_space<vmem>>)
    %dma_start3A_77 = arith.constant 0 : i32
    %dma_start3A_78 = arith.constant 0 : i32
    %dma_start3A_79 = tpu.memref_slice %arg5[%add3A, %dma_start3A_77, %dma_start3A_78] : memref<32x118x128xf32, #tpu.memory_space<hbm>> -> memref<1x118x128xf32, #tpu.memory_space<hbm>>
    %dma_start3A_80 = tpu.memref_squeeze %dma_start3A_79 : memref<1x118x128xf32, #tpu.memory_space<hbm>> -> memref<118x128xf32, #tpu.memory_space<hbm>>
    %dma_start3A_81 = arith.constant 0 : i32
    %dma_start3A_82 = arith.constant 0 : i32
    %dma_start3A_83 = tpu.memref_slice %arg5[%add3A, %dma_start3A_81, %dma_start3A_82] : memref<32x118x128xf32, #tpu.memory_space<hbm>> -> memref<1x118x128xf32, #tpu.memory_space<hbm>>
    %dma_start3A_84 = tpu.memref_squeeze %dma_start3A_83 : memref<1x118x128xf32, #tpu.memory_space<hbm>> -> memref<118x128xf32, #tpu.memory_space<hbm>>
    tpu.enqueue_dma source(%arg8 : memref<118x128xf32, #tpu.memory_space<vmem>>) target(%dma_start3A_84 : memref<118x128xf32, #tpu.memory_space<hbm>>) target_semaphore(%arg14 : memref<!tpu.dma_semaphore, #tpu.memory_space<semaphore_mem>>)
    %dma_wait3A_85 = arith.constant 0 : i32
    %dma_wait3A_86 = arith.constant 0 : i32
    %dma_wait3A_87 = tpu.memref_slice %arg5[%add3A, %dma_wait3A_85, %dma_wait3A_86] : memref<32x118x128xf32, #tpu.memory_space<hbm>> -> memref<1x118x128xf32, #tpu.memory_space<hbm>>
    %dma_wait3A_88 = tpu.memref_squeeze %dma_wait3A_87 : memref<1x118x128xf32, #tpu.memory_space<hbm>> -> memref<118x128xf32, #tpu.memory_space<hbm>>
    %dma_wait3A_89 = arith.constant 0 : i32
    %dma_wait3A_90 = arith.constant 0 : i32
    %dma_wait3A_91 = tpu.memref_slice %arg5[%add3A, %dma_wait3A_89, %dma_wait3A_90] : memref<32x118x128xf32, #tpu.memory_space<hbm>> -> memref<1x118x128xf32, #tpu.memory_space<hbm>>
    %dma_wait3A_92 = tpu.memref_squeeze %dma_wait3A_91 : memref<1x118x128xf32, #tpu.memory_space<hbm>> -> memref<118x128xf32, #tpu.memory_space<hbm>>
    tpu.wait_dma2 semaphore(%arg14 : memref<!tpu.dma_semaphore, #tpu.memory_space<semaphore_mem>>) src(%arg8 : memref<118x128xf32, #tpu.memory_space<vmem>>) dst(%dma_wait3A_92 : memref<118x128xf32, #tpu.memory_space<hbm>>)
    %dma_start3A_93 = arith.constant 0 : i32
    %dma_start3A_94 = arith.constant 0 : i32
    %dma_start3A_95 = tpu.memref_slice %arg6[%add3A, %dma_start3A_93, %dma_start3A_94] : memref<32x118x128xf32, #tpu.memory_space<hbm>> -> memref<1x118x128xf32, #tpu.memory_space<hbm>>
    %dma_start3A_96 = tpu.memref_squeeze %dma_start3A_95 : memref<1x118x128xf32, #tpu.memory_space<hbm>> -> memref<118x128xf32, #tpu.memory_space<hbm>>
    %dma_start3A_97 = arith.constant 0 : i32
    %dma_start3A_98 = arith.constant 0 : i32
    %dma_start3A_99 = tpu.memref_slice %arg6[%add3A, %dma_start3A_97, %dma_start3A_98] : memref<32x118x128xf32, #tpu.memory_space<hbm>> -> memref<1x118x128xf32, #tpu.memory_space<hbm>>
    %dma_start3A_100 = tpu.memref_squeeze %dma_start3A_99 : memref<1x118x128xf32, #tpu.memory_space<hbm>> -> memref<118x128xf32, #tpu.memory_space<hbm>>
    tpu.enqueue_dma source(%arg9 : memref<118x128xf32, #tpu.memory_space<vmem>>) target(%dma_start3A_100 : memref<118x128xf32, #tpu.memory_space<hbm>>) target_semaphore(%arg15 : memref<!tpu.dma_semaphore, #tpu.memory_space<semaphore_mem>>)
    %dma_wait3A_101 = arith.constant 0 : i32
    %dma_wait3A_102 = arith.constant 0 : i32
    %dma_wait3A_103 = tpu.memref_slice %arg6[%add3A, %dma_wait3A_101, %dma_wait3A_102] : memref<32x118x128xf32, #tpu.memory_space<hbm>> -> memref<1x118x128xf32, #tpu.memory_space<hbm>>
    %dma_wait3A_104 = tpu.memref_squeeze %dma_wait3A_103 : memref<1x118x128xf32, #tpu.memory_space<hbm>> -> memref<118x128xf32, #tpu.memory_space<hbm>>
    %dma_wait3A_105 = arith.constant 0 : i32
    %dma_wait3A_106 = arith.constant 0 : i32
    %dma_wait3A_107 = tpu.memref_slice %arg6[%add3A, %dma_wait3A_105, %dma_wait3A_106] : memref<32x118x128xf32, #tpu.memory_space<hbm>> -> memref<1x118x128xf32, #tpu.memory_space<hbm>>
    %dma_wait3A_108 = tpu.memref_squeeze %dma_wait3A_107 : memref<1x118x128xf32, #tpu.memory_space<hbm>> -> memref<118x128xf32, #tpu.memory_space<hbm>>
    tpu.wait_dma2 semaphore(%arg15 : memref<!tpu.dma_semaphore, #tpu.memory_space<semaphore_mem>>) src(%arg9 : memref<118x128xf32, #tpu.memory_space<vmem>>) dst(%dma_wait3A_108 : memref<118x128xf32, #tpu.memory_space<hbm>>)
    return
  }
}

#map = affine_map<(d0, d1) -> (0)>
module attributes {stable_mosaic.version = 14 : i64} {
  func.func @_combine_sc_body(%arg0: i32, %arg1: i32, %arg2: memref<640000xf32, #tpu.memory_space<hbm>>, %arg3: memref<320000xf32, #tpu.memory_space<hbm>>, %arg4: memref<320000xi32, #tpu.memory_space<hbm>>, %arg5: memref<320000xf32, #tpu.memory_space<hbm>>, %arg6: memref<10000xf32, #tpu.memory_space<vmem>>, %arg7: memref<10000xf32, #tpu.memory_space<vmem>>, %arg8: memref<10000xf32, #tpu.memory_space<vmem>>, %arg9: memref<10000xi32, #tpu.memory_space<vmem>>, %arg10: memref<!tpu.dma_semaphore, #tpu.memory_space<semaphore_mem>>) attributes {dimension_semantics = [#tpu.dimension_semantics<core_parallel>, #tpu.dimension_semantics<subcore_parallel>], iteration_bounds = array<i64: 2, 16>, scalar_prefetch = 0 : i64, scratch_operands = 5 : i64, tpu.core_type = #tpu.core_type<sc_vector_subcore>, window_params = [{transform_indices = #map}, {transform_indices = #map}, {transform_indices = #map}, {transform_indices = #map}]} {
    %mul3A = arith.constant 2 : i32
    %mul3A_0 = arith.muli %arg1, %mul3A : i32
    %add3A = arith.addi %mul3A_0, %arg0 : i32
    %mul3A_1 = arith.constant 10000 : i32
    %mul3A_2 = arith.muli %add3A, %mul3A_1 : i32
    %mul3A_3 = arith.constant 10000 : i32
    %mul3A_4 = arith.muli %add3A, %mul3A_3 : i32
    %dma_start3A = tpu.memref_slice %arg2[%mul3A_4] : memref<640000xf32, #tpu.memory_space<hbm>> -> memref<10000xf32, #tpu.memory_space<hbm>>
    %dma_start3A_5 = tpu.memref_slice %arg2[%mul3A_4] : memref<640000xf32, #tpu.memory_space<hbm>> -> memref<10000xf32, #tpu.memory_space<hbm>>
    tpu.enqueue_dma source(%dma_start3A_5 : memref<10000xf32, #tpu.memory_space<hbm>>) target(%arg6 : memref<10000xf32, #tpu.memory_space<vmem>>) target_semaphore(%arg10 : memref<!tpu.dma_semaphore, #tpu.memory_space<semaphore_mem>>)
    %mul3A_6 = arith.constant 10000 : i32
    %mul3A_7 = arith.muli %add3A, %mul3A_6 : i32
    %add3A_8 = arith.constant 320000 : i32
    %add3A_9 = arith.addi %add3A_8, %mul3A_7 : i32
    %dma_start3A_10 = tpu.memref_slice %arg2[%add3A_9] : memref<640000xf32, #tpu.memory_space<hbm>> -> memref<10000xf32, #tpu.memory_space<hbm>>
    %dma_start3A_11 = tpu.memref_slice %arg2[%add3A_9] : memref<640000xf32, #tpu.memory_space<hbm>> -> memref<10000xf32, #tpu.memory_space<hbm>>
    tpu.enqueue_dma source(%dma_start3A_11 : memref<10000xf32, #tpu.memory_space<hbm>>) target(%arg7 : memref<10000xf32, #tpu.memory_space<vmem>>) target_semaphore(%arg10 : memref<!tpu.dma_semaphore, #tpu.memory_space<semaphore_mem>>)
    %dma_start3A_12 = tpu.memref_slice %arg3[%mul3A_2] : memref<320000xf32, #tpu.memory_space<hbm>> -> memref<10000xf32, #tpu.memory_space<hbm>>
    %dma_start3A_13 = tpu.memref_slice %arg3[%mul3A_2] : memref<320000xf32, #tpu.memory_space<hbm>> -> memref<10000xf32, #tpu.memory_space<hbm>>
    tpu.enqueue_dma source(%dma_start3A_13 : memref<10000xf32, #tpu.memory_space<hbm>>) target(%arg8 : memref<10000xf32, #tpu.memory_space<vmem>>) target_semaphore(%arg10 : memref<!tpu.dma_semaphore, #tpu.memory_space<semaphore_mem>>)
    %dma_start3A_14 = tpu.memref_slice %arg4[%mul3A_2] : memref<320000xi32, #tpu.memory_space<hbm>> -> memref<10000xi32, #tpu.memory_space<hbm>>
    %dma_start3A_15 = tpu.memref_slice %arg4[%mul3A_2] : memref<320000xi32, #tpu.memory_space<hbm>> -> memref<10000xi32, #tpu.memory_space<hbm>>
    tpu.enqueue_dma source(%dma_start3A_15 : memref<10000xi32, #tpu.memory_space<hbm>>) target(%arg9 : memref<10000xi32, #tpu.memory_space<vmem>>) target_semaphore(%arg10 : memref<!tpu.dma_semaphore, #tpu.memory_space<semaphore_mem>>)
    %dma_wait3A = tpu.memref_slice %arg2[%mul3A_4] : memref<640000xf32, #tpu.memory_space<hbm>> -> memref<10000xf32, #tpu.memory_space<hbm>>
    %dma_wait3A_16 = tpu.memref_slice %arg2[%mul3A_4] : memref<640000xf32, #tpu.memory_space<hbm>> -> memref<10000xf32, #tpu.memory_space<hbm>>
    tpu.wait_dma2 semaphore(%arg10 : memref<!tpu.dma_semaphore, #tpu.memory_space<semaphore_mem>>) src(%dma_wait3A_16 : memref<10000xf32, #tpu.memory_space<hbm>>) dst(%arg6 : memref<10000xf32, #tpu.memory_space<vmem>>)
    %dma_wait3A_17 = tpu.memref_slice %arg2[%add3A_9] : memref<640000xf32, #tpu.memory_space<hbm>> -> memref<10000xf32, #tpu.memory_space<hbm>>
    %dma_wait3A_18 = tpu.memref_slice %arg2[%add3A_9] : memref<640000xf32, #tpu.memory_space<hbm>> -> memref<10000xf32, #tpu.memory_space<hbm>>
    tpu.wait_dma2 semaphore(%arg10 : memref<!tpu.dma_semaphore, #tpu.memory_space<semaphore_mem>>) src(%dma_wait3A_18 : memref<10000xf32, #tpu.memory_space<hbm>>) dst(%arg7 : memref<10000xf32, #tpu.memory_space<vmem>>)
    %dma_wait3A_19 = tpu.memref_slice %arg3[%mul3A_2] : memref<320000xf32, #tpu.memory_space<hbm>> -> memref<10000xf32, #tpu.memory_space<hbm>>
    %dma_wait3A_20 = tpu.memref_slice %arg3[%mul3A_2] : memref<320000xf32, #tpu.memory_space<hbm>> -> memref<10000xf32, #tpu.memory_space<hbm>>
    tpu.wait_dma2 semaphore(%arg10 : memref<!tpu.dma_semaphore, #tpu.memory_space<semaphore_mem>>) src(%dma_wait3A_20 : memref<10000xf32, #tpu.memory_space<hbm>>) dst(%arg8 : memref<10000xf32, #tpu.memory_space<vmem>>)
    %dma_wait3A_21 = tpu.memref_slice %arg4[%mul3A_2] : memref<320000xi32, #tpu.memory_space<hbm>> -> memref<10000xi32, #tpu.memory_space<hbm>>
    %dma_wait3A_22 = tpu.memref_slice %arg4[%mul3A_2] : memref<320000xi32, #tpu.memory_space<hbm>> -> memref<10000xi32, #tpu.memory_space<hbm>>
    tpu.wait_dma2 semaphore(%arg10 : memref<!tpu.dma_semaphore, #tpu.memory_space<semaphore_mem>>) src(%dma_wait3A_22 : memref<10000xi32, #tpu.memory_space<hbm>>) dst(%arg9 : memref<10000xi32, #tpu.memory_space<vmem>>)
    %scan3A = arith.constant 0 : i32
    %scan3A_23 = arith.constant 625 : i32
    %scan3A_24 = arith.addi %scan3A, %scan3A_23 : i32
    %scan3A_25 = arith.constant 1 : i32
    scf.for %scan3A_31 = %scan3A to %scan3A_24 step %scan3A_25  : i32 {
      %mul3A_32 = arith.constant 1 : i32
      %mul3A_33 = arith.muli %scan3A_31, %mul3A_32 : i32
      %add3A_34 = arith.constant 0 : i32
      %add3A_35 = arith.addi %add3A_34, %mul3A_33 : i32
      %mul3A_36 = arith.constant 16 : i32
      %mul3A_37 = arith.muli %add3A_35, %mul3A_36 : i32
      %get3A = arith.index_cast %mul3A_37 : i32 to index
      %get3A_38 = tpu.vector_load %arg9[%get3A] {strides = array<i32>} : memref<10000xi32, #tpu.memory_space<vmem>>, vector<16xi32>,
      %get3A_39 = vector.shape_cast %get3A_38 : vector<16xi32> to vector<16xi32>
      %gt3A = arith.constant 0 : i32
      %gt3A_40 = vector.broadcast %gt3A : i32 to vector<16xi32>
      %gt3A_41 = arith.cmpi sgt, %get3A_39, %gt3A_40 : vector<16xi32>
      %get3A_42 = arith.index_cast %mul3A_37 : i32 to index
      %get3A_43 = tpu.vector_load %arg8[%get3A_42] {strides = array<i32>} : memref<10000xf32, #tpu.memory_space<vmem>>, vector<16xf32>,
      %get3A_44 = vector.shape_cast %get3A_43 : vector<16xf32> to vector<16xf32>
      %jit3A = arith.constant 0.000000e+00 : f32
      %broadcast_in_dim3A = vector.broadcast %jit3A : f32 to vector<16xf32>
      %select_n3A = arith.select %gt3A_41, %broadcast_in_dim3A, %get3A_44 : vector<16xi1>, vector<16xf32>
      %get3A_45 = arith.index_cast %mul3A_37 : i32 to index
      %get3A_46 = tpu.vector_load %arg6[%get3A_45] {strides = array<i32>} : memref<10000xf32, #tpu.memory_space<vmem>>, vector<16xf32>,
      %get3A_47 = vector.shape_cast %get3A_46 : vector<16xf32> to vector<16xf32>
      %add3A_48 = arith.addf %select_n3A, %get3A_47 : vector<16xf32>
      %get3A_49 = arith.index_cast %mul3A_37 : i32 to index
      %get3A_50 = tpu.vector_load %arg7[%get3A_49] {strides = array<i32>} : memref<10000xf32, #tpu.memory_space<vmem>>, vector<16xf32>,
      %get3A_51 = vector.shape_cast %get3A_50 : vector<16xf32> to vector<16xf32>
      %add3A_52 = arith.addf %add3A_48, %get3A_51 : vector<16xf32>
      %swap3A = arith.index_cast %mul3A_37 : i32 to index
      %swap3A_53 = tpu.vector_load %arg8[%swap3A] {strides = array<i32>} : memref<10000xf32, #tpu.memory_space<vmem>>, vector<16xf32>,
      %swap3A_54 = vector.shape_cast %swap3A_53 : vector<16xf32> to vector<16xf32>
      %swap3A_55 = vector.shape_cast %add3A_52 : vector<16xf32> to vector<16xf32>
      tpu.vector_store %arg8[%swap3A], %swap3A_55 {strides = array<i32>} : memref<10000xf32, #tpu.memory_space<vmem>>, vector<16xf32>,
    }
    %scan3A_26 = arith.constant 625 : i32
    %dma_start3A_27 = tpu.memref_slice %arg5[%mul3A_2] : memref<320000xf32, #tpu.memory_space<hbm>> -> memref<10000xf32, #tpu.memory_space<hbm>>
    %dma_start3A_28 = tpu.memref_slice %arg5[%mul3A_2] : memref<320000xf32, #tpu.memory_space<hbm>> -> memref<10000xf32, #tpu.memory_space<hbm>>
    tpu.enqueue_dma source(%arg8 : memref<10000xf32, #tpu.memory_space<vmem>>) target(%dma_start3A_28 : memref<10000xf32, #tpu.memory_space<hbm>>) target_semaphore(%arg10 : memref<!tpu.dma_semaphore, #tpu.memory_space<semaphore_mem>>)
    %dma_wait3A_29 = tpu.memref_slice %arg5[%mul3A_2] : memref<320000xf32, #tpu.memory_space<hbm>> -> memref<10000xf32, #tpu.memory_space<hbm>>
    %dma_wait3A_30 = tpu.memref_slice %arg5[%mul3A_2] : memref<320000xf32, #tpu.memory_space<hbm>> -> memref<10000xf32, #tpu.memory_space<hbm>>
    tpu.wait_dma2 semaphore(%arg10 : memref<!tpu.dma_semaphore, #tpu.memory_space<semaphore_mem>>) src(%arg8 : memref<10000xf32, #tpu.memory_space<vmem>>) dst(%dma_wait3A_30 : memref<10000xf32, #tpu.memory_space<hbm>>)
    return
  }
}

module attributes {stable_mosaic.version = 14 : i64} {
  func.func @_e2t_body(%arg0: i32, %arg1: memref<1x15104xf32, #tpu.memory_space<vmem>>, %arg2: memref<1x15104xf32, #tpu.memory_space<vmem>>, %arg3: memref<1x15104xf32, #tpu.memory_space<vmem>>, %arg4: memref<64x3xf32, #tpu.memory_space<vmem>>, %arg5: memref<64x1xf32, #tpu.memory_space<vmem>>, %arg6: memref<64x64xf32, #tpu.memory_space<vmem>>, %arg7: memref<64x1xf32, #tpu.memory_space<vmem>>, %arg8: memref<64x64xf32, #tpu.memory_space<vmem>>, %arg9: memref<64x1xf32, #tpu.memory_space<vmem>>, %arg10: memref<1x64xf32, #tpu.memory_space<vmem>>, %arg11: memref<1x1xf32, #tpu.memory_space<vmem>>, %arg12: memref<1x15104xf32, #tpu.memory_space<vmem>>) attributes {dimension_semantics = [#tpu.dimension_semantics<arbitrary>], iteration_bounds = array<i64: 32>, scalar_prefetch = 0 : i64, scratch_operands = 0 : i64, tpu.core_type = #tpu.core_type<tc>, window_params = [{transform_indices = @transform_0, window_bounds = array<i64: 1, 15104>}, {transform_indices = @transform_1, window_bounds = array<i64: 1, 15104>}, {transform_indices = @transform_2, window_bounds = array<i64: 1, 15104>}, {pipeline_mode = #tpu.pipeline_mode<synchronous>, transform_indices = @transform_3, window_bounds = array<i64: 64, 3>}, {pipeline_mode = #tpu.pipeline_mode<synchronous>, transform_indices = @transform_4, window_bounds = array<i64: 64, 1>}, {pipeline_mode = #tpu.pipeline_mode<synchronous>, transform_indices = @transform_5, window_bounds = array<i64: 64, 64>}, {pipeline_mode = #tpu.pipeline_mode<synchronous>, transform_indices = @transform_6, window_bounds = array<i64: 64, 1>}, {pipeline_mode = #tpu.pipeline_mode<synchronous>, transform_indices = @transform_7, window_bounds = array<i64: 64, 64>}, {pipeline_mode = #tpu.pipeline_mode<synchronous>, transform_indices = @transform_8, window_bounds = array<i64: 64, 1>}, {pipeline_mode = #tpu.pipeline_mode<synchronous>, transform_indices = @transform_9, window_bounds = array<i64: 1, 64>}, {pipeline_mode = #tpu.pipeline_mode<synchronous>, transform_indices = @transform_10, window_bounds = array<i64: 1, 1>}, {transform_indices = @transform_11, window_bounds = array<i64: 1, 15104>}]} {
    %get3A = arith.constant 0 : index
    %get3A_0 = arith.constant 0 : index
    %get3A_1 = vector.load %arg4[%get3A, %get3A_0] : memref<64x3xf32, #tpu.memory_space<vmem>>, vector<64x3xf32>
    %slice3A = vector.extract_strided_slice %get3A_1 {offsets = [0, 0], sizes = [64, 1], strides = [1, 1]} : vector<64x3xf32> to vector<64x1xf32>
    %get3A_2 = arith.constant 0 : index
    %get3A_3 = arith.constant 0 : index
    %get3A_4 = vector.load %arg1[%get3A_2, %get3A_3] : memref<1x15104xf32, #tpu.memory_space<vmem>>, vector<1x15104xf32>
    %mul3A = vector.broadcast %slice3A : vector<64x1xf32> to vector<64x15104xf32>
    %mul3A_5 = vector.broadcast %get3A_4 : vector<1x15104xf32> to vector<64x15104xf32>
    %mul3A_6 = arith.mulf %mul3A, %mul3A_5 : vector<64x15104xf32>
    %slice3A_7 = vector.extract_strided_slice %get3A_1 {offsets = [0, 1], sizes = [64, 1], strides = [1, 1]} : vector<64x3xf32> to vector<64x1xf32>
    %get3A_8 = arith.constant 0 : index
    %get3A_9 = arith.constant 0 : index
    %get3A_10 = vector.load %arg2[%get3A_8, %get3A_9] : memref<1x15104xf32, #tpu.memory_space<vmem>>, vector<1x15104xf32>
    %mul3A_11 = vector.broadcast %slice3A_7 : vector<64x1xf32> to vector<64x15104xf32>
    %mul3A_12 = vector.broadcast %get3A_10 : vector<1x15104xf32> to vector<64x15104xf32>
    %mul3A_13 = arith.mulf %mul3A_11, %mul3A_12 : vector<64x15104xf32>
    %add3A = arith.addf %mul3A_6, %mul3A_13 : vector<64x15104xf32>
    %slice3A_14 = vector.extract_strided_slice %get3A_1 {offsets = [0, 2], sizes = [64, 1], strides = [1, 1]} : vector<64x3xf32> to vector<64x1xf32>
    %get3A_15 = arith.constant 0 : index
    %get3A_16 = arith.constant 0 : index
    %get3A_17 = vector.load %arg3[%get3A_15, %get3A_16] : memref<1x15104xf32, #tpu.memory_space<vmem>>, vector<1x15104xf32>
    %mul3A_18 = vector.broadcast %slice3A_14 : vector<64x1xf32> to vector<64x15104xf32>
    %mul3A_19 = vector.broadcast %get3A_17 : vector<1x15104xf32> to vector<64x15104xf32>
    %mul3A_20 = arith.mulf %mul3A_18, %mul3A_19 : vector<64x15104xf32>
    %add3A_21 = arith.addf %add3A, %mul3A_20 : vector<64x15104xf32>
    %get3A_22 = arith.constant 0 : index
    %get3A_23 = arith.constant 0 : index
    %get3A_24 = vector.load %arg5[%get3A_22, %get3A_23] : memref<64x1xf32, #tpu.memory_space<vmem>>, vector<64x1xf32>
    %add3A_25 = vector.broadcast %get3A_24 : vector<64x1xf32> to vector<64x15104xf32>
    %add3A_26 = arith.addf %add3A_21, %add3A_25 : vector<64x15104xf32>
    %broadcast_in_dim3A = arith.constant 1.000000e+00 : f32
    %broadcast_in_dim3A_27 = vector.broadcast %broadcast_in_dim3A : f32 to vector<1x64xf32>
    %mul3A_28 = arith.mulf %add3A_26, %add3A_26 : vector<64x15104xf32>
    %dot_general3A = arith.constant dense<0.000000e+00> : vector<1x15104xf32>
    %dot_general3A_29 = tpu.matmul %broadcast_in_dim3A_27, %mul3A_28, %dot_general3A {dimension_numbers = #tpu.dot_dimension_numbers<[1], [0], [0], [1], [0, 0, 1, 1], [], []>, transpose_lhs_hint = false} : vector<1x64xf32>, vector<64x15104xf32>, vector<1x15104xf32> -> vector<1x15104xf32>
    %mul3A_30 = arith.constant 1.562500e-02 : f32
    %mul3A_31 = vector.broadcast %mul3A_30 : f32 to vector<1x15104xf32>
    %mul3A_32 = arith.mulf %dot_general3A_29, %mul3A_31 : vector<1x15104xf32>
    %add3A_33 = arith.constant 9.99999997E-7 : f32
    %add3A_34 = vector.broadcast %add3A_33 : f32 to vector<1x15104xf32>
    %add3A_35 = arith.addf %mul3A_32, %add3A_34 : vector<1x15104xf32>
    %rsqrt3A = math.rsqrt %add3A_35 : vector<1x15104xf32>
    %get3A_36 = arith.constant 0 : index
    %get3A_37 = arith.constant 0 : index
    %get3A_38 = vector.load %arg6[%get3A_36, %get3A_37] : memref<64x64xf32, #tpu.memory_space<vmem>>, vector<64x64xf32>
    %dot_general3A_39 = arith.constant dense<0.000000e+00> : vector<64x15104xf32>
    %dot_general3A_40 = tpu.matmul %get3A_38, %add3A_26, %dot_general3A_39 {dimension_numbers = #tpu.dot_dimension_numbers<[1], [0], [0], [1], [0, 0, 1, 1], [], []>, transpose_lhs_hint = false} : vector<64x64xf32>, vector<64x15104xf32>, vector<64x15104xf32> -> vector<64x15104xf32>
    %mul3A_41 = vector.broadcast %rsqrt3A : vector<1x15104xf32> to vector<64x15104xf32>
    %mul3A_42 = arith.mulf %dot_general3A_40, %mul3A_41 : vector<64x15104xf32>
    %get3A_43 = arith.constant 0 : index
    %get3A_44 = arith.constant 0 : index
    %get3A_45 = vector.load %arg7[%get3A_43, %get3A_44] : memref<64x1xf32, #tpu.memory_space<vmem>>, vector<64x1xf32>
    %add3A_46 = vector.broadcast %get3A_45 : vector<64x1xf32> to vector<64x15104xf32>
    %add3A_47 = arith.addf %mul3A_42, %add3A_46 : vector<64x15104xf32>
    %max3A = arith.constant 0.000000e+00 : f32
    %max3A_48 = vector.broadcast %max3A : f32 to vector<64x15104xf32>
    %max3A_49 = arith.maximumf %add3A_47, %max3A_48 : vector<64x15104xf32>
    %add3A_50 = arith.addf %add3A_26, %max3A_49 : vector<64x15104xf32>
    %mul3A_51 = arith.mulf %add3A_50, %add3A_50 : vector<64x15104xf32>
    %dot_general3A_52 = arith.constant dense<0.000000e+00> : vector<1x15104xf32>
    %dot_general3A_53 = tpu.matmul %broadcast_in_dim3A_27, %mul3A_51, %dot_general3A_52 {dimension_numbers = #tpu.dot_dimension_numbers<[1], [0], [0], [1], [0, 0, 1, 1], [], []>, transpose_lhs_hint = false} : vector<1x64xf32>, vector<64x15104xf32>, vector<1x15104xf32> -> vector<1x15104xf32>
    %mul3A_54 = arith.constant 1.562500e-02 : f32
    %mul3A_55 = vector.broadcast %mul3A_54 : f32 to vector<1x15104xf32>
    %mul3A_56 = arith.mulf %dot_general3A_53, %mul3A_55 : vector<1x15104xf32>
    %add3A_57 = arith.constant 9.99999997E-7 : f32
    %add3A_58 = vector.broadcast %add3A_57 : f32 to vector<1x15104xf32>
    %add3A_59 = arith.addf %mul3A_56, %add3A_58 : vector<1x15104xf32>
    %rsqrt3A_60 = math.rsqrt %add3A_59 : vector<1x15104xf32>
    %get3A_61 = arith.constant 0 : index
    %get3A_62 = arith.constant 0 : index
    %get3A_63 = vector.load %arg8[%get3A_61, %get3A_62] : memref<64x64xf32, #tpu.memory_space<vmem>>, vector<64x64xf32>
    %dot_general3A_64 = arith.constant dense<0.000000e+00> : vector<64x15104xf32>
    %dot_general3A_65 = tpu.matmul %get3A_63, %add3A_50, %dot_general3A_64 {dimension_numbers = #tpu.dot_dimension_numbers<[1], [0], [0], [1], [0, 0, 1, 1], [], []>, transpose_lhs_hint = false} : vector<64x64xf32>, vector<64x15104xf32>, vector<64x15104xf32> -> vector<64x15104xf32>
    %mul3A_66 = vector.broadcast %rsqrt3A_60 : vector<1x15104xf32> to vector<64x15104xf32>
    %mul3A_67 = arith.mulf %dot_general3A_65, %mul3A_66 : vector<64x15104xf32>
    %get3A_68 = arith.constant 0 : index
    %get3A_69 = arith.constant 0 : index
    %get3A_70 = vector.load %arg9[%get3A_68, %get3A_69] : memref<64x1xf32, #tpu.memory_space<vmem>>, vector<64x1xf32>
    %add3A_71 = vector.broadcast %get3A_70 : vector<64x1xf32> to vector<64x15104xf32>
    %add3A_72 = arith.addf %mul3A_67, %add3A_71 : vector<64x15104xf32>
    %max3A_73 = arith.constant 0.000000e+00 : f32
    %max3A_74 = vector.broadcast %max3A_73 : f32 to vector<64x15104xf32>
    %max3A_75 = arith.maximumf %add3A_72, %max3A_74 : vector<64x15104xf32>
    %add3A_76 = arith.addf %add3A_50, %max3A_75 : vector<64x15104xf32>
    %get3A_77 = arith.constant 0 : index
    %get3A_78 = arith.constant 0 : index
    %get3A_79 = vector.load %arg10[%get3A_77, %get3A_78] : memref<1x64xf32, #tpu.memory_space<vmem>>, vector<1x64xf32>
    %dot_general3A_80 = arith.constant dense<0.000000e+00> : vector<1x15104xf32>
    %dot_general3A_81 = tpu.matmul %get3A_79, %add3A_76, %dot_general3A_80 {dimension_numbers = #tpu.dot_dimension_numbers<[1], [0], [0], [1], [0, 0, 1, 1], [], []>, transpose_lhs_hint = false} : vector<1x64xf32>, vector<64x15104xf32>, vector<1x15104xf32> -> vector<1x15104xf32>
    %get3A_82 = arith.constant 0 : index
    %get3A_83 = arith.constant 0 : index
    %get3A_84 = vector.load %arg11[%get3A_82, %get3A_83] : memref<1x1xf32, #tpu.memory_space<vmem>>, vector<1x1xf32>
    %add3A_85 = vector.broadcast %get3A_84 : vector<1x1xf32> to vector<1x15104xf32>
    %add3A_86 = arith.addf %dot_general3A_81, %add3A_85 : vector<1x15104xf32>
    %jit3A = arith.constant -6.000000e+01 : f32
    %jit3A_87 = arith.constant 6.000000e+01 : f32
    %max3A_88 = vector.broadcast %jit3A : f32 to vector<1x15104xf32>
    %max3A_89 = arith.maximumf %max3A_88, %add3A_86 : vector<1x15104xf32>
    %min3A = vector.broadcast %jit3A_87 : f32 to vector<1x15104xf32>
    %min3A_90 = arith.minimumf %min3A, %max3A_89 : vector<1x15104xf32>
    %exp3A = math.exp %min3A_90 : vector<1x15104xf32>
    %mul3A_91 = arith.constant 15104 : i32
    %mul3A_92 = arith.muli %arg0, %mul3A_91 : i32
    %iota3A = tpu.iota {dimensions = array<i32: 1>} : vector<1x15104xi32>
    %add3A_93 = vector.broadcast %mul3A_92 : i32 to vector<1x15104xi32>
    %add3A_94 = arith.addi %add3A_93, %iota3A : vector<1x15104xi32>
    %lt3A = arith.constant 480000 : i32
    %lt3A_95 = vector.broadcast %lt3A : i32 to vector<1x15104xi32>
    %lt3A_96 = arith.cmpi slt, %add3A_94, %lt3A_95 : vector<1x15104xi32>
    %jit3A_97 = arith.constant 0.000000e+00 : f32
    %broadcast_in_dim3A_98 = vector.broadcast %jit3A_97 : f32 to vector<1x15104xf32>
    %select_n3A = arith.select %lt3A_96, %exp3A, %broadcast_in_dim3A_98 : vector<1x15104xi1>, vector<1x15104xf32>
    %swap3A = arith.constant 0 : index
    %swap3A_99 = arith.constant 0 : index
    %swap3A_100 = vector.load %arg12[%swap3A, %swap3A_99] : memref<1x15104xf32, #tpu.memory_space<vmem>>, vector<1x15104xf32>
    tpu.vector_store %arg12[%swap3A, %swap3A_99], %select_n3A {strides = array<i32>} : memref<1x15104xf32, #tpu.memory_space<vmem>>, vector<1x15104xf32>,
    return
  }
  func.func @transform_0(%arg0: i32) -> (i32, i32) {
    %c0_i32 = arith.constant 0 : i32
    %c0_i32_0 = arith.constant 0 : i32
    return %c0_i32, %arg0 : i32, i32
  }
  func.func @transform_1(%arg0: i32) -> (i32, i32) {
    %c0_i32 = arith.constant 0 : i32
    %c0_i32_0 = arith.constant 0 : i32
    return %c0_i32, %arg0 : i32, i32
  }
  func.func @transform_2(%arg0: i32) -> (i32, i32) {
    %c0_i32 = arith.constant 0 : i32
    %c0_i32_0 = arith.constant 0 : i32
    return %c0_i32, %arg0 : i32, i32
  }
  func.func @transform_3(%arg0: i32) -> (i32, i32) {
    %c0_i32 = arith.constant 0 : i32
    %c0_i32_0 = arith.constant 0 : i32
    %c0_i32_1 = arith.constant 0 : i32
    return %c0_i32, %c0_i32_0 : i32, i32
  }
  func.func @transform_4(%arg0: i32) -> (i32, i32) {
    %c0_i32 = arith.constant 0 : i32
    %c0_i32_0 = arith.constant 0 : i32
    %c0_i32_1 = arith.constant 0 : i32
    return %c0_i32, %c0_i32_0 : i32, i32
  }
  func.func @transform_5(%arg0: i32) -> (i32, i32) {
    %c0_i32 = arith.constant 0 : i32
    %c0_i32_0 = arith.constant 0 : i32
    %c0_i32_1 = arith.constant 0 : i32
    return %c0_i32, %c0_i32_0 : i32, i32
  }
  func.func @transform_6(%arg0: i32) -> (i32, i32) {
    %c0_i32 = arith.constant 0 : i32
    %c0_i32_0 = arith.constant 0 : i32
    %c0_i32_1 = arith.constant 0 : i32
    return %c0_i32, %c0_i32_0 : i32, i32
  }
  func.func @transform_7(%arg0: i32) -> (i32, i32) {
    %c0_i32 = arith.constant 0 : i32
    %c0_i32_0 = arith.constant 0 : i32
    %c0_i32_1 = arith.constant 0 : i32
    return %c0_i32, %c0_i32_0 : i32, i32
  }
  func.func @transform_8(%arg0: i32) -> (i32, i32) {
    %c0_i32 = arith.constant 0 : i32
    %c0_i32_0 = arith.constant 0 : i32
    %c0_i32_1 = arith.constant 0 : i32
    return %c0_i32, %c0_i32_0 : i32, i32
  }
  func.func @transform_9(%arg0: i32) -> (i32, i32) {
    %c0_i32 = arith.constant 0 : i32
    %c0_i32_0 = arith.constant 0 : i32
    %c0_i32_1 = arith.constant 0 : i32
    return %c0_i32, %c0_i32_0 : i32, i32
  }
  func.func @transform_10(%arg0: i32) -> (i32, i32) {
    %c0_i32 = arith.constant 0 : i32
    %c0_i32_0 = arith.constant 0 : i32
    %c0_i32_1 = arith.constant 0 : i32
    return %c0_i32, %c0_i32_0 : i32, i32
  }
  func.func @transform_11(%arg0: i32) -> (i32, i32) {
    %c0_i32 = arith.constant 0 : i32
    %c0_i32_0 = arith.constant 0 : i32
    return %c0_i32, %arg0 : i32, i32
  }
}

module attributes {stable_mosaic.version = 14 : i64} {
  func.func @_t2e_body(%arg0: i32, %arg1: memref<1x16000xf32, #tpu.memory_space<vmem>>, %arg2: memref<1x16000xf32, #tpu.memory_space<vmem>>, %arg3: memref<1x16000xf32, #tpu.memory_space<vmem>>, %arg4: memref<1x16000xf32, #tpu.memory_space<vmem>>, %arg5: memref<1x16000xf32, #tpu.memory_space<vmem>>, %arg6: memref<1x16000xf32, #tpu.memory_space<vmem>>, %arg7: memref<1x16000xf32, #tpu.memory_space<vmem>>, %arg8: memref<1x16000xf32, #tpu.memory_space<vmem>>, %arg9: memref<1x16000xf32, #tpu.memory_space<vmem>>, %arg10: memref<1x16000xf32, #tpu.memory_space<vmem>>, %arg11: memref<1x16000xf32, #tpu.memory_space<vmem>>, %arg12: memref<1x16000xf32, #tpu.memory_space<vmem>>, %arg13: memref<1x16000xf32, #tpu.memory_space<vmem>>, %arg14: memref<1x16000xf32, #tpu.memory_space<vmem>>, %arg15: memref<1x16000xf32, #tpu.memory_space<vmem>>, %arg16: memref<64x3xf32, #tpu.memory_space<vmem>>, %arg17: memref<64x1xf32, #tpu.memory_space<vmem>>, %arg18: memref<64x64xf32, #tpu.memory_space<vmem>>, %arg19: memref<64x1xf32, #tpu.memory_space<vmem>>, %arg20: memref<64x64xf32, #tpu.memory_space<vmem>>, %arg21: memref<64x1xf32, #tpu.memory_space<vmem>>, %arg22: memref<3x64xf32, #tpu.memory_space<vmem>>, %arg23: memref<3x1xf32, #tpu.memory_space<vmem>>, %arg24: memref<1x16000xf32, #tpu.memory_space<vmem>>, %arg25: memref<1x16000xf32, #tpu.memory_space<vmem>>, %arg26: memref<1x16000xf32, #tpu.memory_space<vmem>>, %arg27: memref<1x16000xf32, #tpu.memory_space<vmem>>, %arg28: memref<1x16000xf32, #tpu.memory_space<vmem>>, %arg29: memref<1x16000xf32, #tpu.memory_space<vmem>>) attributes {dimension_semantics = [#tpu.dimension_semantics<arbitrary>], iteration_bounds = array<i64: 10>, scalar_prefetch = 0 : i64, scratch_operands = 0 : i64, tpu.core_type = #tpu.core_type<tc>, window_params = [{transform_indices = @transform_0, window_bounds = array<i64: 1, 16000>}, {transform_indices = @transform_1, window_bounds = array<i64: 1, 16000>}, {transform_indices = @transform_2, window_bounds = array<i64: 1, 16000>}, {transform_indices = @transform_3, window_bounds = array<i64: 1, 16000>}, {transform_indices = @transform_4, window_bounds = array<i64: 1, 16000>}, {transform_indices = @transform_5, window_bounds = array<i64: 1, 16000>}, {transform_indices = @transform_6, window_bounds = array<i64: 1, 16000>}, {transform_indices = @transform_7, window_bounds = array<i64: 1, 16000>}, {transform_indices = @transform_8, window_bounds = array<i64: 1, 16000>}, {transform_indices = @transform_9, window_bounds = array<i64: 1, 16000>}, {transform_indices = @transform_10, window_bounds = array<i64: 1, 16000>}, {transform_indices = @transform_11, window_bounds = array<i64: 1, 16000>}, {transform_indices = @transform_12, window_bounds = array<i64: 1, 16000>}, {transform_indices = @transform_13, window_bounds = array<i64: 1, 16000>}, {transform_indices = @transform_14, window_bounds = array<i64: 1, 16000>}, {pipeline_mode = #tpu.pipeline_mode<synchronous>, transform_indices = @transform_15, window_bounds = array<i64: 64, 3>}, {pipeline_mode = #tpu.pipeline_mode<synchronous>, transform_indices = @transform_16, window_bounds = array<i64: 64, 1>}, {pipeline_mode = #tpu.pipeline_mode<synchronous>, transform_indices = @transform_17, window_bounds = array<i64: 64, 64>}, {pipeline_mode = #tpu.pipeline_mode<synchronous>, transform_indices = @transform_18, window_bounds = array<i64: 64, 1>}, {pipeline_mode = #tpu.pipeline_mode<synchronous>, transform_indices = @transform_19, window_bounds = array<i64: 64, 64>}, {pipeline_mode = #tpu.pipeline_mode<synchronous>, transform_indices = @transform_20, window_bounds = array<i64: 64, 1>}, {pipeline_mode = #tpu.pipeline_mode<synchronous>, transform_indices = @transform_21, window_bounds = array<i64: 3, 64>}, {pipeline_mode = #tpu.pipeline_mode<synchronous>, transform_indices = @transform_22, window_bounds = array<i64: 3, 1>}, {transform_indices = @transform_23, window_bounds = array<i64: 1, 16000>}, {transform_indices = @transform_24, window_bounds = array<i64: 1, 16000>}, {transform_indices = @transform_25, window_bounds = array<i64: 1, 16000>}, {transform_indices = @transform_26, window_bounds = array<i64: 1, 16000>}, {transform_indices = @transform_27, window_bounds = array<i64: 1, 16000>}, {transform_indices = @transform_28, window_bounds = array<i64: 1, 16000>}]} {
    %get3A = arith.constant 0 : index
    %get3A_0 = arith.constant 0 : index
    %get3A_1 = vector.load %arg1[%get3A, %get3A_0] : memref<1x16000xf32, #tpu.memory_space<vmem>>, vector<1x16000xf32>
    %get3A_2 = arith.constant 0 : index
    %get3A_3 = arith.constant 0 : index
    %get3A_4 = vector.load %arg7[%get3A_2, %get3A_3] : memref<1x16000xf32, #tpu.memory_space<vmem>>, vector<1x16000xf32>
    %get3A_5 = arith.constant 0 : index
    %get3A_6 = arith.constant 0 : index
    %get3A_7 = vector.load %arg10[%get3A_5, %get3A_6] : memref<1x16000xf32, #tpu.memory_space<vmem>>, vector<1x16000xf32>
    %add3A = arith.addf %get3A_4, %get3A_7 : vector<1x16000xf32>
    %div3A = arith.divf %get3A_1, %add3A : vector<1x16000xf32>
    %get3A_8 = arith.constant 0 : index
    %get3A_9 = arith.constant 0 : index
    %get3A_10 = vector.load %arg13[%get3A_8, %get3A_9] : memref<1x16000xf32, #tpu.memory_space<vmem>>, vector<1x16000xf32>
    %get3A_11 = arith.constant 0 : index
    %get3A_12 = arith.constant 0 : index
    %get3A_13 = vector.load %arg4[%get3A_11, %get3A_12] : memref<1x16000xf32, #tpu.memory_space<vmem>>, vector<1x16000xf32>
    %mul3A = arith.mulf %get3A_13, %div3A : vector<1x16000xf32>
    %add3A_14 = arith.addf %get3A_10, %mul3A : vector<1x16000xf32>
    %get3A_15 = arith.constant 0 : index
    %get3A_16 = arith.constant 0 : index
    %get3A_17 = vector.load %arg2[%get3A_15, %get3A_16] : memref<1x16000xf32, #tpu.memory_space<vmem>>, vector<1x16000xf32>
    %get3A_18 = arith.constant 0 : index
    %get3A_19 = arith.constant 0 : index
    %get3A_20 = vector.load %arg8[%get3A_18, %get3A_19] : memref<1x16000xf32, #tpu.memory_space<vmem>>, vector<1x16000xf32>
    %get3A_21 = arith.constant 0 : index
    %get3A_22 = arith.constant 0 : index
    %get3A_23 = vector.load %arg11[%get3A_21, %get3A_22] : memref<1x16000xf32, #tpu.memory_space<vmem>>, vector<1x16000xf32>
    %add3A_24 = arith.addf %get3A_20, %get3A_23 : vector<1x16000xf32>
    %div3A_25 = arith.divf %get3A_17, %add3A_24 : vector<1x16000xf32>
    %get3A_26 = arith.constant 0 : index
    %get3A_27 = arith.constant 0 : index
    %get3A_28 = vector.load %arg14[%get3A_26, %get3A_27] : memref<1x16000xf32, #tpu.memory_space<vmem>>, vector<1x16000xf32>
    %get3A_29 = arith.constant 0 : index
    %get3A_30 = arith.constant 0 : index
    %get3A_31 = vector.load %arg5[%get3A_29, %get3A_30] : memref<1x16000xf32, #tpu.memory_space<vmem>>, vector<1x16000xf32>
    %mul3A_32 = arith.mulf %get3A_31, %div3A_25 : vector<1x16000xf32>
    %add3A_33 = arith.addf %get3A_28, %mul3A_32 : vector<1x16000xf32>
    %get3A_34 = arith.constant 0 : index
    %get3A_35 = arith.constant 0 : index
    %get3A_36 = vector.load %arg3[%get3A_34, %get3A_35] : memref<1x16000xf32, #tpu.memory_space<vmem>>, vector<1x16000xf32>
    %get3A_37 = arith.constant 0 : index
    %get3A_38 = arith.constant 0 : index
    %get3A_39 = vector.load %arg9[%get3A_37, %get3A_38] : memref<1x16000xf32, #tpu.memory_space<vmem>>, vector<1x16000xf32>
    %get3A_40 = arith.constant 0 : index
    %get3A_41 = arith.constant 0 : index
    %get3A_42 = vector.load %arg12[%get3A_40, %get3A_41] : memref<1x16000xf32, #tpu.memory_space<vmem>>, vector<1x16000xf32>
    %add3A_43 = arith.addf %get3A_39, %get3A_42 : vector<1x16000xf32>
    %div3A_44 = arith.divf %get3A_36, %add3A_43 : vector<1x16000xf32>
    %get3A_45 = arith.constant 0 : index
    %get3A_46 = arith.constant 0 : index
    %get3A_47 = vector.load %arg15[%get3A_45, %get3A_46] : memref<1x16000xf32, #tpu.memory_space<vmem>>, vector<1x16000xf32>
    %get3A_48 = arith.constant 0 : index
    %get3A_49 = arith.constant 0 : index
    %get3A_50 = vector.load %arg6[%get3A_48, %get3A_49] : memref<1x16000xf32, #tpu.memory_space<vmem>>, vector<1x16000xf32>
    %mul3A_51 = arith.mulf %get3A_50, %div3A_44 : vector<1x16000xf32>
    %add3A_52 = arith.addf %get3A_47, %mul3A_51 : vector<1x16000xf32>
    %get3A_53 = arith.constant 0 : index
    %get3A_54 = arith.constant 0 : index
    %get3A_55 = vector.load %arg16[%get3A_53, %get3A_54] : memref<64x3xf32, #tpu.memory_space<vmem>>, vector<64x3xf32>
    %slice3A = vector.extract_strided_slice %get3A_55 {offsets = [0, 0], sizes = [64, 1], strides = [1, 1]} : vector<64x3xf32> to vector<64x1xf32>
    %mul3A_56 = vector.broadcast %slice3A : vector<64x1xf32> to vector<64x16000xf32>
    %mul3A_57 = vector.broadcast %add3A_14 : vector<1x16000xf32> to vector<64x16000xf32>
    %mul3A_58 = arith.mulf %mul3A_56, %mul3A_57 : vector<64x16000xf32>
    %slice3A_59 = vector.extract_strided_slice %get3A_55 {offsets = [0, 1], sizes = [64, 1], strides = [1, 1]} : vector<64x3xf32> to vector<64x1xf32>
    %mul3A_60 = vector.broadcast %slice3A_59 : vector<64x1xf32> to vector<64x16000xf32>
    %mul3A_61 = vector.broadcast %add3A_33 : vector<1x16000xf32> to vector<64x16000xf32>
    %mul3A_62 = arith.mulf %mul3A_60, %mul3A_61 : vector<64x16000xf32>
    %add3A_63 = arith.addf %mul3A_58, %mul3A_62 : vector<64x16000xf32>
    %slice3A_64 = vector.extract_strided_slice %get3A_55 {offsets = [0, 2], sizes = [64, 1], strides = [1, 1]} : vector<64x3xf32> to vector<64x1xf32>
    %mul3A_65 = vector.broadcast %slice3A_64 : vector<64x1xf32> to vector<64x16000xf32>
    %mul3A_66 = vector.broadcast %add3A_52 : vector<1x16000xf32> to vector<64x16000xf32>
    %mul3A_67 = arith.mulf %mul3A_65, %mul3A_66 : vector<64x16000xf32>
    %add3A_68 = arith.addf %add3A_63, %mul3A_67 : vector<64x16000xf32>
    %get3A_69 = arith.constant 0 : index
    %get3A_70 = arith.constant 0 : index
    %get3A_71 = vector.load %arg17[%get3A_69, %get3A_70] : memref<64x1xf32, #tpu.memory_space<vmem>>, vector<64x1xf32>
    %add3A_72 = vector.broadcast %get3A_71 : vector<64x1xf32> to vector<64x16000xf32>
    %add3A_73 = arith.addf %add3A_68, %add3A_72 : vector<64x16000xf32>
    %broadcast_in_dim3A = arith.constant 1.000000e+00 : f32
    %broadcast_in_dim3A_74 = vector.broadcast %broadcast_in_dim3A : f32 to vector<1x64xf32>
    %mul3A_75 = arith.mulf %add3A_73, %add3A_73 : vector<64x16000xf32>
    %dot_general3A = arith.constant dense<0.000000e+00> : vector<1x16000xf32>
    %dot_general3A_76 = tpu.matmul %broadcast_in_dim3A_74, %mul3A_75, %dot_general3A {dimension_numbers = #tpu.dot_dimension_numbers<[1], [0], [0], [1], [0, 0, 1, 1], [], []>, transpose_lhs_hint = false} : vector<1x64xf32>, vector<64x16000xf32>, vector<1x16000xf32> -> vector<1x16000xf32>
    %mul3A_77 = arith.constant 1.562500e-02 : f32
    %mul3A_78 = vector.broadcast %mul3A_77 : f32 to vector<1x16000xf32>
    %mul3A_79 = arith.mulf %dot_general3A_76, %mul3A_78 : vector<1x16000xf32>
    %add3A_80 = arith.constant 9.99999997E-7 : f32
    %add3A_81 = vector.broadcast %add3A_80 : f32 to vector<1x16000xf32>
    %add3A_82 = arith.addf %mul3A_79, %add3A_81 : vector<1x16000xf32>
    %rsqrt3A = math.rsqrt %add3A_82 : vector<1x16000xf32>
    %get3A_83 = arith.constant 0 : index
    %get3A_84 = arith.constant 0 : index
    %get3A_85 = vector.load %arg18[%get3A_83, %get3A_84] : memref<64x64xf32, #tpu.memory_space<vmem>>, vector<64x64xf32>
    %dot_general3A_86 = arith.constant dense<0.000000e+00> : vector<64x16000xf32>
    %dot_general3A_87 = tpu.matmul %get3A_85, %add3A_73, %dot_general3A_86 {dimension_numbers = #tpu.dot_dimension_numbers<[1], [0], [0], [1], [0, 0, 1, 1], [], []>, transpose_lhs_hint = false} : vector<64x64xf32>, vector<64x16000xf32>, vector<64x16000xf32> -> vector<64x16000xf32>
    %mul3A_88 = vector.broadcast %rsqrt3A : vector<1x16000xf32> to vector<64x16000xf32>
    %mul3A_89 = arith.mulf %dot_general3A_87, %mul3A_88 : vector<64x16000xf32>
    %get3A_90 = arith.constant 0 : index
    %get3A_91 = arith.constant 0 : index
    %get3A_92 = vector.load %arg19[%get3A_90, %get3A_91] : memref<64x1xf32, #tpu.memory_space<vmem>>, vector<64x1xf32>
    %add3A_93 = vector.broadcast %get3A_92 : vector<64x1xf32> to vector<64x16000xf32>
    %add3A_94 = arith.addf %mul3A_89, %add3A_93 : vector<64x16000xf32>
    %max3A = arith.constant 0.000000e+00 : f32
    %max3A_95 = vector.broadcast %max3A : f32 to vector<64x16000xf32>
    %max3A_96 = arith.maximumf %add3A_94, %max3A_95 : vector<64x16000xf32>
    %add3A_97 = arith.addf %add3A_73, %max3A_96 : vector<64x16000xf32>
    %mul3A_98 = arith.mulf %add3A_97, %add3A_97 : vector<64x16000xf32>
    %dot_general3A_99 = arith.constant dense<0.000000e+00> : vector<1x16000xf32>
    %dot_general3A_100 = tpu.matmul %broadcast_in_dim3A_74, %mul3A_98, %dot_general3A_99 {dimension_numbers = #tpu.dot_dimension_numbers<[1], [0], [0], [1], [0, 0, 1, 1], [], []>, transpose_lhs_hint = false} : vector<1x64xf32>, vector<64x16000xf32>, vector<1x16000xf32> -> vector<1x16000xf32>
    %mul3A_101 = arith.constant 1.562500e-02 : f32
    %mul3A_102 = vector.broadcast %mul3A_101 : f32 to vector<1x16000xf32>
    %mul3A_103 = arith.mulf %dot_general3A_100, %mul3A_102 : vector<1x16000xf32>
    %add3A_104 = arith.constant 9.99999997E-7 : f32
    %add3A_105 = vector.broadcast %add3A_104 : f32 to vector<1x16000xf32>
    %add3A_106 = arith.addf %mul3A_103, %add3A_105 : vector<1x16000xf32>
    %rsqrt3A_107 = math.rsqrt %add3A_106 : vector<1x16000xf32>
    %get3A_108 = arith.constant 0 : index
    %get3A_109 = arith.constant 0 : index
    %get3A_110 = vector.load %arg20[%get3A_108, %get3A_109] : memref<64x64xf32, #tpu.memory_space<vmem>>, vector<64x64xf32>
    %dot_general3A_111 = arith.constant dense<0.000000e+00> : vector<64x16000xf32>
    %dot_general3A_112 = tpu.matmul %get3A_110, %add3A_97, %dot_general3A_111 {dimension_numbers = #tpu.dot_dimension_numbers<[1], [0], [0], [1], [0, 0, 1, 1], [], []>, transpose_lhs_hint = false} : vector<64x64xf32>, vector<64x16000xf32>, vector<64x16000xf32> -> vector<64x16000xf32>
    %mul3A_113 = vector.broadcast %rsqrt3A_107 : vector<1x16000xf32> to vector<64x16000xf32>
    %mul3A_114 = arith.mulf %dot_general3A_112, %mul3A_113 : vector<64x16000xf32>
    %get3A_115 = arith.constant 0 : index
    %get3A_116 = arith.constant 0 : index
    %get3A_117 = vector.load %arg21[%get3A_115, %get3A_116] : memref<64x1xf32, #tpu.memory_space<vmem>>, vector<64x1xf32>
    %add3A_118 = vector.broadcast %get3A_117 : vector<64x1xf32> to vector<64x16000xf32>
    %add3A_119 = arith.addf %mul3A_114, %add3A_118 : vector<64x16000xf32>
    %max3A_120 = arith.constant 0.000000e+00 : f32
    %max3A_121 = vector.broadcast %max3A_120 : f32 to vector<64x16000xf32>
    %max3A_122 = arith.maximumf %add3A_119, %max3A_121 : vector<64x16000xf32>
    %add3A_123 = arith.addf %add3A_97, %max3A_122 : vector<64x16000xf32>
    %get3A_124 = arith.constant 0 : index
    %get3A_125 = arith.constant 0 : index
    %get3A_126 = vector.load %arg22[%get3A_124, %get3A_125] : memref<3x64xf32, #tpu.memory_space<vmem>>, vector<3x64xf32>
    %dot_general3A_127 = arith.constant dense<0.000000e+00> : vector<3x16000xf32>
    %dot_general3A_128 = tpu.matmul %get3A_126, %add3A_123, %dot_general3A_127 {dimension_numbers = #tpu.dot_dimension_numbers<[1], [0], [0], [1], [0, 0, 1, 1], [], []>, transpose_lhs_hint = false} : vector<3x64xf32>, vector<64x16000xf32>, vector<3x16000xf32> -> vector<3x16000xf32>
    %get3A_129 = arith.constant 0 : index
    %get3A_130 = arith.constant 0 : index
    %get3A_131 = vector.load %arg23[%get3A_129, %get3A_130] : memref<3x1xf32, #tpu.memory_space<vmem>>, vector<3x1xf32>
    %add3A_132 = vector.broadcast %get3A_131 : vector<3x1xf32> to vector<3x16000xf32>
    %add3A_133 = arith.addf %dot_general3A_128, %add3A_132 : vector<3x16000xf32>
    %slice3A_134 = vector.extract_strided_slice %add3A_133 {offsets = [0, 0], sizes = [1, 16000], strides = [1, 1]} : vector<3x16000xf32> to vector<1x16000xf32>
    %swap3A = arith.constant 0 : index
    %swap3A_135 = arith.constant 0 : index
    %swap3A_136 = vector.load %arg27[%swap3A, %swap3A_135] : memref<1x16000xf32, #tpu.memory_space<vmem>>, vector<1x16000xf32>
    tpu.vector_store %arg27[%swap3A, %swap3A_135], %slice3A_134 {strides = array<i32>} : memref<1x16000xf32, #tpu.memory_space<vmem>>, vector<1x16000xf32>,
    %sub3A = arith.subf %add3A_14, %slice3A_134 : vector<1x16000xf32>
    %swap3A_137 = arith.constant 0 : index
    %swap3A_138 = arith.constant 0 : index
    %swap3A_139 = vector.load %arg24[%swap3A_137, %swap3A_138] : memref<1x16000xf32, #tpu.memory_space<vmem>>, vector<1x16000xf32>
    tpu.vector_store %arg24[%swap3A_137, %swap3A_138], %sub3A {strides = array<i32>} : memref<1x16000xf32, #tpu.memory_space<vmem>>, vector<1x16000xf32>,
    %slice3A_140 = vector.extract_strided_slice %add3A_133 {offsets = [1, 0], sizes = [1, 16000], strides = [1, 1]} : vector<3x16000xf32> to vector<1x16000xf32>
    %swap3A_141 = arith.constant 0 : index
    %swap3A_142 = arith.constant 0 : index
    %swap3A_143 = vector.load %arg28[%swap3A_141, %swap3A_142] : memref<1x16000xf32, #tpu.memory_space<vmem>>, vector<1x16000xf32>
    tpu.vector_store %arg28[%swap3A_141, %swap3A_142], %slice3A_140 {strides = array<i32>} : memref<1x16000xf32, #tpu.memory_space<vmem>>, vector<1x16000xf32>,
    %sub3A_144 = arith.subf %add3A_33, %slice3A_140 : vector<1x16000xf32>
    %swap3A_145 = arith.constant 0 : index
    %swap3A_146 = arith.constant 0 : index
    %swap3A_147 = vector.load %arg25[%swap3A_145, %swap3A_146] : memref<1x16000xf32, #tpu.memory_space<vmem>>, vector<1x16000xf32>
    tpu.vector_store %arg25[%swap3A_145, %swap3A_146], %sub3A_144 {strides = array<i32>} : memref<1x16000xf32, #tpu.memory_space<vmem>>, vector<1x16000xf32>,
    %slice3A_148 = vector.extract_strided_slice %add3A_133 {offsets = [2, 0], sizes = [1, 16000], strides = [1, 1]} : vector<3x16000xf32> to vector<1x16000xf32>
    %swap3A_149 = arith.constant 0 : index
    %swap3A_150 = arith.constant 0 : index
    %swap3A_151 = vector.load %arg29[%swap3A_149, %swap3A_150] : memref<1x16000xf32, #tpu.memory_space<vmem>>, vector<1x16000xf32>
    tpu.vector_store %arg29[%swap3A_149, %swap3A_150], %slice3A_148 {strides = array<i32>} : memref<1x16000xf32, #tpu.memory_space<vmem>>, vector<1x16000xf32>,
    %sub3A_152 = arith.subf %add3A_52, %slice3A_148 : vector<1x16000xf32>
    %swap3A_153 = arith.constant 0 : index
    %swap3A_154 = arith.constant 0 : index
    %swap3A_155 = vector.load %arg26[%swap3A_153, %swap3A_154] : memref<1x16000xf32, #tpu.memory_space<vmem>>, vector<1x16000xf32>
    tpu.vector_store %arg26[%swap3A_153, %swap3A_154], %sub3A_152 {strides = array<i32>} : memref<1x16000xf32, #tpu.memory_space<vmem>>, vector<1x16000xf32>,
    return
  }
  func.func @transform_0(%arg0: i32) -> (i32, i32) {
    %add3A = arith.constant 0 : i32
    %add3A_0 = arith.addi %add3A, %arg0 : i32
    %c0_i32 = arith.constant 0 : i32
    %c0_i32_1 = arith.constant 0 : i32
    return %c0_i32, %add3A_0 : i32, i32
  }
  func.func @transform_1(%arg0: i32) -> (i32, i32) {
    %add3A = arith.constant 10 : i32
    %add3A_0 = arith.addi %add3A, %arg0 : i32
    %c0_i32 = arith.constant 0 : i32
    %c0_i32_1 = arith.constant 0 : i32
    return %c0_i32, %add3A_0 : i32, i32
  }
  func.func @transform_2(%arg0: i32) -> (i32, i32) {
    %add3A = arith.constant 20 : i32
    %add3A_0 = arith.addi %add3A, %arg0 : i32
    %c0_i32 = arith.constant 0 : i32
    %c0_i32_1 = arith.constant 0 : i32
    return %c0_i32, %add3A_0 : i32, i32
  }
  func.func @transform_3(%arg0: i32) -> (i32, i32) {
    %add3A = arith.constant 0 : i32
    %add3A_0 = arith.addi %add3A, %arg0 : i32
    %c0_i32 = arith.constant 0 : i32
    %c0_i32_1 = arith.constant 0 : i32
    return %c0_i32, %add3A_0 : i32, i32
  }
  func.func @transform_4(%arg0: i32) -> (i32, i32) {
    %add3A = arith.constant 10 : i32
    %add3A_0 = arith.addi %add3A, %arg0 : i32
    %c0_i32 = arith.constant 0 : i32
    %c0_i32_1 = arith.constant 0 : i32
    return %c0_i32, %add3A_0 : i32, i32
  }
  func.func @transform_5(%arg0: i32) -> (i32, i32) {
    %add3A = arith.constant 20 : i32
    %add3A_0 = arith.addi %add3A, %arg0 : i32
    %c0_i32 = arith.constant 0 : i32
    %c0_i32_1 = arith.constant 0 : i32
    return %c0_i32, %add3A_0 : i32, i32
  }
  func.func @transform_6(%arg0: i32) -> (i32, i32) {
    %add3A = arith.constant 0 : i32
    %add3A_0 = arith.addi %add3A, %arg0 : i32
    %c0_i32 = arith.constant 0 : i32
    %c0_i32_1 = arith.constant 0 : i32
    return %c0_i32, %add3A_0 : i32, i32
  }
  func.func @transform_7(%arg0: i32) -> (i32, i32) {
    %add3A = arith.constant 10 : i32
    %add3A_0 = arith.addi %add3A, %arg0 : i32
    %c0_i32 = arith.constant 0 : i32
    %c0_i32_1 = arith.constant 0 : i32
    return %c0_i32, %add3A_0 : i32, i32
  }
  func.func @transform_8(%arg0: i32) -> (i32, i32) {
    %add3A = arith.constant 20 : i32
    %add3A_0 = arith.addi %add3A, %arg0 : i32
    %c0_i32 = arith.constant 0 : i32
    %c0_i32_1 = arith.constant 0 : i32
    return %c0_i32, %add3A_0 : i32, i32
  }
  func.func @transform_9(%arg0: i32) -> (i32, i32) {
    %add3A = arith.constant 0 : i32
    %add3A_0 = arith.addi %add3A, %arg0 : i32
    %c0_i32 = arith.constant 0 : i32
    %c0_i32_1 = arith.constant 0 : i32
    return %c0_i32, %add3A_0 : i32, i32
  }
  func.func @transform_10(%arg0: i32) -> (i32, i32) {
    %add3A = arith.constant 10 : i32
    %add3A_0 = arith.addi %add3A, %arg0 : i32
    %c0_i32 = arith.constant 0 : i32
    %c0_i32_1 = arith.constant 0 : i32
    return %c0_i32, %add3A_0 : i32, i32
  }
  func.func @transform_11(%arg0: i32) -> (i32, i32) {
    %add3A = arith.constant 20 : i32
    %add3A_0 = arith.addi %add3A, %arg0 : i32
    %c0_i32 = arith.constant 0 : i32
    %c0_i32_1 = arith.constant 0 : i32
    return %c0_i32, %add3A_0 : i32, i32
  }
  func.func @transform_12(%arg0: i32) -> (i32, i32) {
    %add3A = arith.constant 0 : i32
    %add3A_0 = arith.addi %add3A, %arg0 : i32
    %c0_i32 = arith.constant 0 : i32
    %c0_i32_1 = arith.constant 0 : i32
    return %c0_i32, %add3A_0 : i32, i32
  }
  func.func @transform_13(%arg0: i32) -> (i32, i32) {
    %add3A = arith.constant 10 : i32
    %add3A_0 = arith.addi %add3A, %arg0 : i32
    %c0_i32 = arith.constant 0 : i32
    %c0_i32_1 = arith.constant 0 : i32
    return %c0_i32, %add3A_0 : i32, i32
  }
  func.func @transform_14(%arg0: i32) -> (i32, i32) {
    %add3A = arith.constant 20 : i32
    %add3A_0 = arith.addi %add3A, %arg0 : i32
    %c0_i32 = arith.constant 0 : i32
    %c0_i32_1 = arith.constant 0 : i32
    return %c0_i32, %add3A_0 : i32, i32
  }
  func.func @transform_15(%arg0: i32) -> (i32, i32) {
    %c0_i32 = arith.constant 0 : i32
    %c0_i32_0 = arith.constant 0 : i32
    %c0_i32_1 = arith.constant 0 : i32
    return %c0_i32, %c0_i32_0 : i32, i32
  }
  func.func @transform_16(%arg0: i32) -> (i32, i32) {
    %c0_i32 = arith.constant 0 : i32
    %c0_i32_0 = arith.constant 0 : i32
    %c0_i32_1 = arith.constant 0 : i32
    return %c0_i32, %c0_i32_0 : i32, i32
  }
  func.func @transform_17(%arg0: i32) -> (i32, i32) {
    %c0_i32 = arith.constant 0 : i32
    %c0_i32_0 = arith.constant 0 : i32
    %c0_i32_1 = arith.constant 0 : i32
    return %c0_i32, %c0_i32_0 : i32, i32
  }
  func.func @transform_18(%arg0: i32) -> (i32, i32) {
    %c0_i32 = arith.constant 0 : i32
    %c0_i32_0 = arith.constant 0 : i32
    %c0_i32_1 = arith.constant 0 : i32
    return %c0_i32, %c0_i32_0 : i32, i32
  }
  func.func @transform_19(%arg0: i32) -> (i32, i32) {
    %c0_i32 = arith.constant 0 : i32
    %c0_i32_0 = arith.constant 0 : i32
    %c0_i32_1 = arith.constant 0 : i32
    return %c0_i32, %c0_i32_0 : i32, i32
  }
  func.func @transform_20(%arg0: i32) -> (i32, i32) {
    %c0_i32 = arith.constant 0 : i32
    %c0_i32_0 = arith.constant 0 : i32
    %c0_i32_1 = arith.constant 0 : i32
    return %c0_i32, %c0_i32_0 : i32, i32
  }
  func.func @transform_21(%arg0: i32) -> (i32, i32) {
    %c0_i32 = arith.constant 0 : i32
    %c0_i32_0 = arith.constant 0 : i32
    %c0_i32_1 = arith.constant 0 : i32
    return %c0_i32, %c0_i32_0 : i32, i32
  }
  func.func @transform_22(%arg0: i32) -> (i32, i32) {
    %c0_i32 = arith.constant 0 : i32
    %c0_i32_0 = arith.constant 0 : i32
    %c0_i32_1 = arith.constant 0 : i32
    return %c0_i32, %c0_i32_0 : i32, i32
  }
  func.func @transform_23(%arg0: i32) -> (i32, i32) {
    %c0_i32 = arith.constant 0 : i32
    %c0_i32_0 = arith.constant 0 : i32
    return %c0_i32, %arg0 : i32, i32
  }
  func.func @transform_24(%arg0: i32) -> (i32, i32) {
    %c0_i32 = arith.constant 0 : i32
    %c0_i32_0 = arith.constant 0 : i32
    return %c0_i32, %arg0 : i32, i32
  }
  func.func @transform_25(%arg0: i32) -> (i32, i32) {
    %c0_i32 = arith.constant 0 : i32
    %c0_i32_0 = arith.constant 0 : i32
    return %c0_i32, %arg0 : i32, i32
  }
  func.func @transform_26(%arg0: i32) -> (i32, i32) {
    %c0_i32 = arith.constant 0 : i32
    %c0_i32_0 = arith.constant 0 : i32
    return %c0_i32, %arg0 : i32, i32
  }
  func.func @transform_27(%arg0: i32) -> (i32, i32) {
    %c0_i32 = arith.constant 0 : i32
    %c0_i32_0 = arith.constant 0 : i32
    return %c0_i32, %arg0 : i32, i32
  }
  func.func @transform_28(%arg0: i32) -> (i32, i32) {
    %c0_i32 = arith.constant 0 : i32
    %c0_i32_0 = arith.constant 0 : i32
    return %c0_i32, %arg0 : i32, i32
  }
}

</mosaic_0001>

<sc_bundles>
// kernel: _run.12.cloned.1.call-start
scs
__scs_entry_jumppad:
0x0: {  	(pc) =	sbr.rel $0x88, $3  }
0x1: {  	(tag) =	ssettag $0x0;
	lr =	simm.s32 $0x1  }
0x2: {  	[smem:$0x3F85] =	sst lr;
	_ =	strace $0xD0000000  }
0x3: {  	_ = 	snop  }
0x4: {  	_ = 	snop  }
0x5: {  	_ = 	snop  }
0x6: {  	_ = 	snop  }
0x7: {  	_ = 	snop  }
__scs_overlays_trampoline_lowered:
0x8: {  	[smem:$0x3F94] =	sst s0  }
0x9: {  	[smem:$0x3F95] =	sst s1  }
0xa: {  	[smem:$0x3F96] =	sst s2  }
0xb: {  	[smem:$0x3F97] =	sst s3  }
0xc: {  	[smem:$0x3F98] =	sst s4  }
0xd: {  	[smem:$0x3F99] =	sst s5  }
0xe: {  	[smem:$0x3F9A] =	sst s6  }
0xf: {  	[smem:$0x3F9B] =	sst s7  }
0x10: {  	[smem:$0x3F9C] =	sst s8  }
0x11: {  	[smem:$0x3F9D] =	sst s9;
	s0 =	simm.s32 @!p0 $0x0  }
0x12: {  	s1 =	sld [smem:$0x3F83];
	s0 =	simm.s32 @p0 $0x1  }
0x13: {  	[smem:$0x3F9E] =	sst s0;
	s0 =	simm.s32 @!p1 $0x0  }
0x14: {  	s2 =	sld [smem:$0x3F82];
	s0 =	simm.s32 @p1 $0x1  }
0x15: {  	[smem:$0x3F9F] =	sst s0;
	s0 =	simm.s32 @!p2 $0x0  }
0x16: {  	s3 =	sld [smem:$0x3FDB];
	s0 =	simm.s32 @p2 $0x1  }
0x17: {  	s4 =	simm.s32 $0x1BF5;
	[smem:$0x3FA1] =	sst s0  }
0x18: {  	s0 =	sld [smem:$0x3F84];
	_ =	swait.ge [sflag:s4], $0x0  }
0x19: {  	s7 =	sld [smem:$0x3F85]  }
0x1a: {  	s8 =	sadd.s32 $0xFFFFE003, lr  }
0x1b: {  	s9 =	sadd.s32 $0xFFFFFEF7, lr;
	s5 =	simm.s32 $0xFFFFFFFF;
	p2 =	slt.u32 s8, $0xFFFFF086  }
0x1c: {  	p1 =	slt.u32 s9, $0xF7A;
	s5 =	simm.s32 @!p2 $0x0  }
0x1d: {  	s5 =	simm.s32 @p1 $0x1;
	p0 =	seq.s32 s7, s2  }
0x1e: {  	s7 =	smul.u32 @!p0 $0xF7A, s2;
	p2 =	seq.s32 @!p0 s5, $0x0  }
0x1f: {  	s9 =	smul.u32 $0xF7A, s1;
	s8 =	simm.s32 @!p0 $0x1BF5;
	p2 =	por !p2, p0  }
0x20: {  	[sflag:s8] =	ssyncset.s32 @!p0 $0xFFFFF086;
	s6 =	sadd.s32 @!p0 s3, s7;
	s7 =	simm.s32 @!p0 $0x108  }
0x21: {  	s3 =	sadd.s32 s3, s9;
	s6 =	sadd.s32 @!p0 $0x88, s6;
	s7 =	simm.s32 @p2 $0x1082  }
0x22: {  	[simem:s7], [sflag:s8] =	dma.local @!p0 [hbm:s6], $0xF7A  }
0x23: {  	s9 =	sor.u32 $0xD0000000, s2;
	s6 =	simm.s32 $0x108;
	_ =	swait.ge @!p0 [sflag:s8], $0x0  }
0x24: {  	s3 =	sadd.s32 $0x88, s3;
	s6 =	simm.s32 @!p1 $0x1082;
	[sflag:s4] =	ssyncset.s32 $0xFFFFF086  }
0x25: {  	[simem:s6], [sflag:s4] =	dma.local [hbm:s3], $0xF7A  }
0x26: {  	[smem:$0x3F85] =	sst s1;
	(tag) =	ssettag s2;
	_ =	strace s9  }
0x27: {  	s1 =	sld [smem:$0x3F95]  }
0x28: {  	s2 =	sld [smem:$0x3F96]  }
0x29: {  	s4 =	sld [smem:$0x3F98]  }
0x2a: {  	p0 =	seq.s32 s5, $0x0;
	s5 =	sld [smem:$0x3F99]  }
0x2b: {  	s6 =	sld [smem:$0x3F9A]  }
0x2c: {  	s7 =	sld [smem:$0x3F9B]  }
0x2d: {  	s3 =	simm.s32 $0x108;
	s8 =	sld [smem:$0x3F9C]  }
0x2e: {  	s3 =	simm.s32 @!p0 $0x1082;
	s9 =	sld [smem:$0x3F9D]  }
0x2f: {  	lr =	sadd.s32 s0, s3;
	s0 =	sld [smem:$0x3F94]  }
0x30: {  	s3 =	sld [smem:$0x3F97]  }
0x31: {  	[smem:$0x3FA0] =	sst s10  }
0x32: {  	s10 =	sld [smem:$0x3F9E];
	_ =	sdelay $0x3  }
0x33: {  	p0 =	seq.s32 s10, $0x1;
	s10 =	sld [smem:$0x3FA0];
	_ =	sdelay $0x3  }
0x34: {  	[smem:$0x3FA0] =	sst s10  }
0x35: {  	s10 =	sld [smem:$0x3F9F];
	_ =	sdelay $0x3  }
0x36: {  	p1 =	seq.s32 s10, $0x1;
	s10 =	sld [smem:$0x3FA0];
	_ =	sdelay $0x3  }
0x37: {  	[smem:$0x3FA0] =	sst s10  }
0x38: {  	s10 =	sld [smem:$0x3FA1]  }
0x39: {  	_ = 	snop;
	(pc) =	sbr.ind lr, $3  }
0x3a: {  	_ = 	snop  }
0x3b: {  	_ = 	snop  }
0x3c: {  	p2 =	seq.s32 s10, $0x1;
	s10 =	sld [smem:$0x3FA0]  }
0x3d: {  	_ =	shalt  }
0x3e: {  	_ =	shalt  }
0x3f: {  	_ =	shalt  }
0x40: {  	_ =	shalt  }
0x41: {  	_ =	shalt  }
0x42: {  	_ =	shalt  }
0x43: {  	_ =	shalt  }
0x44: {  	_ =	shalt  }
0x45: {  	_ =	shalt  }
0x46: {  	_ =	shalt  }
0x47: {  	_ =	shalt  }
0x48: {  	_ =	shalt  }
0x49: {  	_ =	shalt  }
0x4a: {  	_ =	shalt  }
0x4b: {  	_ =	shalt  }
0x4c: {  	_ =	shalt  }
0x4d: {  	_ =	shalt  }
0x4e: {  	_ =	shalt  }
0x4f: {  	_ =	shalt  }
0x50: {  	_ =	shalt  }
0x51: {  	_ =	shalt  }
0x52: {  	_ =	shalt  }
0x53: {  	_ =	shalt  }
0x54: {  	_ =	shalt  }
0x55: {  	_ =	shalt  }
0x56: {  	_ =	shalt  }
0x57: {  	_ =	shalt  }
0x58: {  	_ =	shalt  }
0x59: {  	_ =	shalt  }
0x5a: {  	_ =	shalt  }
0x5b: {  	_ =	shalt  }
0x5c: {  	_ =	shalt  }
0x5d: {  	_ =	shalt  }
0x5e: {  	_ =	shalt  }
0x5f: {  	_ =	shalt  }
0x60: {  	_ =	shalt  }
0x61: {  	_ =	shalt  }
0x62: {  	_ =	shalt  }
0x63: {  	_ =	shalt  }
0x64: {  	_ =	shalt  }
0x65: {  	_ =	shalt  }
0x66: {  	_ =	shalt  }
0x67: {  	_ =	shalt  }
0x68: {  	_ =	shalt  }
0x69: {  	_ =	shalt  }
0x6a: {  	_ =	shalt  }
0x6b: {  	_ =	shalt  }
0x6c: {  	_ =	shalt  }
0x6d: {  	_ =	shalt  }
0x6e: {  	_ =	shalt  }
0x6f: {  	_ =	shalt  }
0x70: {  	_ =	shalt  }
0x71: {  	_ =	shalt  }
0x72: {  	_ =	shalt  }
0x73: {  	_ =	shalt  }
0x74: {  	_ =	shalt  }
0x75: {  	_ =	shalt  }
0x76: {  	_ =	shalt  }
0x77: {  	_ =	shalt  }
0x78: {  	_ =	shalt  }
0x79: {  	_ =	shalt  }
0x7a: {  	_ =	shalt  }
0x7b: {  	_ =	shalt  }
0x7c: {  	_ =	shalt  }
0x7d: {  	_ =	shalt  }
0x7e: {  	_ =	shalt  }
0x7f: {  	_ =	shalt  }
0x80: {  	_ =	shalt  }
0x81: {  	_ =	shalt  }
0x82: {  	_ =	shalt  }
0x83: {  	_ =	shalt  }
0x84: {  	_ =	shalt  }
0x85: {  	_ =	shalt  }
0x86: {  	_ =	shalt  }
0x87: {  	_ =	shalt  }
.Lfunc_end0:
.L_simem_size_0:
called_computation.1_lowered:
.L_overlay_start_0:
0x88: {  	s2 =	sld [smem:$0x3FD9]  }
0x89: {  	s3 =	sld [smem:$0x3FFE];
	_ =	sdelay $0x1  }
0x8a: {  	s1 =	srdreg.scid  }
0x8b: {  	s0 =	sand.u32 $0x1, s1  }
0x8c: {  	s16 =	sshll.u32 s0, $0xA;
	s2 =	sadd.s32 s3, s2  }
0x8d: {  	s2 =	sadd.s32 s2, s16  }
0x8e: {  	[smem:$0x3FAC] =	sst s2  }
0x8f: {  	_ = 	snop  }
0x90: {  	(tm) =	ssettm $0x1  }
0x91: {  	s17 =	sld [smem:$0x3FFB];
	_ =	sdelay $0x3  }
0x92: {  	_ =	strace s17  }
0x93: {  	s2 =	sld [smem:$0x3FFC];
	_ =	sdelay $0x3  }
0x94: {  	_ =	strace s2  }
0x95: {  	s2 =	sld [smem:$0x3FFD];
	_ =	sdelay $0x3  }
0x96: {  	_ =	strace s2  }
0x97: {  	_ =	strace $0x8FFFFFFF  }
0x98: {  	s18 =	sld [smem:$0x3FDB];
	_ =	sdelay $0x1  }
0x99: {  	s19 =	simm.s32 $_scs_section_size  }
0x9a: {  	s4 =	simm.s32 $_size__tile_overlayer_lowered;
	s5 =	simm.s32 $_tile_overlayer_lowered  }
0x9b: {  	s22 =	simm.s32 $0x1BFF;
	s21 =	sshll.u32 s5, $0x1;
	s2 =	sadd.s32 s19, s18  }
0x9c: {  	s6 =	simm.s32 $0x0;
	s20 =	sshll.u32 s4, $0x1;
	s4 =	sadd.s32 s21, s2  }
0x9d: {  	[timem:s6], [sflag:s22] =	dma.local [hbm:s4], s20  }
0x9e: {  	_ =	swait.ge [sflag:s22], s20  }
0x9f: {  	s3 =	ssub.s32 $0x0, s20;
	[sflag:s22] =	ssyncset.done $0x0  }
0xa0: {  	[sflag:s22] =	ssyncadd.s32 s3;
	_ =	sdelay $0x1  }
0xa1: {  	s23 =	simm.s32 $0x1B8B  }
0xa2: {  	_ =	swait.ge [sflag:s23], $0x1  }
0xa3: {  	[sflag:s23] =	ssyncset.done $0x0  }
0xa4: {  	s25 =	simm.s32 $0x1B8E;
	s24 =	sld [smem:$0x3FFE];
	[sflag:s23] =	ssyncadd.s32 $0xFFFFFFFF  }
0xa5: {  	s26 =	simm.s32 $execute0_lowered;
	[smem:$0x3FD2] =	sst s25  }
0xa6: {  	s4 =	sshll.u32 s26, $0x1;
	_ =	strace $0x80000049;
	[dreg:$0x1] =	wrdreg $0xFFFFFFFF  }
0xa7: {  	s28 =	simm.s32 $_size_execute0_lowered;
	s2 =	sadd.s32 s2, s4;
	[dreg:$0x0] =	wrdreg $0x0  }
0xa8: {  	s4 =	sshll.u32 s28, $0x1;
	[dreg:$0x2] =	wrdreg s2  }
0xa9: {  	[dreg:$0x3] =	wrdreg s4  }
0xaa: {  	[dreg:$0x4] =	wrdreg $0xC0  }
0xab: {  	_ =	task [dreg:s6], $0x5FFFF  }
0xac: {  	[dreg:$0x1] =	wrdreg $0xFFFFFFFF  }
0xad: {  	[dreg:$0x0] =	wrdreg $0x60  }
0xae: {  	[dreg:$0x2] =	wrdreg s24  }
0xaf: {  	[dreg:$0x3] =	wrdreg $0xC6800  }
0xb0: {  	[dreg:$0x4] =	wrdreg $0x9  }
0xb1: {  	_ =	task.clear_ibuf [dreg:s6], $0x5FFFF;
	_ =	strace $0x90000049  }
0xb2: {  	s29 =	simm.s32 $0x9;
	_ =	strace $0x8000004B  }
0xb3: {  	_ =	swait.ge [sflag:s29], $0x1  }
0xb4: {  	[sflag:s29] =	ssyncadd.s32 $0xFFFFFFFF  }
0xb5: {  	_ =	strace $0x9000004B  }
0xb6: {  	_ =	sfence  }
0xb7: {  	s30 =	sld [smem:$0x0];
	_ =	sdelay $0x2  }
0xb8: {  	s31 =	sshll.u32 s1, $0xD;
	s1 =	sshrl.u32 s1, $0x2  }
0xb9: {  	s3 =	sand.u32 $0x4000, s31;
	s1 =	sadd.s32 s1, s30  }
0xba: {  	s0 =	sor.u32 s3, s0;
	s1 =	sshll.u32 s1, $0x11  }
0xbb: {  	s0 =	sor.u32 s1, s0  }
0xbc: {  	s0 =	sadd.s32 $0x8F2B, s0  }
0xbd: {  	[sflag:s0] =	ssyncadd.remote.s32 $0x1  }
0xbe: {  	_ =	sfence.sel $0xFFFF  }
0xbf: {  	[dreg:$0x0] =	wrdreg $0xFFFFFFFF;
	(pc) =	sbr.abs _section_cstart, $3  }
0xc0: {  	[dreg:$0x1] =	wrdreg $0xFFFFFFFF  }
0xc1: {  	_ =	task.clear_ibuf [dreg:s6], $0x2FFFF;
	_ =	strace $0x9FFFFFFF  }
0xc2: {  	(tm) =	ssettm $0x7FFFFFFF  }
0xc3: {  	_ =	shalt  }
tec
execute0_lowered:
.L_overlay_start_1:
0x0: {  	(tag) =	ssettag $0x1  }
0x1: {  	s1 =	srdreg.scid;
	s4 =	rddreg [dreg:$0x0]  }
0x2: {  	s0 =	stileid.u32;
	s2 =	rddreg [dreg:$0x1];
	s3 =	simm.s32 $0x0  }
0x3: {  	s10 =	simm.s32 $0x1;
	s11 =	simm.s32 $0x3C00;
	s12 =	simm.s32 $0x80  }
0x4: {  	s13 =	simm.s32 $0x2;
	s5 =	sand.u32 $0x1, s1;
	s6 =	smul.u32 $0x4E20, s0  }
0x5: {  	s7 =	sshll.u32 s0, $0x1;
	s1 =	rddreg [dreg:$0x2];
	s8 =	smul.u32 $0x4E200, s5  }
0x6: {  	s14 =	simm.s32 $0x0;
	[smem:$0x7FF] =	sst s3;
	s7 =	sor.u32 s5, s7  }
0x7: {  	s5 =	ssub.s32 $0x2, s5;
	s7 =	smul.u32 $0x780, s7;
	s8 =	sadd.s32 s6, s8  }
0x8: {  	_ =	strace $0x8000004A;
	s31 =	sshrl.u32 s5, $0x1;
	s8 =	sshrl.u32 s8, $0x3  }
0x9: {  	s9 =	ssub.s32 s5, s31;
	s7 =	sadd.s32 s7, s4;
	s8 =	sadd.s32 s8, s4  }
0xa: {  	s4 =	sadd.s32 s6, s2;
	s5 =	sadd.s32 $0x2C00, s7;
	s6 =	sadd.s32 $0x11C00, s7  }
0xb: {  	v0 =	vimm.f32 $0.0e+00;
	s7 =	sadd.s32 $0x20C00, s8;
	s8 =	smax.u32 s9, $0x1;
	s9 =	simm.s32 $0x7800  }
.LBB2_1:
0xc: {  	s15 =	simm.s32 $0x40;
	s16 =	simm.s32 $0x0  }
.LBB2_2:
0xd: {  	p0 =	sne.s32 s15, $0x13840;
	[tilespmem:s16+$0x7800] =	vst v0;
	s16 =	smov.u32 s15;
	s15 =	sadd.s32 $0x40, s15  }
.Ltmp0:
0xe: {  	(pc) =	sbr.rel @p0 .LBB2_2-.Ltmp0, $2  }
0xf: {  	_ =	sdelay $0x2  }
0x10: {  	s16 =	sshra.s32 s16, $0x2  }
0x11: {  	[tilespmem:s16+$0x7800] =	vst v0  }
0x12: {  	[spmem:s4] =	stream.linear.scatter [tilespmem:s9], [sflag:$0x1], $0x4E20, $0x38;
	[tilespmem:$0x114A0] =	vst v63  }
0x13: {  	_ =	swait.ge [sflag:s10], $0x4E20  }
0x14: {  	[sflag:s10] =	ssyncset.done $0x0  }
0x15: {  	s15 =	simm.s32 $0x0;
	[sflag:s10] =	ssyncadd.s32 $0xFFFFB1E0  }
0x16: {  	[tilespmem:s15], [sflag:$0x1] =	stream.linear.gather [hbm4b:s5+s15], $0x3B00, $0x38;
	[tilespmem:$0x114A0] =	vst v63  }
0x17: {  	_ =	swait.ge [sflag:s10], $0x3B00  }
0x18: {  	[sflag:s10] =	ssyncset.done $0x0  }
0x19: {  	[sflag:s10] =	ssyncadd.s32 $0xFFFFC500  }
0x1a: {  	[tilespmem:s11], [sflag:$0x1] =	stream.linear.gather [hbm4b:s6+s15], $0x3B00, $0x38;
	[tilespmem:$0x114A0] =	vst v63  }
0x1b: {  	_ =	swait.ge [sflag:s10], $0x3B00  }
0x1c: {  	[sflag:s10] =	ssyncset.done $0x0  }
0x1d: {  	[sflag:s10] =	ssyncadd.s32 $0xFFFFC500  }
0x1e: {  	s30 =	simm.s32 $0x0;
	s31 =	simm.s32 $0x3C00;
	[bflag:$0x0] =	sbarrier.arrive $0xFFFF  }
0x1f: {  	[spmem:s2] =	stream.indirect.scatter.add.f32 [tilespmem:s31], [sflag:$0x2], $0x1, s30, s12, $0xb8;
	[tilespmem:$0x114A0] =	vst v63  }
0x20: {  	s15 =	simm.s32 $0x200;
	_ =	swait.ge [sflag:s13], $0x80  }
.LBB2_4:
0x21: {  	s16 =	sshra.s32 s15, $0x2;
	[sflag:s13] =	ssyncset.done $0x0;
	p0 =	sne.s32 s15, $0xEA00  }
.Ltmp1:
0x22: {  	s17 =	sadd.s32 $0x3C00, s16;
	[sflag:s13] =	ssyncadd.s32 $0xFFFFFF80;
	(pc) =	sbr.rel @p0 .LBB2_4-.Ltmp1, $3  }
0x23: {  	[spmem:s2] =	stream.indirect.scatter.add.f32 [tilespmem:s17], [sflag:$0x2], $0x1, s16, s12, $0xb8;
	[tilespmem:$0x114A0] =	vst v63  }
0x24: {  	s15 =	sadd.s32 $0x200, s15;
	_ =	sdelay $0x1  }
0x25: {  	_ =	swait.ge [sflag:s13], $0x80  }
0x26: {  	[sflag:s13] =	ssyncset.done $0x0  }
0x27: {  	[sflag:s13] =	ssyncadd.s32 $0xFFFFFF80  }
0x28: {  	[bflag:$0x0] =	sbarrier.arrive $0xFFFF  }
0x29: {  	[tilespmem:s9], [sflag:$0x1] =	stream.linear.gather [spmem:s4], $0x4E20, $0x38;
	[tilespmem:$0x114A0] =	vst v63  }
0x2a: {  	s14 =	sadd.s32 $0x1, s14;
	_ =	swait.ge [sflag:s10], $0x4E20  }
0x2b: {  	p0 =	sne.s32 s14, s8;
	[sflag:s10] =	ssyncset.done $0x0  }
.Ltmp2:
0x2c: {  	[sflag:s10] =	ssyncadd.s32 $0xFFFFB1E0;
	(pc) =	sbr.rel @p0 .LBB2_1-.Ltmp2, $4  }
0x2d: {  	[hbm4b:s7+s3] =	stream.linear.scatter [tilespmem:s9], [sflag:$0x1], $0x4E20, $0x38;
	[tilespmem:$0x114A0] =	vst v63  }
0x2e: {  	_ =	swait.ge [sflag:s10], $0x4E20  }
0x2f: {  	[sflag:s10] =	ssyncset.done $0x0  }
0x30: {  	[sflag:s10] =	ssyncadd.s32 $0xFFFFB1E0  }
0x31: {  	_ =	sfence.sel $0x180000  }
0x32: {  	[bflag:$0x0] =	sbarrier.arrive $0xFFFF  }
0x33: {  	p0 =	sne.s32 s0, $0x0;
	_ =	strace $0x9000004A  }
0x34: {  	s0 =	sadd.s32 @!p0 $0x100000, s1;
	[bflag:$0x2] =	sbarrier.arrive $0xFFFF  }
0x35: {  	[sflag:s0] =	ssyncadd.tile.s32 @!p0 $0x1;
	_ =	shalt  }
.Lfunc_end2:
_tile_overlayer_lowered:
.L_overlay_start_2:
0x36: {  	(tag) =	ssettag $0x2  }
0x37: {  	s0 =	rddreg [dreg:$0x0];
	s2 =	stileid.u32  }
0x38: {  	s1 =	rddreg [dreg:$0x1];
	p0 =	sne.s32 s2, $0x0  }
0x39: {  	s3 =	rddreg [dreg:$0x2];
	[bflag:$0x3] =	sbarrier.arrive $0xFFFF;
	s2 =	simm.s32 @!p0 $0x1C02  }
0x3a: {  	[timem:s3], [sflag:s2] =	dma.local @!p0 [hbm:s0], s1  }
0x3b: {  	s0 =	simm.s32 @!p0 $0x2  }
0x3c: {  	_ =	swait.ge @!p0 [sflag:s0], s1  }
0x3d: {  	s1 =	ssub.s32 @!p0 $0x0, s1;
	[sflag:s0] =	ssyncset.done @!p0 $0x0  }
0x3e: {  	[sflag:s0] =	ssyncadd.s32 @!p0 s1  }
0x3f: {  	[bflag:$0x3] =	sbarrier.arrive $0xFFFF  }
0x40: {  	_ =	shalt  }

// kernel: _run.15.cloned.1.call-start
scs
__scs_entry_jumppad:
0x0: {  	(pc) =	sbr.rel $0x88, $3  }
0x1: {  	(tag) =	ssettag $0x0;
	lr =	simm.s32 $0x1  }
0x2: {  	[smem:$0x3F85] =	sst lr;
	_ =	strace $0xD0000000  }
0x3: {  	_ = 	snop  }
0x4: {  	_ = 	snop  }
0x5: {  	_ = 	snop  }
0x6: {  	_ = 	snop  }
0x7: {  	_ = 	snop  }
__scs_overlays_trampoline_lowered:
0x8: {  	[smem:$0x3F94] =	sst s0  }
0x9: {  	[smem:$0x3F95] =	sst s1  }
0xa: {  	[smem:$0x3F96] =	sst s2  }
0xb: {  	[smem:$0x3F97] =	sst s3  }
0xc: {  	[smem:$0x3F98] =	sst s4  }
0xd: {  	[smem:$0x3F99] =	sst s5  }
0xe: {  	[smem:$0x3F9A] =	sst s6  }
0xf: {  	[smem:$0x3F9B] =	sst s7  }
0x10: {  	[smem:$0x3F9C] =	sst s8  }
0x11: {  	[smem:$0x3F9D] =	sst s9;
	s0 =	simm.s32 @!p0 $0x0  }
0x12: {  	s1 =	sld [smem:$0x3F83];
	s0 =	simm.s32 @p0 $0x1  }
0x13: {  	[smem:$0x3F9E] =	sst s0;
	s0 =	simm.s32 @!p1 $0x0  }
0x14: {  	s2 =	sld [smem:$0x3F82];
	s0 =	simm.s32 @p1 $0x1  }
0x15: {  	[smem:$0x3F9F] =	sst s0;
	s0 =	simm.s32 @!p2 $0x0  }
0x16: {  	s3 =	sld [smem:$0x3FDB];
	s0 =	simm.s32 @p2 $0x1  }
0x17: {  	s4 =	simm.s32 $0x1BF5;
	[smem:$0x3FA1] =	sst s0  }
0x18: {  	s0 =	sld [smem:$0x3F84];
	_ =	swait.ge [sflag:s4], $0x0  }
0x19: {  	s7 =	sld [smem:$0x3F85]  }
0x1a: {  	s8 =	sadd.s32 $0xFFFFE003, lr  }
0x1b: {  	s9 =	sadd.s32 $0xFFFFFEF7, lr;
	s5 =	simm.s32 $0xFFFFFFFF;
	p2 =	slt.u32 s8, $0xFFFFF086  }
0x1c: {  	p1 =	slt.u32 s9, $0xF7A;
	s5 =	simm.s32 @!p2 $0x0  }
0x1d: {  	s5 =	simm.s32 @p1 $0x1;
	p0 =	seq.s32 s7, s2  }
0x1e: {  	s7 =	smul.u32 @!p0 $0xF7A, s2;
	p2 =	seq.s32 @!p0 s5, $0x0  }
0x1f: {  	s9 =	smul.u32 $0xF7A, s1;
	s8 =	simm.s32 @!p0 $0x1BF5;
	p2 =	por !p2, p0  }
0x20: {  	[sflag:s8] =	ssyncset.s32 @!p0 $0xFFFFF086;
	s6 =	sadd.s32 @!p0 s3, s7;
	s7 =	simm.s32 @!p0 $0x108  }
0x21: {  	s3 =	sadd.s32 s3, s9;
	s6 =	sadd.s32 @!p0 $0x88, s6;
	s7 =	simm.s32 @p2 $0x1082  }
0x22: {  	[simem:s7], [sflag:s8] =	dma.local @!p0 [hbm:s6], $0xF7A  }
0x23: {  	s9 =	sor.u32 $0xD0000000, s2;
	s6 =	simm.s32 $0x108;
	_ =	swait.ge @!p0 [sflag:s8], $0x0  }
0x24: {  	s3 =	sadd.s32 $0x88, s3;
	s6 =	simm.s32 @!p1 $0x1082;
	[sflag:s4] =	ssyncset.s32 $0xFFFFF086  }
0x25: {  	[simem:s6], [sflag:s4] =	dma.local [hbm:s3], $0xF7A  }
0x26: {  	[smem:$0x3F85] =	sst s1;
	(tag) =	ssettag s2;
	_ =	strace s9  }
0x27: {  	s1 =	sld [smem:$0x3F95]  }
0x28: {  	s2 =	sld [smem:$0x3F96]  }
0x29: {  	s4 =	sld [smem:$0x3F98]  }
0x2a: {  	p0 =	seq.s32 s5, $0x0;
	s5 =	sld [smem:$0x3F99]  }
0x2b: {  	s6 =	sld [smem:$0x3F9A]  }
0x2c: {  	s7 =	sld [smem:$0x3F9B]  }
0x2d: {  	s3 =	simm.s32 $0x108;
	s8 =	sld [smem:$0x3F9C]  }
0x2e: {  	s3 =	simm.s32 @!p0 $0x1082;
	s9 =	sld [smem:$0x3F9D]  }
0x2f: {  	lr =	sadd.s32 s0, s3;
	s0 =	sld [smem:$0x3F94]  }
0x30: {  	s3 =	sld [smem:$0x3F97]  }
0x31: {  	[smem:$0x3FA0] =	sst s10  }
0x32: {  	s10 =	sld [smem:$0x3F9E];
	_ =	sdelay $0x3  }
0x33: {  	p0 =	seq.s32 s10, $0x1;
	s10 =	sld [smem:$0x3FA0];
	_ =	sdelay $0x3  }
0x34: {  	[smem:$0x3FA0] =	sst s10  }
0x35: {  	s10 =	sld [smem:$0x3F9F];
	_ =	sdelay $0x3  }
0x36: {  	p1 =	seq.s32 s10, $0x1;
	s10 =	sld [smem:$0x3FA0];
	_ =	sdelay $0x3  }
0x37: {  	[smem:$0x3FA0] =	sst s10  }
0x38: {  	s10 =	sld [smem:$0x3FA1]  }
0x39: {  	_ = 	snop;
	(pc) =	sbr.ind lr, $3  }
0x3a: {  	_ = 	snop  }
0x3b: {  	_ = 	snop  }
0x3c: {  	p2 =	seq.s32 s10, $0x1;
	s10 =	sld [smem:$0x3FA0]  }
0x3d: {  	_ =	shalt  }
0x3e: {  	_ =	shalt  }
0x3f: {  	_ =	shalt  }
0x40: {  	_ =	shalt  }
0x41: {  	_ =	shalt  }
0x42: {  	_ =	shalt  }
0x43: {  	_ =	shalt  }
0x44: {  	_ =	shalt  }
0x45: {  	_ =	shalt  }
0x46: {  	_ =	shalt  }
0x47: {  	_ =	shalt  }
0x48: {  	_ =	shalt  }
0x49: {  	_ =	shalt  }
0x4a: {  	_ =	shalt  }
0x4b: {  	_ =	shalt  }
0x4c: {  	_ =	shalt  }
0x4d: {  	_ =	shalt  }
0x4e: {  	_ =	shalt  }
0x4f: {  	_ =	shalt  }
0x50: {  	_ =	shalt  }
0x51: {  	_ =	shalt  }
0x52: {  	_ =	shalt  }
0x53: {  	_ =	shalt  }
0x54: {  	_ =	shalt  }
0x55: {  	_ =	shalt  }
0x56: {  	_ =	shalt  }
0x57: {  	_ =	shalt  }
0x58: {  	_ =	shalt  }
0x59: {  	_ =	shalt  }
0x5a: {  	_ =	shalt  }
0x5b: {  	_ =	shalt  }
0x5c: {  	_ =	shalt  }
0x5d: {  	_ =	shalt  }
0x5e: {  	_ =	shalt  }
0x5f: {  	_ =	shalt  }
0x60: {  	_ =	shalt  }
0x61: {  	_ =	shalt  }
0x62: {  	_ =	shalt  }
0x63: {  	_ =	shalt  }
0x64: {  	_ =	shalt  }
0x65: {  	_ =	shalt  }
0x66: {  	_ =	shalt  }
0x67: {  	_ =	shalt  }
0x68: {  	_ =	shalt  }
0x69: {  	_ =	shalt  }
0x6a: {  	_ =	shalt  }
0x6b: {  	_ =	shalt  }
0x6c: {  	_ =	shalt  }
0x6d: {  	_ =	shalt  }
0x6e: {  	_ =	shalt  }
0x6f: {  	_ =	shalt  }
0x70: {  	_ =	shalt  }
0x71: {  	_ =	shalt  }
0x72: {  	_ =	shalt  }
0x73: {  	_ =	shalt  }
0x74: {  	_ =	shalt  }
0x75: {  	_ =	shalt  }
0x76: {  	_ =	shalt  }
0x77: {  	_ =	shalt  }
0x78: {  	_ =	shalt  }
0x79: {  	_ =	shalt  }
0x7a: {  	_ =	shalt  }
0x7b: {  	_ =	shalt  }
0x7c: {  	_ =	shalt  }
0x7d: {  	_ =	shalt  }
0x7e: {  	_ =	shalt  }
0x7f: {  	_ =	shalt  }
0x80: {  	_ =	shalt  }
0x81: {  	_ =	shalt  }
0x82: {  	_ =	shalt  }
0x83: {  	_ =	shalt  }
0x84: {  	_ =	shalt  }
0x85: {  	_ =	shalt  }
0x86: {  	_ =	shalt  }
0x87: {  	_ =	shalt  }
.Lfunc_end0:
.L_simem_size_0:
called_computation.2_lowered:
.L_overlay_start_0:
0x88: {  	s2 =	sld [smem:$0x3FD9]  }
0x89: {  	s3 =	sld [smem:$0x3FFE];
	_ =	sdelay $0x1  }
0x8a: {  	s1 =	srdreg.scid  }
0x8b: {  	s0 =	sand.u32 $0x1, s1  }
0x8c: {  	s14 =	sshll.u32 s0, $0xA;
	s2 =	sadd.s32 s3, s2  }
0x8d: {  	s2 =	sadd.s32 s2, s14  }
0x8e: {  	[smem:$0x3FAC] =	sst s2  }
0x8f: {  	_ = 	snop  }
0x90: {  	s2 =	sld [smem:$0x3FD0];
	_ =	sdelay $0x2  }
0x91: {  	s15 =	simm.s32 $0xA;
	s4 =	simm.s32 $0x10  }
0x92: {  	[smem:s4], [sflag:s15] =	dma.local [hbm:s2], $0x1  }
0x93: {  	_ =	swait.eq [sflag:s15], $0x1  }
0x94: {  	[sflag:s15] =	ssyncset.done $0x0  }
0x95: {  	[sflag:s15] =	ssyncadd.s32 $0xFFFFFFFF  }
0x96: {  	s16 =	sld [smem:$0x10];
	(tm) =	ssettm $0x1  }
0x97: {  	s17 =	sld [smem:$0x3FFB];
	_ =	sdelay $0x3  }
0x98: {  	_ =	strace s17  }
0x99: {  	s3 =	sld [smem:$0x3FFC];
	_ =	sdelay $0x3  }
0x9a: {  	_ =	strace s3  }
0x9b: {  	s3 =	sld [smem:$0x3FFD];
	_ =	sdelay $0x3  }
0x9c: {  	_ =	strace s3  }
0x9d: {  	_ =	strace $0x8FFFFFFF  }
0x9e: {  	s18 =	sld [smem:$0x3FDB];
	_ =	sdelay $0x1  }
0x9f: {  	s19 =	simm.s32 $_scs_section_size  }
0xa0: {  	s5 =	simm.s32 $_size__tile_overlayer_lowered;
	s6 =	simm.s32 $_tile_overlayer_lowered  }
0xa1: {  	s22 =	simm.s32 $0x1BFF;
	s21 =	sshll.u32 s6, $0x1;
	s3 =	sadd.s32 s19, s18  }
0xa2: {  	s7 =	simm.s32 $0x0;
	s20 =	sshll.u32 s5, $0x1;
	s5 =	sadd.s32 s21, s3  }
0xa3: {  	[timem:s7], [sflag:s22] =	dma.local [hbm:s5], s20  }
0xa4: {  	_ =	swait.ge [sflag:s22], s20  }
0xa5: {  	s4 =	ssub.s32 $0x0, s20;
	[sflag:s22] =	ssyncset.done $0x0  }
0xa6: {  	[sflag:s22] =	ssyncadd.s32 s4;
	_ =	sdelay $0x1  }
0xa7: {  	s23 =	simm.s32 $0x1B8B  }
0xa8: {  	_ =	swait.ge [sflag:s23], $0x1  }
0xa9: {  	[sflag:s23] =	ssyncset.done $0x0  }
0xaa: {  	s25 =	simm.s32 $0x1B8E;
	s24 =	sld [smem:$0x3FFE];
	[sflag:s23] =	ssyncadd.s32 $0xFFFFFFFF  }
0xab: {  	s26 =	simm.s32 $execute0_lowered;
	[smem:$0x3FD2] =	sst s25  }
0xac: {  	s5 =	sshll.u32 s26, $0x1;
	_ =	strace $0x8000004C;
	[dreg:$0x1] =	wrdreg $0xFFFFFFFF  }
0xad: {  	s28 =	simm.s32 $_size_execute0_lowered;
	s3 =	sadd.s32 s3, s5;
	[dreg:$0x0] =	wrdreg $0x0  }
0xae: {  	s5 =	sshll.u32 s28, $0x1;
	[dreg:$0x2] =	wrdreg s3  }
0xaf: {  	[dreg:$0x3] =	wrdreg s5  }
0xb0: {  	[dreg:$0x4] =	wrdreg $0xC0  }
0xb1: {  	_ =	task [dreg:s7], $0x5FFFF  }
0xb2: {  	[dreg:$0x1] =	wrdreg $0xFFFFFFFF  }
0xb3: {  	[dreg:$0x0] =	wrdreg $0x60  }
0xb4: {  	[dreg:$0x2] =	wrdreg s24  }
0xb5: {  	[dreg:$0x3] =	wrdreg s16  }
0xb6: {  	[dreg:$0x4] =	wrdreg $0x102800  }
0xb7: {  	[dreg:$0x5] =	wrdreg $0x150A00  }
0xb8: {  	[dreg:$0x6] =	wrdreg $0x9  }
0xb9: {  	_ =	task.clear_ibuf [dreg:s7], $0x7FFFF;
	_ =	strace $0x9000004C  }
0xba: {  	s29 =	simm.s32 $0x9;
	_ =	strace $0x8000004E  }
0xbb: {  	_ =	swait.ge [sflag:s29], $0x1  }
0xbc: {  	[sflag:s29] =	ssyncadd.s32 $0xFFFFFFFF  }
0xbd: {  	_ =	strace $0x9000004E  }
0xbe: {  	_ =	sfence  }
0xbf: {  	s30 =	sld [smem:$0x0];
	_ =	sdelay $0x2  }
0xc0: {  	s31 =	sshll.u32 s1, $0xD;
	s1 =	sshrl.u32 s1, $0x2  }
0xc1: {  	s3 =	sand.u32 $0x4000, s31;
	s1 =	sadd.s32 s1, s30  }
0xc2: {  	s0 =	sor.u32 s3, s0;
	s1 =	sshll.u32 s1, $0x11  }
0xc3: {  	s0 =	sor.u32 s1, s0  }
0xc4: {  	s0 =	sadd.s32 $0x8F2B, s0  }
0xc5: {  	[sflag:s0] =	ssyncadd.remote.s32 $0x1  }
0xc6: {  	_ =	sfence.sel $0xFFFF  }
0xc7: {  	[dreg:$0x0] =	wrdreg $0xFFFFFFFF;
	(pc) =	sbr.abs _section_cstart, $3  }
0xc8: {  	[dreg:$0x1] =	wrdreg $0xFFFFFFFF  }
0xc9: {  	_ =	task.clear_ibuf [dreg:s7], $0x2FFFF;
	_ =	strace $0x9FFFFFFF  }
0xca: {  	(tm) =	ssettm $0x7FFFFFFF  }
0xcb: {  	_ =	shalt  }
tec
execute0_lowered:
.L_overlay_start_1:
0x0: {  	(tag) =	ssettag $0x1  }
0x1: {  	s5 =	rddreg [dreg:$0x0]  }
0x2: {  	s6 =	rddreg [dreg:$0x1]  }
0x3: {  	s2 =	rddreg [dreg:$0x2]  }
0x4: {  	s3 =	rddreg [dreg:$0x3];
	s1 =	stileid.u32  }
0x5: {  	s4 =	srdreg.scid;
	s0 =	rddreg [dreg:$0x4]  }
0x6: {  	s14 =	simm.s32 $0x2;
	s15 =	simm.s32 $0x3;
	s16 =	simm.s32 $0x1  }
0x7: {  	s17 =	simm.s32 $0x80;
	s18 =	simm.s32 $0x3C00;
	s19 =	simm.s32 $0x7800  }
0x8: {  	s20 =	simm.s32 $0x0;
	s7 =	sand.u32 $0x1, s4;
	s8 =	sshll.u32 s1, $0x1  }
0x9: {  	s4 =	simm.s32 $0x0;
	s9 =	smul.u32 $0x4E20, s1;
	s8 =	sor.u32 s7, s8  }
0xa: {  	[smem:$0x7FF] =	sst s4;
	s7 =	ssub.s32 $0x2, s7;
	s8 =	smul.u32 $0x780, s8  }
0xb: {  	_ =	strace $0x8000004D;
	s10 =	sshrl.u32 s9, $0x3;
	s31 =	sshrl.u32 s7, $0x1  }
0xc: {  	s12 =	sadd.s32 s10, s5;
	s13 =	ssub.s32 s7, s31;
	s6 =	sadd.s32 s6, s10  }
0xd: {  	s7 =	sadd.s32 s9, s2;
	s9 =	sadd.s32 s9, s3;
	s11 =	sadd.s32 s8, s5  }
0xe: {  	s8 =	sadd.s32 $0x11C00, s12;
	s12 =	smax.u32 s13, $0x1;
	s13 =	simm.s32 $0xB400  }
0xf: {  	s5 =	sadd.s32 $0x2C00, s11;
	s10 =	sadd.s32 $0x1BA00, s11;
	s11 =	sadd.s32 $0x2AA00, s11  }
.LBB2_1:
0x10: {  	[tilespmem:s4], [sflag:$0x1] =	stream.linear.gather [hbm4b:s5+s4], $0x3B00, $0x38;
	[tilespmem:$0x19EC0] =	vst v63  }
0x11: {  	_ = 	snop  }
0x12: {  	[tilespmem:s13], [sflag:$0x2] =	stream.linear.gather [hbm4b:s6+s4], $0x4E20, $0x38;
	[tilespmem:$0x19EC0] =	vst v63  }
0x13: {  	_ =	swait.ge [sflag:s14], $0x4E20  }
0x14: {  	[sflag:s14] =	ssyncset.done $0x0  }
0x15: {  	[sflag:s14] =	ssyncadd.s32 $0xFFFFB1E0  }
0x16: {  	[spmem:s7] =	stream.linear.scatter [tilespmem:s13], [sflag:$0x2], $0x4E20, $0x38;
	[tilespmem:$0x19EC0] =	vst v63  }
0x17: {  	_ =	swait.ge [sflag:s14], $0x4E20  }
0x18: {  	[sflag:s14] =	ssyncset.done $0x0  }
0x19: {  	[sflag:s14] =	ssyncadd.s32 $0xFFFFB1E0  }
0x1a: {  	[tilespmem:s13], [sflag:$0x3] =	stream.linear.gather [hbm4b:s8+s4], $0x4E20, $0x38;
	[tilespmem:$0x19EC0] =	vst v63  }
0x1b: {  	_ =	swait.ge [sflag:s15], $0x4E20  }
0x1c: {  	[sflag:s15] =	ssyncset.done $0x0  }
0x1d: {  	[sflag:s15] =	ssyncadd.s32 $0xFFFFB1E0  }
0x1e: {  	[spmem:s9] =	stream.linear.scatter [tilespmem:s13], [sflag:$0x3], $0x4E20, $0x38;
	[tilespmem:$0x19EC0] =	vst v63  }
0x1f: {  	_ =	swait.ge [sflag:s15], $0x4E20  }
0x20: {  	[sflag:s15] =	ssyncset.done $0x0  }
0x21: {  	[sflag:s15] =	ssyncadd.s32 $0xFFFFB1E0  }
0x22: {  	_ =	swait.ge [sflag:s16], $0x3B00  }
0x23: {  	[sflag:s16] =	ssyncset.done $0x0  }
0x24: {  	[sflag:s16] =	ssyncadd.s32 $0xFFFFC500  }
0x25: {  	[bflag:$0x0] =	sbarrier.arrive $0xFFFF  }
0x26: {  	[tilespmem:s18], [sflag:$0x2] =	stream.indirect.gather [spmem:s2], $0x1, s4, s17, $0xb8;
	[tilespmem:$0x19EC0] =	vst v63  }
0x27: {  	_ = 	snop  }
0x28: {  	[tilespmem:s19], [sflag:$0x3] =	stream.indirect.gather [spmem:s3], $0x1, s4, s17, $0xb8;
	[tilespmem:$0x19EC0] =	vst v63  }
0x29: {  	s21 =	simm.s32 $0x80;
	s22 =	simm.s32 $0x3C80  }
0x2a: {  	[tilespmem:s22], [sflag:$0x2] =	stream.indirect.gather [spmem:s2], $0x1, s21, s17, $0xb8;
	[tilespmem:$0x19EC0] =	vst v63  }
0x2b: {  	s31 =	simm.s32 $0x7880  }
0x2c: {  	[tilespmem:s31], [sflag:$0x3] =	stream.indirect.gather [spmem:s3], $0x1, s21, s17, $0xb8;
	[tilespmem:$0x19EC0] =	vst v63  }
0x2d: {  	_ =	swait.ge [sflag:s14], $0x80  }
0x2e: {  	[sflag:s14] =	ssyncset.done $0x0  }
0x2f: {  	[sflag:s14] =	ssyncadd.s32 $0xFFFFFF80  }
0x30: {  	_ =	swait.ge [sflag:s15], $0x80  }
0x31: {  	s22 =	simm.s32 $0x600;
	s21 =	simm.s32 $0x100;
	[sflag:s15] =	ssyncset.done $0x0  }
.LBB2_2:
0x32: {  	s23 =	sadd.s32 $0x3C00, s21  }
0x33: {  	[sflag:s15] =	ssyncadd.s32 $0xFFFFFF80;
	s24 =	smov.u32 s22;
	s25 =	sadd.s32 $0x200, s22  }
0x34: {  	[tilespmem:s23], [sflag:$0x2] =	stream.indirect.gather [spmem:s2], $0x1, s21, s17, $0xb8;
	[tilespmem:$0x19EC0] =	vst v63  }
0x35: {  	p0 =	sne.s32 s22, $0xEA00;
	s22 =	sadd.s32 $0x7800, s21  }
0x36: {  	[tilespmem:s22], [sflag:$0x3] =	stream.indirect.gather [spmem:s3], $0x1, s21, s17, $0xb8;
	[tilespmem:$0x19EC0] =	vst v63  }
.Ltmp0:
0x37: {  	_ =	swait.ge [sflag:s14], $0x80;
	(pc) =	sbr.rel @p0 .LBB2_2-.Ltmp0, $4  }
0x38: {  	[sflag:s14] =	ssyncset.done $0x0  }
0x39: {  	[sflag:s14] =	ssyncadd.s32 $0xFFFFFF80  }
0x3a: {  	_ =	swait.ge [sflag:s15], $0x80  }
0x3b: {  	s21 =	sshra.s32 s24, $0x2;
	s22 =	smov.u32 s25;
	[sflag:s15] =	ssyncset.done $0x0  }
0x3c: {  	s22 =	sadd.s32 $0x3C00, s21;
	[sflag:s15] =	ssyncadd.s32 $0xFFFFFF80  }
0x3d: {  	[tilespmem:s22], [sflag:$0x2] =	stream.indirect.gather [spmem:s2], $0x1, s21, s17, $0xb8;
	[tilespmem:$0x19EC0] =	vst v63  }
0x3e: {  	s31 =	sadd.s32 $0x7800, s21  }
0x3f: {  	[tilespmem:s31], [sflag:$0x3] =	stream.indirect.gather [spmem:s3], $0x1, s21, s17, $0xb8;
	[tilespmem:$0x19EC0] =	vst v63  }
0x40: {  	_ =	swait.ge [sflag:s14], $0x80  }
0x41: {  	[sflag:s14] =	ssyncset.done $0x0  }
0x42: {  	[sflag:s14] =	ssyncadd.s32 $0xFFFFFF80  }
0x43: {  	_ =	swait.ge [sflag:s15], $0x80  }
0x44: {  	[sflag:s15] =	ssyncset.done $0x0  }
0x45: {  	[sflag:s15] =	ssyncadd.s32 $0xFFFFFF80  }
0x46: {  	_ =	swait.ge [sflag:s14], $0x80  }
0x47: {  	[sflag:s14] =	ssyncset.done $0x0  }
0x48: {  	[sflag:s14] =	ssyncadd.s32 $0xFFFFFF80  }
0x49: {  	_ =	swait.ge [sflag:s15], $0x80  }
0x4a: {  	[sflag:s15] =	ssyncset.done $0x0  }
0x4b: {  	[sflag:s15] =	ssyncadd.s32 $0xFFFFFF80  }
0x4c: {  	[hbm4b:s10+s4] =	stream.linear.scatter [tilespmem:s18], [sflag:$0x2], $0x3B00, $0x38;
	[tilespmem:$0x19EC0] =	vst v63  }
0x4d: {  	s20 =	sadd.s32 $0x1, s20;
	_ =	swait.ge [sflag:s14], $0x3B00  }
0x4e: {  	p0 =	sne.s32 s20, s12;
	[sflag:s14] =	ssyncset.done $0x0  }
.Ltmp1:
0x4f: {  	[sflag:s14] =	ssyncadd.s32 $0xFFFFC500;
	(pc) =	sbr.rel @p0 .LBB2_1-.Ltmp1, $4  }
0x50: {  	[hbm4b:s11+s4] =	stream.linear.scatter [tilespmem:s19], [sflag:$0x3], $0x3B00, $0x38;
	[tilespmem:$0x19EC0] =	vst v63  }
0x51: {  	_ =	swait.ge [sflag:s15], $0x3B00  }
0x52: {  	[sflag:s15] =	ssyncset.done $0x0  }
0x53: {  	[sflag:s15] =	ssyncadd.s32 $0xFFFFC500  }
0x54: {  	_ =	sfence.sel $0x180000  }
0x55: {  	[bflag:$0x0] =	sbarrier.arrive $0xFFFF  }
0x56: {  	p0 =	sne.s32 s1, $0x0;
	_ =	strace $0x9000004D  }
0x57: {  	s0 =	sadd.s32 @!p0 $0x100000, s0;
	[bflag:$0x2] =	sbarrier.arrive $0xFFFF  }
0x58: {  	[sflag:s0] =	ssyncadd.tile.s32 @!p0 $0x1;
	_ =	shalt  }
.Lfunc_end2:
_tile_overlayer_lowered:
.L_overlay_start_2:
0x59: {  	(tag) =	ssettag $0x2  }
0x5a: {  	s0 =	rddreg [dreg:$0x0];
	s2 =	stileid.u32  }
0x5b: {  	s1 =	rddreg [dreg:$0x1];
	p0 =	sne.s32 s2, $0x0  }
0x5c: {  	s3 =	rddreg [dreg:$0x2];
	[bflag:$0x3] =	sbarrier.arrive $0xFFFF;
	s2 =	simm.s32 @!p0 $0x1C04  }
0x5d: {  	[timem:s3], [sflag:s2] =	dma.local @!p0 [hbm:s0], s1  }
0x5e: {  	s0 =	simm.s32 @!p0 $0x4  }
0x5f: {  	_ =	swait.ge @!p0 [sflag:s0], s1  }
0x60: {  	s1 =	ssub.s32 @!p0 $0x0, s1;
	[sflag:s0] =	ssyncset.done @!p0 $0x0  }
0x61: {  	[sflag:s0] =	ssyncadd.s32 @!p0 s1  }
0x62: {  	[bflag:$0x3] =	sbarrier.arrive $0xFFFF  }
0x63: {  	_ =	shalt  }

// kernel: _run.18.cloned.1.call-start
scs
__scs_entry_jumppad:
0x0: {  	(pc) =	sbr.rel $0x88, $3  }
0x1: {  	(tag) =	ssettag $0x0;
	lr =	simm.s32 $0x1  }
0x2: {  	[smem:$0x3F85] =	sst lr;
	_ =	strace $0xD0000000  }
0x3: {  	_ = 	snop  }
0x4: {  	_ = 	snop  }
0x5: {  	_ = 	snop  }
0x6: {  	_ = 	snop  }
0x7: {  	_ = 	snop  }
__scs_overlays_trampoline_lowered:
0x8: {  	[smem:$0x3F94] =	sst s0  }
0x9: {  	[smem:$0x3F95] =	sst s1  }
0xa: {  	[smem:$0x3F96] =	sst s2  }
0xb: {  	[smem:$0x3F97] =	sst s3  }
0xc: {  	[smem:$0x3F98] =	sst s4  }
0xd: {  	[smem:$0x3F99] =	sst s5  }
0xe: {  	[smem:$0x3F9A] =	sst s6  }
0xf: {  	[smem:$0x3F9B] =	sst s7  }
0x10: {  	[smem:$0x3F9C] =	sst s8  }
0x11: {  	[smem:$0x3F9D] =	sst s9;
	s0 =	simm.s32 @!p0 $0x0  }
0x12: {  	s1 =	sld [smem:$0x3F83];
	s0 =	simm.s32 @p0 $0x1  }
0x13: {  	[smem:$0x3F9E] =	sst s0;
	s0 =	simm.s32 @!p1 $0x0  }
0x14: {  	s2 =	sld [smem:$0x3F82];
	s0 =	simm.s32 @p1 $0x1  }
0x15: {  	[smem:$0x3F9F] =	sst s0;
	s0 =	simm.s32 @!p2 $0x0  }
0x16: {  	s3 =	sld [smem:$0x3FDB];
	s0 =	simm.s32 @p2 $0x1  }
0x17: {  	s4 =	simm.s32 $0x1BF5;
	[smem:$0x3FA1] =	sst s0  }
0x18: {  	s0 =	sld [smem:$0x3F84];
	_ =	swait.ge [sflag:s4], $0x0  }
0x19: {  	s7 =	sld [smem:$0x3F85]  }
0x1a: {  	s8 =	sadd.s32 $0xFFFFE003, lr  }
0x1b: {  	s9 =	sadd.s32 $0xFFFFFEF7, lr;
	s5 =	simm.s32 $0xFFFFFFFF;
	p2 =	slt.u32 s8, $0xFFFFF086  }
0x1c: {  	p1 =	slt.u32 s9, $0xF7A;
	s5 =	simm.s32 @!p2 $0x0  }
0x1d: {  	s5 =	simm.s32 @p1 $0x1;
	p0 =	seq.s32 s7, s2  }
0x1e: {  	s7 =	smul.u32 @!p0 $0xF7A, s2;
	p2 =	seq.s32 @!p0 s5, $0x0  }
0x1f: {  	s9 =	smul.u32 $0xF7A, s1;
	s8 =	simm.s32 @!p0 $0x1BF5;
	p2 =	por !p2, p0  }
0x20: {  	[sflag:s8] =	ssyncset.s32 @!p0 $0xFFFFF086;
	s6 =	sadd.s32 @!p0 s3, s7;
	s7 =	simm.s32 @!p0 $0x108  }
0x21: {  	s3 =	sadd.s32 s3, s9;
	s6 =	sadd.s32 @!p0 $0x88, s6;
	s7 =	simm.s32 @p2 $0x1082  }
0x22: {  	[simem:s7], [sflag:s8] =	dma.local @!p0 [hbm:s6], $0xF7A  }
0x23: {  	s9 =	sor.u32 $0xD0000000, s2;
	s6 =	simm.s32 $0x108;
	_ =	swait.ge @!p0 [sflag:s8], $0x0  }
0x24: {  	s3 =	sadd.s32 $0x88, s3;
	s6 =	simm.s32 @!p1 $0x1082;
	[sflag:s4] =	ssyncset.s32 $0xFFFFF086  }
0x25: {  	[simem:s6], [sflag:s4] =	dma.local [hbm:s3], $0xF7A  }
0x26: {  	[smem:$0x3F85] =	sst s1;
	(tag) =	ssettag s2;
	_ =	strace s9  }
0x27: {  	s1 =	sld [smem:$0x3F95]  }
0x28: {  	s2 =	sld [smem:$0x3F96]  }
0x29: {  	s4 =	sld [smem:$0x3F98]  }
0x2a: {  	p0 =	seq.s32 s5, $0x0;
	s5 =	sld [smem:$0x3F99]  }
0x2b: {  	s6 =	sld [smem:$0x3F9A]  }
0x2c: {  	s7 =	sld [smem:$0x3F9B]  }
0x2d: {  	s3 =	simm.s32 $0x108;
	s8 =	sld [smem:$0x3F9C]  }
0x2e: {  	s3 =	simm.s32 @!p0 $0x1082;
	s9 =	sld [smem:$0x3F9D]  }
0x2f: {  	lr =	sadd.s32 s0, s3;
	s0 =	sld [smem:$0x3F94]  }
0x30: {  	s3 =	sld [smem:$0x3F97]  }
0x31: {  	[smem:$0x3FA0] =	sst s10  }
0x32: {  	s10 =	sld [smem:$0x3F9E];
	_ =	sdelay $0x3  }
0x33: {  	p0 =	seq.s32 s10, $0x1;
	s10 =	sld [smem:$0x3FA0];
	_ =	sdelay $0x3  }
0x34: {  	[smem:$0x3FA0] =	sst s10  }
0x35: {  	s10 =	sld [smem:$0x3F9F];
	_ =	sdelay $0x3  }
0x36: {  	p1 =	seq.s32 s10, $0x1;
	s10 =	sld [smem:$0x3FA0];
	_ =	sdelay $0x3  }
0x37: {  	[smem:$0x3FA0] =	sst s10  }
0x38: {  	s10 =	sld [smem:$0x3FA1]  }
0x39: {  	_ = 	snop;
	(pc) =	sbr.ind lr, $3  }
0x3a: {  	_ = 	snop  }
0x3b: {  	_ = 	snop  }
0x3c: {  	p2 =	seq.s32 s10, $0x1;
	s10 =	sld [smem:$0x3FA0]  }
0x3d: {  	_ =	shalt  }
0x3e: {  	_ =	shalt  }
0x3f: {  	_ =	shalt  }
0x40: {  	_ =	shalt  }
0x41: {  	_ =	shalt  }
0x42: {  	_ =	shalt  }
0x43: {  	_ =	shalt  }
0x44: {  	_ =	shalt  }
0x45: {  	_ =	shalt  }
0x46: {  	_ =	shalt  }
0x47: {  	_ =	shalt  }
0x48: {  	_ =	shalt  }
0x49: {  	_ =	shalt  }
0x4a: {  	_ =	shalt  }
0x4b: {  	_ =	shalt  }
0x4c: {  	_ =	shalt  }
0x4d: {  	_ =	shalt  }
0x4e: {  	_ =	shalt  }
0x4f: {  	_ =	shalt  }
0x50: {  	_ =	shalt  }
0x51: {  	_ =	shalt  }
0x52: {  	_ =	shalt  }
0x53: {  	_ =	shalt  }
0x54: {  	_ =	shalt  }
0x55: {  	_ =	shalt  }
0x56: {  	_ =	shalt  }
0x57: {  	_ =	shalt  }
0x58: {  	_ =	shalt  }
0x59: {  	_ =	shalt  }
0x5a: {  	_ =	shalt  }
0x5b: {  	_ =	shalt  }
0x5c: {  	_ =	shalt  }
0x5d: {  	_ =	shalt  }
0x5e: {  	_ =	shalt  }
0x5f: {  	_ =	shalt  }
0x60: {  	_ =	shalt  }
0x61: {  	_ =	shalt  }
0x62: {  	_ =	shalt  }
0x63: {  	_ =	shalt  }
0x64: {  	_ =	shalt  }
0x65: {  	_ =	shalt  }
0x66: {  	_ =	shalt  }
0x67: {  	_ =	shalt  }
0x68: {  	_ =	shalt  }
0x69: {  	_ =	shalt  }
0x6a: {  	_ =	shalt  }
0x6b: {  	_ =	shalt  }
0x6c: {  	_ =	shalt  }
0x6d: {  	_ =	shalt  }
0x6e: {  	_ =	shalt  }
0x6f: {  	_ =	shalt  }
0x70: {  	_ =	shalt  }
0x71: {  	_ =	shalt  }
0x72: {  	_ =	shalt  }
0x73: {  	_ =	shalt  }
0x74: {  	_ =	shalt  }
0x75: {  	_ =	shalt  }
0x76: {  	_ =	shalt  }
0x77: {  	_ =	shalt  }
0x78: {  	_ =	shalt  }
0x79: {  	_ =	shalt  }
0x7a: {  	_ =	shalt  }
0x7b: {  	_ =	shalt  }
0x7c: {  	_ =	shalt  }
0x7d: {  	_ =	shalt  }
0x7e: {  	_ =	shalt  }
0x7f: {  	_ =	shalt  }
0x80: {  	_ =	shalt  }
0x81: {  	_ =	shalt  }
0x82: {  	_ =	shalt  }
0x83: {  	_ =	shalt  }
0x84: {  	_ =	shalt  }
0x85: {  	_ =	shalt  }
0x86: {  	_ =	shalt  }
0x87: {  	_ =	shalt  }
.Lfunc_end0:
.L_simem_size_0:
called_computation.3_lowered:
.L_overlay_start_0:
0x88: {  	s2 =	sld [smem:$0x3FD9]  }
0x89: {  	s3 =	sld [smem:$0x3FFE];
	_ =	sdelay $0x1  }
0x8a: {  	s1 =	srdreg.scid  }
0x8b: {  	s0 =	sand.u32 $0x1, s1  }
0x8c: {  	s16 =	sshll.u32 s0, $0xA;
	s2 =	sadd.s32 s3, s2  }
0x8d: {  	s2 =	sadd.s32 s2, s16  }
0x8e: {  	[smem:$0x3FAC] =	sst s2  }
0x8f: {  	_ = 	snop  }
0x90: {  	(tm) =	ssettm $0x1  }
0x91: {  	s17 =	sld [smem:$0x3FFB];
	_ =	sdelay $0x3  }
0x92: {  	_ =	strace s17  }
0x93: {  	s2 =	sld [smem:$0x3FFC];
	_ =	sdelay $0x3  }
0x94: {  	_ =	strace s2  }
0x95: {  	s2 =	sld [smem:$0x3FFD];
	_ =	sdelay $0x3  }
0x96: {  	_ =	strace s2  }
0x97: {  	_ =	strace $0x8FFFFFFF  }
0x98: {  	s18 =	sld [smem:$0x3FDB];
	_ =	sdelay $0x1  }
0x99: {  	s19 =	simm.s32 $_scs_section_size  }
0x9a: {  	s4 =	simm.s32 $_size__tile_overlayer_lowered;
	s5 =	simm.s32 $_tile_overlayer_lowered  }
0x9b: {  	s22 =	simm.s32 $0x1BFF;
	s21 =	sshll.u32 s5, $0x1;
	s2 =	sadd.s32 s19, s18  }
0x9c: {  	s6 =	simm.s32 $0x0;
	s20 =	sshll.u32 s4, $0x1;
	s4 =	sadd.s32 s21, s2  }
0x9d: {  	[timem:s6], [sflag:s22] =	dma.local [hbm:s4], s20  }
0x9e: {  	_ =	swait.ge [sflag:s22], s20  }
0x9f: {  	s3 =	ssub.s32 $0x0, s20;
	[sflag:s22] =	ssyncset.done $0x0  }
0xa0: {  	[sflag:s22] =	ssyncadd.s32 s3;
	_ =	sdelay $0x1  }
0xa1: {  	s23 =	simm.s32 $0x1B8B  }
0xa2: {  	_ =	swait.ge [sflag:s23], $0x1  }
0xa3: {  	[sflag:s23] =	ssyncset.done $0x0  }
0xa4: {  	s25 =	simm.s32 $0x1B8E;
	s24 =	sld [smem:$0x3FFE];
	[sflag:s23] =	ssyncadd.s32 $0xFFFFFFFF  }
0xa5: {  	s26 =	simm.s32 $execute0_lowered;
	[smem:$0x3FD2] =	sst s25  }
0xa6: {  	s4 =	sshll.u32 s26, $0x1;
	_ =	strace $0x8000004F;
	[dreg:$0x1] =	wrdreg $0xFFFFFFFF  }
0xa7: {  	s28 =	simm.s32 $_size_execute0_lowered;
	s2 =	sadd.s32 s2, s4;
	[dreg:$0x0] =	wrdreg $0x0  }
0xa8: {  	s4 =	sshll.u32 s28, $0x1;
	[dreg:$0x2] =	wrdreg s2  }
0xa9: {  	[dreg:$0x3] =	wrdreg s4  }
0xaa: {  	[dreg:$0x4] =	wrdreg $0xC0  }
0xab: {  	_ =	task [dreg:s6], $0x5FFFF  }
0xac: {  	[dreg:$0x1] =	wrdreg $0xFFFFFFFF  }
0xad: {  	[dreg:$0x0] =	wrdreg $0x60  }
0xae: {  	[dreg:$0x2] =	wrdreg s24  }
0xaf: {  	[dreg:$0x3] =	wrdreg $0xC6800  }
0xb0: {  	[dreg:$0x4] =	wrdreg $0x9  }
0xb1: {  	_ =	task.clear_ibuf [dreg:s6], $0x5FFFF;
	_ =	strace $0x9000004F  }
0xb2: {  	s29 =	simm.s32 $0x9;
	_ =	strace $0x80000051  }
0xb3: {  	_ =	swait.ge [sflag:s29], $0x1  }
0xb4: {  	[sflag:s29] =	ssyncadd.s32 $0xFFFFFFFF  }
0xb5: {  	_ =	strace $0x90000051  }
0xb6: {  	_ =	sfence  }
0xb7: {  	s30 =	sld [smem:$0x0];
	_ =	sdelay $0x2  }
0xb8: {  	s31 =	sshll.u32 s1, $0xD;
	s1 =	sshrl.u32 s1, $0x2  }
0xb9: {  	s3 =	sand.u32 $0x4000, s31;
	s1 =	sadd.s32 s1, s30  }
0xba: {  	s0 =	sor.u32 s3, s0;
	s1 =	sshll.u32 s1, $0x11  }
0xbb: {  	s0 =	sor.u32 s1, s0  }
0xbc: {  	s0 =	sadd.s32 $0x8F2B, s0  }
0xbd: {  	[sflag:s0] =	ssyncadd.remote.s32 $0x1  }
0xbe: {  	_ =	sfence.sel $0xFFFF  }
0xbf: {  	[dreg:$0x0] =	wrdreg $0xFFFFFFFF;
	(pc) =	sbr.abs _section_cstart, $3  }
0xc0: {  	[dreg:$0x1] =	wrdreg $0xFFFFFFFF  }
0xc1: {  	_ =	task.clear_ibuf [dreg:s6], $0x2FFFF;
	_ =	strace $0x9FFFFFFF  }
0xc2: {  	(tm) =	ssettm $0x7FFFFFFF  }
0xc3: {  	_ =	shalt  }
tec
execute0_lowered:
.L_overlay_start_1:
0x0: {  	(tag) =	ssettag $0x1  }
0x1: {  	s1 =	srdreg.scid;
	s4 =	rddreg [dreg:$0x0]  }
0x2: {  	s0 =	stileid.u32;
	s2 =	rddreg [dreg:$0x1];
	s3 =	simm.s32 $0x0  }
0x3: {  	s10 =	simm.s32 $0x1;
	s11 =	simm.s32 $0x3C00;
	s12 =	simm.s32 $0x80  }
0x4: {  	s13 =	simm.s32 $0x2;
	s5 =	sand.u32 $0x1, s1;
	s6 =	smul.u32 $0x4E20, s0  }
0x5: {  	s7 =	sshll.u32 s0, $0x1;
	s1 =	rddreg [dreg:$0x2];
	s8 =	smul.u32 $0x4E200, s5  }
0x6: {  	s14 =	simm.s32 $0x0;
	[smem:$0x7FF] =	sst s3;
	s7 =	sor.u32 s5, s7  }
0x7: {  	s5 =	ssub.s32 $0x2, s5;
	s7 =	smul.u32 $0x780, s7;
	s8 =	sadd.s32 s6, s8  }
0x8: {  	_ =	strace $0x80000050;
	s31 =	sshrl.u32 s5, $0x1;
	s8 =	sshrl.u32 s8, $0x3  }
0x9: {  	s9 =	ssub.s32 s5, s31;
	s7 =	sadd.s32 s7, s4;
	s8 =	sadd.s32 s8, s4  }
0xa: {  	s4 =	sadd.s32 s6, s2;
	s5 =	sadd.s32 $0x2C00, s7;
	s6 =	sadd.s32 $0x11C00, s7  }
0xb: {  	v0 =	vimm.f32 $0.0e+00;
	s7 =	sadd.s32 $0x20C00, s8;
	s8 =	smax.u32 s9, $0x1;
	s9 =	simm.s32 $0x7800  }
.LBB2_1:
0xc: {  	s15 =	simm.s32 $0x40;
	s16 =	simm.s32 $0x0  }
.LBB2_2:
0xd: {  	p0 =	sne.s32 s15, $0x13840;
	[tilespmem:s16+$0x7800] =	vst v0;
	s16 =	smov.u32 s15;
	s15 =	sadd.s32 $0x40, s15  }
.Ltmp0:
0xe: {  	(pc) =	sbr.rel @p0 .LBB2_2-.Ltmp0, $2  }
0xf: {  	_ =	sdelay $0x2  }
0x10: {  	s16 =	sshra.s32 s16, $0x2  }
0x11: {  	[tilespmem:s16+$0x7800] =	vst v0  }
0x12: {  	[spmem:s4] =	stream.linear.scatter [tilespmem:s9], [sflag:$0x1], $0x4E20, $0x38;
	[tilespmem:$0x114A0] =	vst v63  }
0x13: {  	_ =	swait.ge [sflag:s10], $0x4E20  }
0x14: {  	[sflag:s10] =	ssyncset.done $0x0  }
0x15: {  	s15 =	simm.s32 $0x0;
	[sflag:s10] =	ssyncadd.s32 $0xFFFFB1E0  }
0x16: {  	[tilespmem:s15], [sflag:$0x1] =	stream.linear.gather [hbm4b:s5+s15], $0x3B00, $0x38;
	[tilespmem:$0x114A0] =	vst v63  }
0x17: {  	_ =	swait.ge [sflag:s10], $0x3B00  }
0x18: {  	[sflag:s10] =	ssyncset.done $0x0  }
0x19: {  	[sflag:s10] =	ssyncadd.s32 $0xFFFFC500  }
0x1a: {  	[tilespmem:s11], [sflag:$0x1] =	stream.linear.gather [hbm4b:s6+s15], $0x3B00, $0x38;
	[tilespmem:$0x114A0] =	vst v63  }
0x1b: {  	_ =	swait.ge [sflag:s10], $0x3B00  }
0x1c: {  	[sflag:s10] =	ssyncset.done $0x0  }
0x1d: {  	[sflag:s10] =	ssyncadd.s32 $0xFFFFC500  }
0x1e: {  	s30 =	simm.s32 $0x0;
	s31 =	simm.s32 $0x3C00;
	[bflag:$0x0] =	sbarrier.arrive $0xFFFF  }
0x1f: {  	[spmem:s2] =	stream.indirect.scatter.add.f32 [tilespmem:s31], [sflag:$0x2], $0x1, s30, s12, $0xb8;
	[tilespmem:$0x114A0] =	vst v63  }
0x20: {  	s15 =	simm.s32 $0x200;
	_ =	swait.ge [sflag:s13], $0x80  }
.LBB2_4:
0x21: {  	s16 =	sshra.s32 s15, $0x2;
	[sflag:s13] =	ssyncset.done $0x0;
	p0 =	sne.s32 s15, $0xEA00  }
.Ltmp1:
0x22: {  	s17 =	sadd.s32 $0x3C00, s16;
	[sflag:s13] =	ssyncadd.s32 $0xFFFFFF80;
	(pc) =	sbr.rel @p0 .LBB2_4-.Ltmp1, $3  }
0x23: {  	[spmem:s2] =	stream.indirect.scatter.add.f32 [tilespmem:s17], [sflag:$0x2], $0x1, s16, s12, $0xb8;
	[tilespmem:$0x114A0] =	vst v63  }
0x24: {  	s15 =	sadd.s32 $0x200, s15;
	_ =	sdelay $0x1  }
0x25: {  	_ =	swait.ge [sflag:s13], $0x80  }
0x26: {  	[sflag:s13] =	ssyncset.done $0x0  }
0x27: {  	[sflag:s13] =	ssyncadd.s32 $0xFFFFFF80  }
0x28: {  	[bflag:$0x0] =	sbarrier.arrive $0xFFFF  }
0x29: {  	[tilespmem:s9], [sflag:$0x1] =	stream.linear.gather [spmem:s4], $0x4E20, $0x38;
	[tilespmem:$0x114A0] =	vst v63  }
0x2a: {  	s14 =	sadd.s32 $0x1, s14;
	_ =	swait.ge [sflag:s10], $0x4E20  }
0x2b: {  	p0 =	sne.s32 s14, s8;
	[sflag:s10] =	ssyncset.done $0x0  }
.Ltmp2:
0x2c: {  	[sflag:s10] =	ssyncadd.s32 $0xFFFFB1E0;
	(pc) =	sbr.rel @p0 .LBB2_1-.Ltmp2, $4  }
0x2d: {  	[hbm4b:s7+s3] =	stream.linear.scatter [tilespmem:s9], [sflag:$0x1], $0x4E20, $0x38;
	[tilespmem:$0x114A0] =	vst v63  }
0x2e: {  	_ =	swait.ge [sflag:s10], $0x4E20  }
0x2f: {  	[sflag:s10] =	ssyncset.done $0x0  }
0x30: {  	[sflag:s10] =	ssyncadd.s32 $0xFFFFB1E0  }
0x31: {  	_ =	sfence.sel $0x180000  }
0x32: {  	[bflag:$0x0] =	sbarrier.arrive $0xFFFF  }
0x33: {  	p0 =	sne.s32 s0, $0x0;
	_ =	strace $0x90000050  }
0x34: {  	s0 =	sadd.s32 @!p0 $0x100000, s1;
	[bflag:$0x2] =	sbarrier.arrive $0xFFFF  }
0x35: {  	[sflag:s0] =	ssyncadd.tile.s32 @!p0 $0x1;
	_ =	shalt  }
.Lfunc_end2:
_tile_overlayer_lowered:
.L_overlay_start_2:
0x36: {  	(tag) =	ssettag $0x2  }
0x37: {  	s0 =	rddreg [dreg:$0x0];
	s2 =	stileid.u32  }
0x38: {  	s1 =	rddreg [dreg:$0x1];
	p0 =	sne.s32 s2, $0x0  }
0x39: {  	s3 =	rddreg [dreg:$0x2];
	[bflag:$0x3] =	sbarrier.arrive $0xFFFF;
	s2 =	simm.s32 @!p0 $0x1C02  }
0x3a: {  	[timem:s3], [sflag:s2] =	dma.local @!p0 [hbm:s0], s1  }
0x3b: {  	s0 =	simm.s32 @!p0 $0x2  }
0x3c: {  	_ =	swait.ge @!p0 [sflag:s0], s1  }
0x3d: {  	s1 =	ssub.s32 @!p0 $0x0, s1;
	[sflag:s0] =	ssyncset.done @!p0 $0x0  }
0x3e: {  	[sflag:s0] =	ssyncadd.s32 @!p0 s1  }
0x3f: {  	[bflag:$0x3] =	sbarrier.arrive $0xFFFF  }
0x40: {  	_ =	shalt  }

// kernel: _run.21.cloned.1.call-start
scs
__scs_entry_jumppad:
0x0: {  	(pc) =	sbr.rel $0x88, $3  }
0x1: {  	(tag) =	ssettag $0x0;
	lr =	simm.s32 $0x1  }
0x2: {  	[smem:$0x3F85] =	sst lr;
	_ =	strace $0xD0000000  }
0x3: {  	_ = 	snop  }
0x4: {  	_ = 	snop  }
0x5: {  	_ = 	snop  }
0x6: {  	_ = 	snop  }
0x7: {  	_ = 	snop  }
__scs_overlays_trampoline_lowered:
0x8: {  	[smem:$0x3F94] =	sst s0  }
0x9: {  	[smem:$0x3F95] =	sst s1  }
0xa: {  	[smem:$0x3F96] =	sst s2  }
0xb: {  	[smem:$0x3F97] =	sst s3  }
0xc: {  	[smem:$0x3F98] =	sst s4  }
0xd: {  	[smem:$0x3F99] =	sst s5  }
0xe: {  	[smem:$0x3F9A] =	sst s6  }
0xf: {  	[smem:$0x3F9B] =	sst s7  }
0x10: {  	[smem:$0x3F9C] =	sst s8  }
0x11: {  	[smem:$0x3F9D] =	sst s9;
	s0 =	simm.s32 @!p0 $0x0  }
0x12: {  	s1 =	sld [smem:$0x3F83];
	s0 =	simm.s32 @p0 $0x1  }
0x13: {  	[smem:$0x3F9E] =	sst s0;
	s0 =	simm.s32 @!p1 $0x0  }
0x14: {  	s2 =	sld [smem:$0x3F82];
	s0 =	simm.s32 @p1 $0x1  }
0x15: {  	[smem:$0x3F9F] =	sst s0;
	s0 =	simm.s32 @!p2 $0x0  }
0x16: {  	s3 =	sld [smem:$0x3FDB];
	s0 =	simm.s32 @p2 $0x1  }
0x17: {  	s4 =	simm.s32 $0x1BF5;
	[smem:$0x3FA1] =	sst s0  }
0x18: {  	s0 =	sld [smem:$0x3F84];
	_ =	swait.ge [sflag:s4], $0x0  }
0x19: {  	s7 =	sld [smem:$0x3F85]  }
0x1a: {  	s8 =	sadd.s32 $0xFFFFE003, lr  }
0x1b: {  	s9 =	sadd.s32 $0xFFFFFEF7, lr;
	s5 =	simm.s32 $0xFFFFFFFF;
	p2 =	slt.u32 s8, $0xFFFFF086  }
0x1c: {  	p1 =	slt.u32 s9, $0xF7A;
	s5 =	simm.s32 @!p2 $0x0  }
0x1d: {  	s5 =	simm.s32 @p1 $0x1;
	p0 =	seq.s32 s7, s2  }
0x1e: {  	s7 =	smul.u32 @!p0 $0xF7A, s2;
	p2 =	seq.s32 @!p0 s5, $0x0  }
0x1f: {  	s9 =	smul.u32 $0xF7A, s1;
	s8 =	simm.s32 @!p0 $0x1BF5;
	p2 =	por !p2, p0  }
0x20: {  	[sflag:s8] =	ssyncset.s32 @!p0 $0xFFFFF086;
	s6 =	sadd.s32 @!p0 s3, s7;
	s7 =	simm.s32 @!p0 $0x108  }
0x21: {  	s3 =	sadd.s32 s3, s9;
	s6 =	sadd.s32 @!p0 $0x88, s6;
	s7 =	simm.s32 @p2 $0x1082  }
0x22: {  	[simem:s7], [sflag:s8] =	dma.local @!p0 [hbm:s6], $0xF7A  }
0x23: {  	s9 =	sor.u32 $0xD0000000, s2;
	s6 =	simm.s32 $0x108;
	_ =	swait.ge @!p0 [sflag:s8], $0x0  }
0x24: {  	s3 =	sadd.s32 $0x88, s3;
	s6 =	simm.s32 @!p1 $0x1082;
	[sflag:s4] =	ssyncset.s32 $0xFFFFF086  }
0x25: {  	[simem:s6], [sflag:s4] =	dma.local [hbm:s3], $0xF7A  }
0x26: {  	[smem:$0x3F85] =	sst s1;
	(tag) =	ssettag s2;
	_ =	strace s9  }
0x27: {  	s1 =	sld [smem:$0x3F95]  }
0x28: {  	s2 =	sld [smem:$0x3F96]  }
0x29: {  	s4 =	sld [smem:$0x3F98]  }
0x2a: {  	p0 =	seq.s32 s5, $0x0;
	s5 =	sld [smem:$0x3F99]  }
0x2b: {  	s6 =	sld [smem:$0x3F9A]  }
0x2c: {  	s7 =	sld [smem:$0x3F9B]  }
0x2d: {  	s3 =	simm.s32 $0x108;
	s8 =	sld [smem:$0x3F9C]  }
0x2e: {  	s3 =	simm.s32 @!p0 $0x1082;
	s9 =	sld [smem:$0x3F9D]  }
0x2f: {  	lr =	sadd.s32 s0, s3;
	s0 =	sld [smem:$0x3F94]  }
0x30: {  	s3 =	sld [smem:$0x3F97]  }
0x31: {  	[smem:$0x3FA0] =	sst s10  }
0x32: {  	s10 =	sld [smem:$0x3F9E];
	_ =	sdelay $0x3  }
0x33: {  	p0 =	seq.s32 s10, $0x1;
	s10 =	sld [smem:$0x3FA0];
	_ =	sdelay $0x3  }
0x34: {  	[smem:$0x3FA0] =	sst s10  }
0x35: {  	s10 =	sld [smem:$0x3F9F];
	_ =	sdelay $0x3  }
0x36: {  	p1 =	seq.s32 s10, $0x1;
	s10 =	sld [smem:$0x3FA0];
	_ =	sdelay $0x3  }
0x37: {  	[smem:$0x3FA0] =	sst s10  }
0x38: {  	s10 =	sld [smem:$0x3FA1]  }
0x39: {  	_ = 	snop;
	(pc) =	sbr.ind lr, $3  }
0x3a: {  	_ = 	snop  }
0x3b: {  	_ = 	snop  }
0x3c: {  	p2 =	seq.s32 s10, $0x1;
	s10 =	sld [smem:$0x3FA0]  }
0x3d: {  	_ =	shalt  }
0x3e: {  	_ =	shalt  }
0x3f: {  	_ =	shalt  }
0x40: {  	_ =	shalt  }
0x41: {  	_ =	shalt  }
0x42: {  	_ =	shalt  }
0x43: {  	_ =	shalt  }
0x44: {  	_ =	shalt  }
0x45: {  	_ =	shalt  }
0x46: {  	_ =	shalt  }
0x47: {  	_ =	shalt  }
0x48: {  	_ =	shalt  }
0x49: {  	_ =	shalt  }
0x4a: {  	_ =	shalt  }
0x4b: {  	_ =	shalt  }
0x4c: {  	_ =	shalt  }
0x4d: {  	_ =	shalt  }
0x4e: {  	_ =	shalt  }
0x4f: {  	_ =	shalt  }
0x50: {  	_ =	shalt  }
0x51: {  	_ =	shalt  }
0x52: {  	_ =	shalt  }
0x53: {  	_ =	shalt  }
0x54: {  	_ =	shalt  }
0x55: {  	_ =	shalt  }
0x56: {  	_ =	shalt  }
0x57: {  	_ =	shalt  }
0x58: {  	_ =	shalt  }
0x59: {  	_ =	shalt  }
0x5a: {  	_ =	shalt  }
0x5b: {  	_ =	shalt  }
0x5c: {  	_ =	shalt  }
0x5d: {  	_ =	shalt  }
0x5e: {  	_ =	shalt  }
0x5f: {  	_ =	shalt  }
0x60: {  	_ =	shalt  }
0x61: {  	_ =	shalt  }
0x62: {  	_ =	shalt  }
0x63: {  	_ =	shalt  }
0x64: {  	_ =	shalt  }
0x65: {  	_ =	shalt  }
0x66: {  	_ =	shalt  }
0x67: {  	_ =	shalt  }
0x68: {  	_ =	shalt  }
0x69: {  	_ =	shalt  }
0x6a: {  	_ =	shalt  }
0x6b: {  	_ =	shalt  }
0x6c: {  	_ =	shalt  }
0x6d: {  	_ =	shalt  }
0x6e: {  	_ =	shalt  }
0x6f: {  	_ =	shalt  }
0x70: {  	_ =	shalt  }
0x71: {  	_ =	shalt  }
0x72: {  	_ =	shalt  }
0x73: {  	_ =	shalt  }
0x74: {  	_ =	shalt  }
0x75: {  	_ =	shalt  }
0x76: {  	_ =	shalt  }
0x77: {  	_ =	shalt  }
0x78: {  	_ =	shalt  }
0x79: {  	_ =	shalt  }
0x7a: {  	_ =	shalt  }
0x7b: {  	_ =	shalt  }
0x7c: {  	_ =	shalt  }
0x7d: {  	_ =	shalt  }
0x7e: {  	_ =	shalt  }
0x7f: {  	_ =	shalt  }
0x80: {  	_ =	shalt  }
0x81: {  	_ =	shalt  }
0x82: {  	_ =	shalt  }
0x83: {  	_ =	shalt  }
0x84: {  	_ =	shalt  }
0x85: {  	_ =	shalt  }
0x86: {  	_ =	shalt  }
0x87: {  	_ =	shalt  }
.Lfunc_end0:
.L_simem_size_0:
called_computation.4_lowered:
.L_overlay_start_0:
0x88: {  	s2 =	sld [smem:$0x3FD9]  }
0x89: {  	s3 =	sld [smem:$0x3FFE];
	_ =	sdelay $0x1  }
0x8a: {  	s1 =	srdreg.scid  }
0x8b: {  	s0 =	sand.u32 $0x1, s1  }
0x8c: {  	s14 =	sshll.u32 s0, $0xA;
	s2 =	sadd.s32 s3, s2  }
0x8d: {  	s2 =	sadd.s32 s2, s14  }
0x8e: {  	[smem:$0x3FAC] =	sst s2  }
0x8f: {  	_ = 	snop  }
0x90: {  	s2 =	sld [smem:$0x3FD0];
	_ =	sdelay $0x1  }
0x91: {  	s15 =	sld [smem:$0x3FC9]  }
0x92: {  	s5 =	simm.s32 $0xA;
	s6 =	simm.s32 $0x10;
	s4 =	sld [smem:$0x3FC2]  }
0x93: {  	[smem:s6], [sflag:s5] =	dma.local [hbm:s2], $0x1  }
0x94: {  	_ =	swait.eq [sflag:s5], $0x1  }
0x95: {  	[sflag:s5] =	ssyncset.done $0x0  }
0x96: {  	[sflag:s5] =	ssyncadd.s32 $0xFFFFFFFF  }
0x97: {  	s16 =	sld [smem:$0x10];
	(tm) =	ssettm $0x1  }
0x98: {  	s17 =	sld [smem:$0x3FFB];
	_ =	sdelay $0x3  }
0x99: {  	_ =	strace s17  }
0x9a: {  	s5 =	sld [smem:$0x3FFC];
	_ =	sdelay $0x3  }
0x9b: {  	_ =	strace s5  }
0x9c: {  	s5 =	sld [smem:$0x3FFD];
	_ =	sdelay $0x3  }
0x9d: {  	_ =	strace s5  }
0x9e: {  	_ =	strace $0x8FFFFFFF  }
0x9f: {  	s18 =	sld [smem:$0x3FDB];
	_ =	sdelay $0x1  }
0xa0: {  	s19 =	simm.s32 $_scs_section_size  }
0xa1: {  	s7 =	simm.s32 $_size__tile_overlayer_lowered;
	s8 =	simm.s32 $_tile_overlayer_lowered  }
0xa2: {  	s22 =	simm.s32 $0x1BFF;
	s21 =	sshll.u32 s8, $0x1;
	s5 =	sadd.s32 s19, s18  }
0xa3: {  	s9 =	simm.s32 $0x0;
	s20 =	sshll.u32 s7, $0x1;
	s7 =	sadd.s32 s21, s5  }
0xa4: {  	[timem:s9], [sflag:s22] =	dma.local [hbm:s7], s20  }
0xa5: {  	_ =	swait.ge [sflag:s22], s20  }
0xa6: {  	s6 =	ssub.s32 $0x0, s20;
	[sflag:s22] =	ssyncset.done $0x0  }
0xa7: {  	[sflag:s22] =	ssyncadd.s32 s6;
	_ =	sdelay $0x1  }
0xa8: {  	s23 =	simm.s32 $0x1B8B  }
0xa9: {  	_ =	swait.ge [sflag:s23], $0x1  }
0xaa: {  	[sflag:s23] =	ssyncset.done $0x0  }
0xab: {  	s25 =	simm.s32 $0x1B8E;
	s24 =	sld [smem:$0x3FFE];
	[sflag:s23] =	ssyncadd.s32 $0xFFFFFFFF  }
0xac: {  	s26 =	simm.s32 $execute0_lowered;
	[smem:$0x3FD2] =	sst s25  }
0xad: {  	s7 =	sshll.u32 s26, $0x1;
	_ =	strace $0x80000052;
	[dreg:$0x1] =	wrdreg $0xFFFFFFFF  }
0xae: {  	s28 =	simm.s32 $_size_execute0_lowered;
	s5 =	sadd.s32 s5, s7;
	[dreg:$0x0] =	wrdreg $0x0  }
0xaf: {  	s7 =	sshll.u32 s28, $0x1;
	[dreg:$0x2] =	wrdreg s5  }
0xb0: {  	[dreg:$0x3] =	wrdreg s7  }
0xb1: {  	[dreg:$0x4] =	wrdreg $0xC0  }
0xb2: {  	_ =	task [dreg:s9], $0x5FFFF  }
0xb3: {  	[dreg:$0x1] =	wrdreg $0xFFFFFFFF  }
0xb4: {  	[dreg:$0x0] =	wrdreg $0x60  }
0xb5: {  	[dreg:$0x2] =	wrdreg s24  }
0xb6: {  	[dreg:$0x3] =	wrdreg s15  }
0xb7: {  	[dreg:$0x4] =	wrdreg s4  }
0xb8: {  	[dreg:$0x5] =	wrdreg s16  }
0xb9: {  	[dreg:$0x6] =	wrdreg $0x9  }
0xba: {  	_ =	task.clear_ibuf [dreg:s9], $0x7FFFF;
	_ =	strace $0x90000052  }
0xbb: {  	s29 =	simm.s32 $0x9;
	_ =	strace $0x80000054  }
0xbc: {  	_ =	swait.ge [sflag:s29], $0x1  }
0xbd: {  	[sflag:s29] =	ssyncadd.s32 $0xFFFFFFFF  }
0xbe: {  	_ =	strace $0x90000054  }
0xbf: {  	_ =	sfence  }
0xc0: {  	s30 =	sld [smem:$0x0];
	_ =	sdelay $0x2  }
0xc1: {  	s31 =	sshll.u32 s1, $0xD;
	s1 =	sshrl.u32 s1, $0x2  }
0xc2: {  	s3 =	sand.u32 $0x4000, s31;
	s1 =	sadd.s32 s1, s30  }
0xc3: {  	s0 =	sor.u32 s3, s0;
	s1 =	sshll.u32 s1, $0x11  }
0xc4: {  	s0 =	sor.u32 s1, s0  }
0xc5: {  	s0 =	sadd.s32 $0x8F2B, s0  }
0xc6: {  	[sflag:s0] =	ssyncadd.remote.s32 $0x1  }
0xc7: {  	_ =	sfence.sel $0xFFFF  }
0xc8: {  	[dreg:$0x0] =	wrdreg $0xFFFFFFFF;
	(pc) =	sbr.abs _section_cstart, $3  }
0xc9: {  	[dreg:$0x1] =	wrdreg $0xFFFFFFFF  }
0xca: {  	_ =	task.clear_ibuf [dreg:s9], $0x2FFFF;
	_ =	strace $0x9FFFFFFF  }
0xcb: {  	(tm) =	ssettm $0x7FFFFFFF  }
tec
execute0_lowered:
.L_overlay_start_1:
0x0: {  	(tag) =	ssettag $0x1  }
0x1: {  	s3 =	rddreg [dreg:$0x0]  }
0x2: {  	s5 =	rddreg [dreg:$0x1]  }
0x3: {  	s1 =	srdreg.scid;
	s6 =	rddreg [dreg:$0x2]  }
0x4: {  	s0 =	stileid.u32;
	s7 =	rddreg [dreg:$0x3]  }
0x5: {  	s2 =	simm.s32 $0x0;
	s4 =	sand.u32 $0x1, s1;
	s30 =	sshll.u32 s0, $0x1  }
0x6: {  	s11 =	simm.s32 $0x7680;
	s12 =	simm.s32 $0x1;
	s1 =	sor.u32 s4, s30  }
0x7: {  	[smem:$0x7FF] =	sst s2;
	s4 =	ssub.s32 $0x2, s4;
	s8 =	smul.u32 $0x2710, s1  }
0x8: {  	s13 =	simm.s32 $0x0;
	s1 =	rddreg [dreg:$0x4];
	s31 =	sshrl.u32 s4, $0x1  }
0x9: {  	_ =	strace $0x80000053;
	s10 =	ssub.s32 s4, s31;
	s8 =	sshrl.u32 s8, $0x3  }
0xa: {  	s9 =	sadd.s32 s8, s3;
	s5 =	sadd.s32 s5, s8;
	s6 =	sadd.s32 s6, s8  }
0xb: {  	s7 =	sadd.s32 s7, s8;
	s8 =	smax.u32 s10, $0x1;
	s10 =	simm.s32 $0x4F00  }
0xc: {  	s3 =	sadd.s32 $0x20C00, s9;
	s4 =	sadd.s32 $0x2A840, s9;
	s9 =	simm.s32 $0x2780  }
.LBB2_1:
0xd: {  	[tilespmem:s2], [sflag:$0x1] =	stream.linear.gather [hbm4b:s3+s2], $0x2710, $0x38;
	[tilespmem:$0x9E00] =	vst v63  }
0xe: {  	_ = 	snop  }
0xf: {  	[tilespmem:s9], [sflag:$0x1] =	stream.linear.gather [hbm4b:s4+s2], $0x2710, $0x38;
	[tilespmem:$0x9E00] =	vst v63  }
0x10: {  	_ = 	snop  }
0x11: {  	[tilespmem:s10], [sflag:$0x1] =	stream.linear.gather [hbm4b:s5+s2], $0x2710, $0x38;
	[tilespmem:$0x9E00] =	vst v63  }
0x12: {  	_ = 	snop  }
0x13: {  	[tilespmem:s11], [sflag:$0x1] =	stream.linear.gather [hbm4b:s6+s2], $0x2710, $0x38;
	[tilespmem:$0x9E00] =	vst v63  }
0x14: {  	_ =	swait.ge [sflag:s12], $0x2710  }
0x15: {  	[sflag:s12] =	ssyncset.done $0x0  }
0x16: {  	[sflag:s12] =	ssyncadd.s32 $0xFFFFD8F0  }
0x17: {  	_ =	swait.ge [sflag:s12], $0x2710  }
0x18: {  	[sflag:s12] =	ssyncset.done $0x0  }
0x19: {  	[sflag:s12] =	ssyncadd.s32 $0xFFFFD8F0  }
0x1a: {  	_ =	swait.ge [sflag:s12], $0x2710  }
0x1b: {  	[sflag:s12] =	ssyncset.done $0x0  }
0x1c: {  	[sflag:s12] =	ssyncadd.s32 $0xFFFFD8F0  }
0x1d: {  	_ =	swait.ge [sflag:s12], $0x2710  }
0x1e: {  	[sflag:s12] =	ssyncset.done $0x0  }
0x1f: {  	s14 =	simm.s32 $0x0;
	[sflag:s12] =	ssyncadd.s32 $0xFFFFD8F0  }
0x20: {  	v0 =	vld [tilespmem:s14+$0x7680]  }
0x21: {  	v1 =	vld [tilespmem:s14+$0x4F00]  }
0x22: {  	v2 =	vld [tilespmem:s14+$0x0];
	_ =	sdelay $0x1  }
0x23: {  	v3 =	vld [tilespmem:s14+$0x2780]  }
0x24: {  	vm0 =	vgt.s32 v0, $0x0  }
0x25: {  	v0 =	vsel vm0, $0x0, v1  }
0x26: {  	v0 =	vadd.f32 v2, v0;
	_ =	sdelay $0x1  }
0x27: {  	v0 =	vadd.f32 v3, v0  }
0x28: {  	s16 =	simm.s32 $0x10;
	s15 =	simm.s32 $0x80  }
.LBB2_2:
0x29: {  	p0 =	sne.s32 s15, $0x9C00;
	v1 =	vld [tilespmem:s16+$0x7680];
	[tilespmem:s14+$0x4F00] =	vst v0;
	s14 =	smov.u32 s16  }
0x2a: {  	v0 =	vld [tilespmem:s14+$0x4F00]  }
0x2b: {  	v2 =	vld [tilespmem:s14+$0x0];
	_ =	sdelay $0x1  }
0x2c: {  	v3 =	vld [tilespmem:s14+$0x2780]  }
0x2d: {  	vm0 =	vgt.s32 v1, $0x0  }
.Ltmp0:
0x2e: {  	v0 =	vsel vm0, $0x0, v0;
	(pc) =	sbr.rel @p0 .LBB2_2-.Ltmp0, $3  }
0x2f: {  	v0 =	vadd.f32 v2, v0;
	_ =	sdelay $0x1  }
0x30: {  	v0 =	vadd.f32 v3, v0  }
0x31: {  	s16 =	sshra.s32 s15, $0x2;
	s15 =	sadd.s32 $0x40, s15  }
0x32: {  	v1 =	vld [tilespmem:s16+$0x7680];
	[tilespmem:s14+$0x4F00] =	vst v0  }
0x33: {  	v0 =	vld [tilespmem:s16+$0x4F00]  }
0x34: {  	v2 =	vld [tilespmem:s16+$0x0];
	_ =	sdelay $0x1  }
0x35: {  	v3 =	vld [tilespmem:s16+$0x2780]  }
0x36: {  	vm0 =	vgt.s32 v1, $0x0  }
0x37: {  	v0 =	vsel vm0, $0x0, v0  }
0x38: {  	v0 =	vadd.f32 v2, v0;
	_ =	sdelay $0x1  }
0x39: {  	s13 =	sadd.s32 $0x1, s13;
	v0 =	vadd.f32 v3, v0  }
0x3a: {  	p0 =	sne.s32 s13, s8  }
.Ltmp1:
0x3b: {  	[tilespmem:s16+$0x4F00] =	vst v0;
	(pc) =	sbr.rel @p0 .LBB2_1-.Ltmp1, $4  }
0x3c: {  	[hbm4b:s7+s2] =	stream.linear.scatter [tilespmem:s10], [sflag:$0x1], $0x2710, $0x38;
	[tilespmem:$0x9E00] =	vst v63  }
0x3d: {  	_ =	swait.ge [sflag:s12], $0x2710  }
0x3e: {  	[sflag:s12] =	ssyncset.done $0x0  }
0x3f: {  	[sflag:s12] =	ssyncadd.s32 $0xFFFFD8F0  }
0x40: {  	_ =	sfence.sel $0x180000  }
0x41: {  	[bflag:$0x0] =	sbarrier.arrive $0xFFFF  }
0x42: {  	p0 =	sne.s32 s0, $0x0;
	_ =	strace $0x90000053  }
0x43: {  	s0 =	sadd.s32 @!p0 $0x100000, s1;
	[bflag:$0x2] =	sbarrier.arrive $0xFFFF  }
0x44: {  	[sflag:s0] =	ssyncadd.tile.s32 @!p0 $0x1;
	_ =	shalt  }
.Lfunc_end2:
_tile_overlayer_lowered:
.L_overlay_start_2:
0x45: {  	(tag) =	ssettag $0x2  }
0x46: {  	s0 =	rddreg [dreg:$0x0];
	s2 =	stileid.u32  }
0x47: {  	s1 =	rddreg [dreg:$0x1];
	p0 =	sne.s32 s2, $0x0  }
0x48: {  	s3 =	rddreg [dreg:$0x2];
	[bflag:$0x3] =	sbarrier.arrive $0xFFFF;
	s2 =	simm.s32 @!p0 $0x1C02  }
0x49: {  	[timem:s3], [sflag:s2] =	dma.local @!p0 [hbm:s0], s1  }
0x4a: {  	s0 =	simm.s32 @!p0 $0x2  }
0x4b: {  	_ =	swait.ge @!p0 [sflag:s0], s1  }
0x4c: {  	s1 =	ssub.s32 @!p0 $0x0, s1;
	[sflag:s0] =	ssyncset.done @!p0 $0x0  }
0x4d: {  	[sflag:s0] =	ssyncadd.s32 @!p0 s1  }
0x4e: {  	[bflag:$0x3] =	sbarrier.arrive $0xFFFF  }
0x4f: {  	_ =	shalt  }

// kernel: _run.9.cloned.1.call-start
scs
__scs_entry_jumppad:
0x0: {  	(pc) =	sbr.rel $0x88, $3  }
0x1: {  	(tag) =	ssettag $0x0;
	lr =	simm.s32 $0x1  }
0x2: {  	[smem:$0x3F85] =	sst lr;
	_ =	strace $0xD0000000  }
0x3: {  	_ = 	snop  }
0x4: {  	_ = 	snop  }
0x5: {  	_ = 	snop  }
0x6: {  	_ = 	snop  }
0x7: {  	_ = 	snop  }
__scs_overlays_trampoline_lowered:
0x8: {  	[smem:$0x3F94] =	sst s0  }
0x9: {  	[smem:$0x3F95] =	sst s1  }
0xa: {  	[smem:$0x3F96] =	sst s2  }
0xb: {  	[smem:$0x3F97] =	sst s3  }
0xc: {  	[smem:$0x3F98] =	sst s4  }
0xd: {  	[smem:$0x3F99] =	sst s5  }
0xe: {  	[smem:$0x3F9A] =	sst s6  }
0xf: {  	[smem:$0x3F9B] =	sst s7  }
0x10: {  	[smem:$0x3F9C] =	sst s8  }
0x11: {  	[smem:$0x3F9D] =	sst s9;
	s0 =	simm.s32 @!p0 $0x0  }
0x12: {  	s1 =	sld [smem:$0x3F83];
	s0 =	simm.s32 @p0 $0x1  }
0x13: {  	[smem:$0x3F9E] =	sst s0;
	s0 =	simm.s32 @!p1 $0x0  }
0x14: {  	s2 =	sld [smem:$0x3F82];
	s0 =	simm.s32 @p1 $0x1  }
0x15: {  	[smem:$0x3F9F] =	sst s0;
	s0 =	simm.s32 @!p2 $0x0  }
0x16: {  	s3 =	sld [smem:$0x3FDB];
	s0 =	simm.s32 @p2 $0x1  }
0x17: {  	s4 =	simm.s32 $0x1BF5;
	[smem:$0x3FA1] =	sst s0  }
0x18: {  	s0 =	sld [smem:$0x3F84];
	_ =	swait.ge [sflag:s4], $0x0  }
0x19: {  	s7 =	sld [smem:$0x3F85]  }
0x1a: {  	s8 =	sadd.s32 $0xFFFFE003, lr  }
0x1b: {  	s9 =	sadd.s32 $0xFFFFFEF7, lr;
	s5 =	simm.s32 $0xFFFFFFFF;
	p2 =	slt.u32 s8, $0xFFFFF086  }
0x1c: {  	p1 =	slt.u32 s9, $0xF7A;
	s5 =	simm.s32 @!p2 $0x0  }
0x1d: {  	s5 =	simm.s32 @p1 $0x1;
	p0 =	seq.s32 s7, s2  }
0x1e: {  	s7 =	smul.u32 @!p0 $0xF7A, s2;
	p2 =	seq.s32 @!p0 s5, $0x0  }
0x1f: {  	s9 =	smul.u32 $0xF7A, s1;
	s8 =	simm.s32 @!p0 $0x1BF5;
	p2 =	por !p2, p0  }
0x20: {  	[sflag:s8] =	ssyncset.s32 @!p0 $0xFFFFF086;
	s6 =	sadd.s32 @!p0 s3, s7;
	s7 =	simm.s32 @!p0 $0x108  }
0x21: {  	s3 =	sadd.s32 s3, s9;
	s6 =	sadd.s32 @!p0 $0x88, s6;
	s7 =	simm.s32 @p2 $0x1082  }
0x22: {  	[simem:s7], [sflag:s8] =	dma.local @!p0 [hbm:s6], $0xF7A  }
0x23: {  	s9 =	sor.u32 $0xD0000000, s2;
	s6 =	simm.s32 $0x108;
	_ =	swait.ge @!p0 [sflag:s8], $0x0  }
0x24: {  	s3 =	sadd.s32 $0x88, s3;
	s6 =	simm.s32 @!p1 $0x1082;
	[sflag:s4] =	ssyncset.s32 $0xFFFFF086  }
0x25: {  	[simem:s6], [sflag:s4] =	dma.local [hbm:s3], $0xF7A  }
0x26: {  	[smem:$0x3F85] =	sst s1;
	(tag) =	ssettag s2;
	_ =	strace s9  }
0x27: {  	s1 =	sld [smem:$0x3F95]  }
0x28: {  	s2 =	sld [smem:$0x3F96]  }
0x29: {  	s4 =	sld [smem:$0x3F98]  }
0x2a: {  	p0 =	seq.s32 s5, $0x0;
	s5 =	sld [smem:$0x3F99]  }
0x2b: {  	s6 =	sld [smem:$0x3F9A]  }
0x2c: {  	s7 =	sld [smem:$0x3F9B]  }
0x2d: {  	s3 =	simm.s32 $0x108;
	s8 =	sld [smem:$0x3F9C]  }
0x2e: {  	s3 =	simm.s32 @!p0 $0x1082;
	s9 =	sld [smem:$0x3F9D]  }
0x2f: {  	lr =	sadd.s32 s0, s3;
	s0 =	sld [smem:$0x3F94]  }
0x30: {  	s3 =	sld [smem:$0x3F97]  }
0x31: {  	[smem:$0x3FA0] =	sst s10  }
0x32: {  	s10 =	sld [smem:$0x3F9E];
	_ =	sdelay $0x3  }
0x33: {  	p0 =	seq.s32 s10, $0x1;
	s10 =	sld [smem:$0x3FA0];
	_ =	sdelay $0x3  }
0x34: {  	[smem:$0x3FA0] =	sst s10  }
0x35: {  	s10 =	sld [smem:$0x3F9F];
	_ =	sdelay $0x3  }
0x36: {  	p1 =	seq.s32 s10, $0x1;
	s10 =	sld [smem:$0x3FA0];
	_ =	sdelay $0x3  }
0x37: {  	[smem:$0x3FA0] =	sst s10  }
0x38: {  	s10 =	sld [smem:$0x3FA1]  }
0x39: {  	_ = 	snop;
	(pc) =	sbr.ind lr, $3  }
0x3a: {  	_ = 	snop  }
0x3b: {  	_ = 	snop  }
0x3c: {  	p2 =	seq.s32 s10, $0x1;
	s10 =	sld [smem:$0x3FA0]  }
0x3d: {  	_ =	shalt  }
0x3e: {  	_ =	shalt  }
0x3f: {  	_ =	shalt  }
0x40: {  	_ =	shalt  }
0x41: {  	_ =	shalt  }
0x42: {  	_ =	shalt  }
0x43: {  	_ =	shalt  }
0x44: {  	_ =	shalt  }
0x45: {  	_ =	shalt  }
0x46: {  	_ =	shalt  }
0x47: {  	_ =	shalt  }
0x48: {  	_ =	shalt  }
0x49: {  	_ =	shalt  }
0x4a: {  	_ =	shalt  }
0x4b: {  	_ =	shalt  }
0x4c: {  	_ =	shalt  }
0x4d: {  	_ =	shalt  }
0x4e: {  	_ =	shalt  }
0x4f: {  	_ =	shalt  }
0x50: {  	_ =	shalt  }
0x51: {  	_ =	shalt  }
0x52: {  	_ =	shalt  }
0x53: {  	_ =	shalt  }
0x54: {  	_ =	shalt  }
0x55: {  	_ =	shalt  }
0x56: {  	_ =	shalt  }
0x57: {  	_ =	shalt  }
0x58: {  	_ =	shalt  }
0x59: {  	_ =	shalt  }
0x5a: {  	_ =	shalt  }
0x5b: {  	_ =	shalt  }
0x5c: {  	_ =	shalt  }
0x5d: {  	_ =	shalt  }
0x5e: {  	_ =	shalt  }
0x5f: {  	_ =	shalt  }
0x60: {  	_ =	shalt  }
0x61: {  	_ =	shalt  }
0x62: {  	_ =	shalt  }
0x63: {  	_ =	shalt  }
0x64: {  	_ =	shalt  }
0x65: {  	_ =	shalt  }
0x66: {  	_ =	shalt  }
0x67: {  	_ =	shalt  }
0x68: {  	_ =	shalt  }
0x69: {  	_ =	shalt  }
0x6a: {  	_ =	shalt  }
0x6b: {  	_ =	shalt  }
0x6c: {  	_ =	shalt  }
0x6d: {  	_ =	shalt  }
0x6e: {  	_ =	shalt  }
0x6f: {  	_ =	shalt  }
0x70: {  	_ =	shalt  }
0x71: {  	_ =	shalt  }
0x72: {  	_ =	shalt  }
0x73: {  	_ =	shalt  }
0x74: {  	_ =	shalt  }
0x75: {  	_ =	shalt  }
0x76: {  	_ =	shalt  }
0x77: {  	_ =	shalt  }
0x78: {  	_ =	shalt  }
0x79: {  	_ =	shalt  }
0x7a: {  	_ =	shalt  }
0x7b: {  	_ =	shalt  }
0x7c: {  	_ =	shalt  }
0x7d: {  	_ =	shalt  }
0x7e: {  	_ =	shalt  }
0x7f: {  	_ =	shalt  }
0x80: {  	_ =	shalt  }
0x81: {  	_ =	shalt  }
0x82: {  	_ =	shalt  }
0x83: {  	_ =	shalt  }
0x84: {  	_ =	shalt  }
0x85: {  	_ =	shalt  }
0x86: {  	_ =	shalt  }
0x87: {  	_ =	shalt  }
.Lfunc_end0:
.L_simem_size_0:
called_computation_lowered:
.L_overlay_start_0:
0x88: {  	s2 =	sld [smem:$0x3FD9]  }
0x89: {  	s3 =	sld [smem:$0x3FFE];
	_ =	sdelay $0x1  }
0x8a: {  	s1 =	srdreg.scid  }
0x8b: {  	s0 =	sand.u32 $0x1, s1  }
0x8c: {  	s14 =	sshll.u32 s0, $0xA;
	s2 =	sadd.s32 s3, s2  }
0x8d: {  	s2 =	sadd.s32 s2, s14  }
0x8e: {  	[smem:$0x3FAC] =	sst s2  }
0x8f: {  	_ = 	snop  }
0x90: {  	s2 =	sld [smem:$0x3FD0];
	_ =	sdelay $0x2  }
0x91: {  	s4 =	simm.s32 $0xA;
	s5 =	simm.s32 $0x10;
	s15 =	sld [smem:$0x3FC9]  }
0x92: {  	[smem:s5], [sflag:s4] =	dma.local [hbm:s2], $0x1  }
0x93: {  	_ =	swait.eq [sflag:s4], $0x1  }
0x94: {  	[sflag:s4] =	ssyncset.done $0x0  }
0x95: {  	[sflag:s4] =	ssyncadd.s32 $0xFFFFFFFF  }
0x96: {  	s16 =	sld [smem:$0x10];
	(tm) =	ssettm $0x1  }
0x97: {  	s17 =	sld [smem:$0x3FFB];
	_ =	sdelay $0x3  }
0x98: {  	_ =	strace s17  }
0x99: {  	s4 =	sld [smem:$0x3FFC];
	_ =	sdelay $0x3  }
0x9a: {  	_ =	strace s4  }
0x9b: {  	s4 =	sld [smem:$0x3FFD];
	_ =	sdelay $0x3  }
0x9c: {  	_ =	strace s4  }
0x9d: {  	_ =	strace $0x8FFFFFFF  }
0x9e: {  	s18 =	sld [smem:$0x3FDB];
	_ =	sdelay $0x1  }
0x9f: {  	s19 =	simm.s32 $_scs_section_size  }
0xa0: {  	s6 =	simm.s32 $_size__tile_overlayer_lowered;
	s7 =	simm.s32 $_tile_overlayer_lowered  }
0xa1: {  	s22 =	simm.s32 $0x1BFF;
	s21 =	sshll.u32 s7, $0x1;
	s4 =	sadd.s32 s19, s18  }
0xa2: {  	s8 =	simm.s32 $0x0;
	s20 =	sshll.u32 s6, $0x1;
	s6 =	sadd.s32 s21, s4  }
0xa3: {  	[timem:s8], [sflag:s22] =	dma.local [hbm:s6], s20  }
0xa4: {  	_ =	swait.ge [sflag:s22], s20  }
0xa5: {  	s5 =	ssub.s32 $0x0, s20;
	[sflag:s22] =	ssyncset.done $0x0  }
0xa6: {  	[sflag:s22] =	ssyncadd.s32 s5;
	_ =	sdelay $0x1  }
0xa7: {  	s23 =	simm.s32 $0x1B8B  }
0xa8: {  	_ =	swait.ge [sflag:s23], $0x1  }
0xa9: {  	[sflag:s23] =	ssyncset.done $0x0  }
0xaa: {  	s25 =	simm.s32 $0x1B8E;
	s24 =	sld [smem:$0x3FFE];
	[sflag:s23] =	ssyncadd.s32 $0xFFFFFFFF  }
0xab: {  	s26 =	simm.s32 $execute0_lowered;
	[smem:$0x3FD2] =	sst s25  }
0xac: {  	s6 =	sshll.u32 s26, $0x1;
	_ =	strace $0x80000046;
	[dreg:$0x1] =	wrdreg $0xFFFFFFFF  }
0xad: {  	s28 =	simm.s32 $_size_execute0_lowered;
	s4 =	sadd.s32 s4, s6;
	[dreg:$0x0] =	wrdreg $0x0  }
0xae: {  	s6 =	sshll.u32 s28, $0x1;
	[dreg:$0x2] =	wrdreg s4  }
0xaf: {  	[dreg:$0x3] =	wrdreg s6  }
0xb0: {  	[dreg:$0x4] =	wrdreg $0xC0  }
0xb1: {  	_ =	task [dreg:s8], $0x5FFFF  }
0xb2: {  	[dreg:$0x1] =	wrdreg $0xFFFFFFFF  }
0xb3: {  	[dreg:$0x0] =	wrdreg $0x60  }
0xb4: {  	[dreg:$0x2] =	wrdreg s24  }
0xb5: {  	[dreg:$0x3] =	wrdreg s15  }
0xb6: {  	[dreg:$0x4] =	wrdreg s16  }
0xb7: {  	[dreg:$0x5] =	wrdreg $0x102800  }
0xb8: {  	[dreg:$0x6] =	wrdreg $0x150A00  }
0xb9: {  	[dreg:$0x7] =	wrdreg $0x9  }
0xba: {  	_ =	task.clear_ibuf [dreg:s8], $0x8FFFF;
	_ =	strace $0x90000046  }
0xbb: {  	s29 =	simm.s32 $0x9;
	_ =	strace $0x80000048  }
0xbc: {  	_ =	swait.ge [sflag:s29], $0x1  }
0xbd: {  	[sflag:s29] =	ssyncadd.s32 $0xFFFFFFFF  }
0xbe: {  	_ =	strace $0x90000048  }
0xbf: {  	_ =	sfence  }
0xc0: {  	s30 =	sld [smem:$0x0];
	_ =	sdelay $0x2  }
0xc1: {  	s31 =	sshll.u32 s1, $0xD;
	s1 =	sshrl.u32 s1, $0x2  }
0xc2: {  	s3 =	sand.u32 $0x4000, s31;
	s1 =	sadd.s32 s1, s30  }
0xc3: {  	s0 =	sor.u32 s3, s0;
	s1 =	sshll.u32 s1, $0x11  }
0xc4: {  	s0 =	sor.u32 s1, s0  }
0xc5: {  	s0 =	sadd.s32 $0x8F2B, s0  }
0xc6: {  	[sflag:s0] =	ssyncadd.remote.s32 $0x1  }
0xc7: {  	_ =	sfence.sel $0xFFFF  }
0xc8: {  	[dreg:$0x0] =	wrdreg $0xFFFFFFFF;
	(pc) =	sbr.abs _section_cstart, $3  }
0xc9: {  	[dreg:$0x1] =	wrdreg $0xFFFFFFFF  }
0xca: {  	_ =	task.clear_ibuf [dreg:s8], $0x2FFFF;
	_ =	strace $0x9FFFFFFF  }
0xcb: {  	(tm) =	ssettm $0x7FFFFFFF  }
tec
execute0_lowered:
.L_overlay_start_1:
0x0: {  	(tag) =	ssettag $0x1  }
0x1: {  	s5 =	rddreg [dreg:$0x0]  }
0x2: {  	s6 =	rddreg [dreg:$0x1]  }
0x3: {  	s8 =	rddreg [dreg:$0x2]  }
0x4: {  	s1 =	srdreg.scid;
	s2 =	rddreg [dreg:$0x3]  }
0x5: {  	s0 =	stileid.u32;
	s3 =	rddreg [dreg:$0x4]  }
0x6: {  	s4 =	simm.s32 $0x0;
	s13 =	simm.s32 $0xB400;
	s14 =	simm.s32 $0x2  }
0x7: {  	s15 =	simm.s32 $0x3;
	s16 =	simm.s32 $0x1;
	s17 =	simm.s32 $0x80  }
0x8: {  	s18 =	simm.s32 $0x3C00;
	s19 =	simm.s32 $0x7800;
	s20 =	simm.s32 $0x0  }
0x9: {  	s7 =	sand.u32 $0x1, s1;
	s29 =	sshll.u32 s0, $0x1;
	[smem:$0x7FF] =	sst s4  }
0xa: {  	s10 =	smul.u32 $0x4E20, s0;
	s9 =	sor.u32 s7, s29;
	s7 =	ssub.s32 $0x2, s7  }
0xb: {  	s1 =	rddreg [dreg:$0x5];
	_ =	strace $0x80000047;
	s30 =	sshrl.u32 s7, $0x1  }
0xc: {  	s9 =	smul.u32 $0x780, s9;
	s31 =	sshrl.u32 s10, $0x3;
	s12 =	ssub.s32 s7, s30  }
0xd: {  	s6 =	sadd.s32 s6, s31;
	s7 =	sadd.s32 s10, s2;
	s8 =	sadd.s32 s8, s31  }
0xe: {  	s11 =	sadd.s32 s9, s5;
	s9 =	sadd.s32 s10, s3;
	s12 =	smax.u32 s12, $0x1  }
0xf: {  	s5 =	sadd.s32 $0x2C00, s11;
	s10 =	sadd.s32 $0x11C00, s11;
	s11 =	sadd.s32 $0x20C00, s11  }
.LBB2_1:
0x10: {  	[tilespmem:s4], [sflag:$0x1] =	stream.linear.gather [hbm4b:s5+s4], $0x3B00, $0x38;
	[tilespmem:$0x19EC0] =	vst v63  }
0x11: {  	_ = 	snop  }
0x12: {  	[tilespmem:s13], [sflag:$0x2] =	stream.linear.gather [hbm4b:s6+s4], $0x4E20, $0x38;
	[tilespmem:$0x19EC0] =	vst v63  }
0x13: {  	_ =	swait.ge [sflag:s14], $0x4E20  }
0x14: {  	[sflag:s14] =	ssyncset.done $0x0  }
0x15: {  	[sflag:s14] =	ssyncadd.s32 $0xFFFFB1E0  }
0x16: {  	[spmem:s7] =	stream.linear.scatter [tilespmem:s13], [sflag:$0x2], $0x4E20, $0x38;
	[tilespmem:$0x19EC0] =	vst v63  }
0x17: {  	_ =	swait.ge [sflag:s14], $0x4E20  }
0x18: {  	[sflag:s14] =	ssyncset.done $0x0  }
0x19: {  	[sflag:s14] =	ssyncadd.s32 $0xFFFFB1E0  }
0x1a: {  	[tilespmem:s13], [sflag:$0x3] =	stream.linear.gather [hbm4b:s8+s4], $0x4E20, $0x38;
	[tilespmem:$0x19EC0] =	vst v63  }
0x1b: {  	_ =	swait.ge [sflag:s15], $0x4E20  }
0x1c: {  	[sflag:s15] =	ssyncset.done $0x0  }
0x1d: {  	[sflag:s15] =	ssyncadd.s32 $0xFFFFB1E0  }
0x1e: {  	[spmem:s9] =	stream.linear.scatter [tilespmem:s13], [sflag:$0x3], $0x4E20, $0x38;
	[tilespmem:$0x19EC0] =	vst v63  }
0x1f: {  	_ =	swait.ge [sflag:s15], $0x4E20  }
0x20: {  	[sflag:s15] =	ssyncset.done $0x0  }
0x21: {  	[sflag:s15] =	ssyncadd.s32 $0xFFFFB1E0  }
0x22: {  	_ =	swait.ge [sflag:s16], $0x3B00  }
0x23: {  	[sflag:s16] =	ssyncset.done $0x0  }
0x24: {  	[sflag:s16] =	ssyncadd.s32 $0xFFFFC500  }
0x25: {  	[bflag:$0x0] =	sbarrier.arrive $0xFFFF  }
0x26: {  	[tilespmem:s18], [sflag:$0x2] =	stream.indirect.gather [spmem:s2], $0x1, s4, s17, $0xb8;
	[tilespmem:$0x19EC0] =	vst v63  }
0x27: {  	_ = 	snop  }
0x28: {  	[tilespmem:s19], [sflag:$0x3] =	stream.indirect.gather [spmem:s3], $0x1, s4, s17, $0xb8;
	[tilespmem:$0x19EC0] =	vst v63  }
0x29: {  	s21 =	simm.s32 $0x80;
	s22 =	simm.s32 $0x3C80  }
0x2a: {  	[tilespmem:s22], [sflag:$0x2] =	stream.indirect.gather [spmem:s2], $0x1, s21, s17, $0xb8;
	[tilespmem:$0x19EC0] =	vst v63  }
0x2b: {  	s31 =	simm.s32 $0x7880  }
0x2c: {  	[tilespmem:s31], [sflag:$0x3] =	stream.indirect.gather [spmem:s3], $0x1, s21, s17, $0xb8;
	[tilespmem:$0x19EC0] =	vst v63  }
0x2d: {  	_ =	swait.ge [sflag:s14], $0x80  }
0x2e: {  	[sflag:s14] =	ssyncset.done $0x0  }
0x2f: {  	[sflag:s14] =	ssyncadd.s32 $0xFFFFFF80  }
0x30: {  	_ =	swait.ge [sflag:s15], $0x80  }
0x31: {  	s22 =	simm.s32 $0x600;
	s21 =	simm.s32 $0x100;
	[sflag:s15] =	ssyncset.done $0x0  }
.LBB2_2:
0x32: {  	s23 =	sadd.s32 $0x3C00, s21  }
0x33: {  	[sflag:s15] =	ssyncadd.s32 $0xFFFFFF80;
	s24 =	smov.u32 s22;
	s25 =	sadd.s32 $0x200, s22  }
0x34: {  	[tilespmem:s23], [sflag:$0x2] =	stream.indirect.gather [spmem:s2], $0x1, s21, s17, $0xb8;
	[tilespmem:$0x19EC0] =	vst v63  }
0x35: {  	p0 =	sne.s32 s22, $0xEA00;
	s22 =	sadd.s32 $0x7800, s21  }
0x36: {  	[tilespmem:s22], [sflag:$0x3] =	stream.indirect.gather [spmem:s3], $0x1, s21, s17, $0xb8;
	[tilespmem:$0x19EC0] =	vst v63  }
.Ltmp0:
0x37: {  	_ =	swait.ge [sflag:s14], $0x80;
	(pc) =	sbr.rel @p0 .LBB2_2-.Ltmp0, $4  }
0x38: {  	[sflag:s14] =	ssyncset.done $0x0  }
0x39: {  	[sflag:s14] =	ssyncadd.s32 $0xFFFFFF80  }
0x3a: {  	_ =	swait.ge [sflag:s15], $0x80  }
0x3b: {  	s21 =	sshra.s32 s24, $0x2;
	s22 =	smov.u32 s25;
	[sflag:s15] =	ssyncset.done $0x0  }
0x3c: {  	s22 =	sadd.s32 $0x3C00, s21;
	[sflag:s15] =	ssyncadd.s32 $0xFFFFFF80  }
0x3d: {  	[tilespmem:s22], [sflag:$0x2] =	stream.indirect.gather [spmem:s2], $0x1, s21, s17, $0xb8;
	[tilespmem:$0x19EC0] =	vst v63  }
0x3e: {  	s31 =	sadd.s32 $0x7800, s21  }
0x3f: {  	[tilespmem:s31], [sflag:$0x3] =	stream.indirect.gather [spmem:s3], $0x1, s21, s17, $0xb8;
	[tilespmem:$0x19EC0] =	vst v63  }
0x40: {  	_ =	swait.ge [sflag:s14], $0x80  }
0x41: {  	[sflag:s14] =	ssyncset.done $0x0  }
0x42: {  	[sflag:s14] =	ssyncadd.s32 $0xFFFFFF80  }
0x43: {  	_ =	swait.ge [sflag:s15], $0x80  }
0x44: {  	[sflag:s15] =	ssyncset.done $0x0  }
0x45: {  	[sflag:s15] =	ssyncadd.s32 $0xFFFFFF80  }
0x46: {  	_ =	swait.ge [sflag:s14], $0x80  }
0x47: {  	[sflag:s14] =	ssyncset.done $0x0  }
0x48: {  	[sflag:s14] =	ssyncadd.s32 $0xFFFFFF80  }
0x49: {  	_ =	swait.ge [sflag:s15], $0x80  }
0x4a: {  	[sflag:s15] =	ssyncset.done $0x0  }
0x4b: {  	[sflag:s15] =	ssyncadd.s32 $0xFFFFFF80  }
0x4c: {  	[hbm4b:s10+s4] =	stream.linear.scatter [tilespmem:s18], [sflag:$0x2], $0x3B00, $0x38;
	[tilespmem:$0x19EC0] =	vst v63  }
0x4d: {  	s20 =	sadd.s32 $0x1, s20;
	_ =	swait.ge [sflag:s14], $0x3B00  }
0x4e: {  	p0 =	sne.s32 s20, s12;
	[sflag:s14] =	ssyncset.done $0x0  }
.Ltmp1:
0x4f: {  	[sflag:s14] =	ssyncadd.s32 $0xFFFFC500;
	(pc) =	sbr.rel @p0 .LBB2_1-.Ltmp1, $4  }
0x50: {  	[hbm4b:s11+s4] =	stream.linear.scatter [tilespmem:s19], [sflag:$0x3], $0x3B00, $0x38;
	[tilespmem:$0x19EC0] =	vst v63  }
0x51: {  	_ =	swait.ge [sflag:s15], $0x3B00  }
0x52: {  	[sflag:s15] =	ssyncset.done $0x0  }
0x53: {  	[sflag:s15] =	ssyncadd.s32 $0xFFFFC500  }
0x54: {  	_ =	sfence.sel $0x180000  }
0x55: {  	[bflag:$0x0] =	sbarrier.arrive $0xFFFF  }
0x56: {  	p0 =	sne.s32 s0, $0x0;
	_ =	strace $0x90000047  }
0x57: {  	s0 =	sadd.s32 @!p0 $0x100000, s1;
	[bflag:$0x2] =	sbarrier.arrive $0xFFFF  }
0x58: {  	[sflag:s0] =	ssyncadd.tile.s32 @!p0 $0x1;
	_ =	shalt  }
.Lfunc_end2:
_tile_overlayer_lowered:
.L_overlay_start_2:
0x59: {  	(tag) =	ssettag $0x2  }
0x5a: {  	s0 =	rddreg [dreg:$0x0];
	s2 =	stileid.u32  }
0x5b: {  	s1 =	rddreg [dreg:$0x1];
	p0 =	sne.s32 s2, $0x0  }
0x5c: {  	s3 =	rddreg [dreg:$0x2];
	[bflag:$0x3] =	sbarrier.arrive $0xFFFF;
	s2 =	simm.s32 @!p0 $0x1C04  }
0x5d: {  	[timem:s3], [sflag:s2] =	dma.local @!p0 [hbm:s0], s1  }
0x5e: {  	s0 =	simm.s32 @!p0 $0x4  }
0x5f: {  	_ =	swait.ge @!p0 [sflag:s0], s1  }
0x60: {  	s1 =	ssub.s32 @!p0 $0x0, s1;
	[sflag:s0] =	ssyncset.done @!p0 $0x0  }
0x61: {  	[sflag:s0] =	ssyncadd.s32 @!p0 s1  }
0x62: {  	[bflag:$0x3] =	sbarrier.arrive $0xFFFF  }
0x63: {  	_ =	shalt  }

</sc_bundles>
